<compile_context>
chip_gen: v7x
topology: tpu7x:2x2x1
jax: 0.10.2.dev20260603
libtpu: 0.0.44.dev20260713+nightly
codegen_flags: <defaults>
</compile_context>

<pallas_src>
import jax
import jax.numpy as jnp
from jax.experimental import pallas as pl
from jax.experimental.pallas import tpu as pltpu
from jax.experimental.pallas import tpu_sc as plsc

B, T, D = 4, 8192, 768
E = 8
TOP_K = 2
CITY_DIM = 32

BLK = 2048
CHK = 512
LANES = 16

NEG = -1e30


def _logits_body(mh_ref, dt_ref, dd_ref, rg_ref, de_ref, w_ref, cb_ref, lt_ref):
    acc = jnp.dot(mh_ref[0], jnp.transpose(w_ref[:, 0:768]),
                  preferred_element_type=jnp.float32)
    lt = jnp.transpose(acc)
    lt += jnp.dot(w_ref[:, 800:992], dt_ref[0],
                  preferred_element_type=jnp.float32)
    lt += jnp.dot(w_ref[:, 992:1184], dd_ref[0],
                  preferred_element_type=jnp.float32)
    lt += jnp.dot(w_ref[:, 1184:1280], rg_ref[0],
                  preferred_element_type=jnp.float32)
    lt += jnp.dot(w_ref[:, 1280:1376], de_ref[0],
                  preferred_element_type=jnp.float32)
    lt_ref[...] = lt + cb_ref[...]


def _run_logits(mh, dtT, ddT, rgT, deT, w, cb):
    grid = (B, T // BLK)
    tok = lambda b, i: (b, i, 0)
    feat = lambda b, i: (b, 0, i)
    fixed = lambda b, i: (0, 0)
    return pl.pallas_call(
        _logits_body,
        grid=grid,
        in_specs=[
            pl.BlockSpec((1, BLK, D), tok),
            pl.BlockSpec((1, D // 4, BLK), feat),
            pl.BlockSpec((1, D // 4, BLK), feat),
            pl.BlockSpec((1, D // 8, BLK), feat),
            pl.BlockSpec((1, D // 8, BLK), feat),
            pl.BlockSpec(w.shape, fixed),
            pl.BlockSpec(cb.shape, fixed),
        ],
        out_specs=pl.BlockSpec((E, BLK), lambda b, i: (b, i)),
        out_shape=jax.ShapeDtypeStruct((B * E, T), jnp.float32),
        compiler_params=pltpu.CompilerParams(
            dimension_semantics=("arbitrary", "arbitrary"),
        ),
    )(mh, dtT, ddT, rgT, deT, w, cb)


def _route_block(lg_vmem, r_vmem, i_vmem, g_vmem):
    @pl.loop(0, CHK, step=LANES)
    def _(c):
        sl = lambda e: (pl.ds(e, 1), pl.ds(c, LANES))
        l = [lg_vmem.at[*sl(e)][...] for e in range(E)]

        m1 = l[0]
        for e in range(1, E):
            m1 = jnp.maximum(m1, l[e])
        idx1 = jnp.full((1, LANES), float(E - 1), jnp.float32)
        for e in range(E - 2, -1, -1):
            idx1 = jnp.where(l[e] == m1, float(e), idx1)

        negv = jnp.full((1, LANES), NEG, jnp.float32)
        l2 = [jnp.where(idx1 == float(e), negv, l[e]) for e in range(E)]
        m2 = l2[0]
        for e in range(1, E):
            m2 = jnp.maximum(m2, l2[e])
        idx2 = jnp.full((1, LANES), float(E - 1), jnp.float32)
        for e in range(E - 2, -1, -1):
            idx2 = jnp.where(l2[e] == m2, float(e), idx2)

        ex = [jnp.exp(l[e] - m1) for e in range(E)]
        s = ex[0]
        for e in range(1, E):
            s = s + ex[e]
        rs = 1.0 / s

        e2 = jnp.exp(m2 - m1)
        p1 = 1.0 / (1.0 + e2)
        p2 = 1.0 - p1
        zero = jnp.zeros((1, LANES), jnp.float32)
        for e in range(E):
            g_vmem.at[*sl(e)][...] = ex[e] * rs
            r_vmem.at[*sl(e)][...] = jnp.where(
                idx1 == float(e), p1, jnp.where(idx2 == float(e), p2, zero))
        i_vmem.at[*sl(0)][...] = idx1.astype(jnp.int32)
        i_vmem.at[*sl(1)][...] = idx2.astype(jnp.int32)


def _sc_route(lg):
    mesh = plsc.VectorSubcoreMesh(core_axis_name="c", subcore_axis_name="s")

    @pl.kernel(
        out_type=[
            jax.ShapeDtypeStruct((B * E, T), jnp.float32),
            jax.ShapeDtypeStruct((B * TOP_K, T), jnp.int32),
            jax.ShapeDtypeStruct((B * E, T), jnp.float32),
        ],
        mesh=mesh,
    )
    def sck(lg_hbm, r_hbm, i_hbm, g_hbm):
        pltpu.emit_pipeline(
            _route_block,
            grid=(B, T // CHK),
            in_specs=[pl.BlockSpec((E, CHK), lambda b, c: (b, c))],
            out_specs=[
                pl.BlockSpec((E, CHK), lambda b, c: (b, c)),
                pl.BlockSpec((TOP_K, CHK), lambda b, c: (b, c)),
                pl.BlockSpec((E, CHK), lambda b, c: (b, c)),
            ],
            core_axis_name=("c", "s"),
            dimension_semantics=(pltpu.PARALLEL, pltpu.PARALLEL),
        )(lg_hbm, r_hbm, i_hbm, g_hbm)

    return sck(lg)


@jax.jit
def _run(mh, dtT, ddT, rgT, deT, w, cb):
    lg = _run_logits(mh, dtT, ddT, rgT, deT, w, cb)
    routerF, idxF, gateF = _sc_route(lg)
    swap = lambda a: jnp.transpose(a, (0, 2, 1))
    return (swap(routerF.reshape(B, E, T)),
            swap(idxF.reshape(B, TOP_K, T)),
            swap(gateF.reshape(B, E, T)))


def kernel(mh_output, delta_t_info, delta_dis_info, delta_rg_info,
           delta_entropy_info, city_embeddings, W_topk, b_topk, city):
    cb = (city_embeddings[city] @ W_topk[D:D + CITY_DIM, :] + b_topk).reshape(E, 1)
    swap = lambda a: jnp.transpose(a, (0, 2, 1))
    return _run(mh_output, swap(delta_t_info), swap(delta_dis_info),
                swap(delta_rg_info), swap(delta_entropy_info),
                jnp.transpose(W_topk), cb)

# --- scband reference (transcript-rebuilt; emitter-appended) ---
"""Pipeline reference for scband-noisy-topk-router-8461085573276 (READ-ONLY COPY).

The authoritative reference and input builder live on the scoring server;
editing this copy changes nothing except your own understanding.
"""

import jax, jax.numpy as jnp
import numpy as np

B, T, D = 4, 8192, 768
E = 8
TOP_K = 2
N_CITIES = 10
CITY_DIM = 32
LINEAR_SIZE = D + CITY_DIM + D // 4 + D // 4 + D // 8 + D // 8  # 1376


def setup_inputs(seed: int = 0) -> dict:
    key = jax.random.key(seed)
    ks = jax.random.split(key, 8)
    inp = {
        "mh_output": jax.random.normal(ks[0], (B, T, D), dtype=jnp.float32),
        "delta_t_info": jax.random.normal(ks[1], (B, T, D // 4), dtype=jnp.float32),
        "delta_dis_info": jax.random.normal(ks[2], (B, T, D // 4), dtype=jnp.float32),
        "delta_rg_info": jax.random.normal(ks[3], (B, T, D // 8), dtype=jnp.float32),
        "delta_entropy_info": jax.random.normal(ks[4], (B, T, D // 8), dtype=jnp.float32),
        "city_embeddings": jax.random.normal(ks[5], (N_CITIES, CITY_DIM), dtype=jnp.float32),
        "W_topk": jax.random.normal(ks[6], (LINEAR_SIZE, E), dtype=jnp.float32) * 0.02,
        "b_topk": jnp.zeros((E,), dtype=jnp.float32),
        "city": 1,
    }
    return inp


def reference(mh_output, delta_t_info, delta_dis_info, delta_rg_info, delta_entropy_info,
              city_embeddings, W_topk, b_topk, city):
    # eval-mode forward (self.training == False, so no noise branch)
    b, t, _ = mh_output.shape
    city_embed = city_embeddings[city]  # [32]
    city_embeds = jnp.broadcast_to(city_embed[None, None, :], (b, t, CITY_DIM))
    x = jnp.concatenate([mh_output, city_embeds, delta_t_info, delta_dis_info,
                         delta_rg_info, delta_entropy_info], axis=-1)  # [B, T, 1376]
    logits = x @ W_topk + b_topk  # [B, T, E]
    noisy_logits = logits
    gate1 = jax.nn.softmax(noisy_logits, axis=-1)
    top_k_logits, indices = jax.lax.top_k(noisy_logits, TOP_K)  # [B,T,k]
    n = b * t
    flat_sparse = jnp.full((n, E), -jnp.inf, dtype=noisy_logits.dtype)
    rows = jnp.arange(n)[:, None]
    flat_sparse = flat_sparse.at[rows, indices.reshape(n, TOP_K)].set(
        top_k_logits.reshape(n, TOP_K))
    sparse_logits = flat_sparse.reshape(b, t, E)
    router_output = jax.nn.softmax(sparse_logits, axis=-1)
    return (router_output, indices, gate1)

if __name__ == "__main__":
    import jax
    _d = setup_inputs()
    print(jax.jit(kernel)(*tuple(_d.values())))

</pallas_src>

<mosaic_0001>
#map = affine_map<(d0, d1) -> (0, 0)>
module attributes {stable_mosaic.version = 14 : i64} {
  func.func @sck(%arg0: i32, %arg1: i32, %arg2: memref<32x8192xf32, #tpu.memory_space<hbm>>, %arg3: memref<32x8192xf32, #tpu.memory_space<hbm>>, %arg4: memref<8x8192xi32, #tpu.memory_space<hbm>>, %arg5: memref<32x8192xf32, #tpu.memory_space<hbm>>) attributes {dimension_semantics = [#tpu.dimension_semantics<core_parallel>, #tpu.dimension_semantics<subcore_parallel>], iteration_bounds = array<i64: 2, 16>, scalar_prefetch = 0 : i64, scratch_operands = 0 : i64, tpu.core_type = #tpu.core_type<sc_vector_subcore>, window_params = [{transform_indices = #map}, {transform_indices = #map}, {transform_indices = #map}, {transform_indices = #map}]} {
    %mul3A = arith.constant 1 : i32
    %mul3A_0 = arith.muli %arg1, %mul3A : i32
    %add3A = arith.constant 0 : i32
    %add3A_1 = arith.addi %add3A, %mul3A_0 : i32
    %mul3A_2 = arith.constant 16 : i32
    %mul3A_3 = arith.muli %arg0, %mul3A_2 : i32
    %add3A_4 = arith.addi %add3A_1, %mul3A_3 : i32
    %lt3A = arith.constant 16 : i32
    %lt3A_5 = arith.cmpi slt, %add3A_4, %lt3A : i32
    %jit3A = arith.constant 1 : i32
    %jit3A_6 = arith.constant 0 : i32
    %select_n3A = arith.select %lt3A_5, %jit3A, %jit3A_6 : i32
    %lt3A_7 = arith.constant 16 : i32
    %lt3A_8 = arith.cmpi slt, %add3A_4, %lt3A_7 : i32
    %mul3A_9 = arith.muli %add3A_4, %select_n3A : i32
    %mul3A_10 = arith.constant 0 : i32
    %mul3A_11 = arith.muli %add3A_4, %mul3A_10 : i32
    %add3A_12 = arith.constant 16 : i32
    %add3A_13 = arith.addi %mul3A_11, %add3A_12 : i32
    %select_n3A_14 = arith.select %lt3A_8, %mul3A_9, %add3A_13 : i32
    %mul3A_15 = arith.constant 4 : i32
    %mul3A_16 = arith.muli %mul3A_15, %select_n3A : i32
    "tpu.region"() ({
      %run_scoped3A = memref.alloca() : memref<2x8x512xf32, #tpu.memory_space<vmem>>
      %run_scoped3A_17 = tpu.sem_alloc : memref<2x!tpu.dma_semaphore, #tpu.memory_space<semaphore_mem>>
      %run_scoped3A_18 = memref.alloca() : memref<2x8x512xf32, #tpu.memory_space<vmem>>
      %run_scoped3A_19 = tpu.sem_alloc : memref<2x!tpu.dma_semaphore, #tpu.memory_space<semaphore_mem>>
      %run_scoped3A_20 = memref.alloca() : memref<2x2x512xi32, #tpu.memory_space<vmem>>
      %run_scoped3A_21 = tpu.sem_alloc : memref<2x!tpu.dma_semaphore, #tpu.memory_space<semaphore_mem>>
      %run_scoped3A_22 = memref.alloca() : memref<2x8x512xf32, #tpu.memory_space<vmem>>
      %run_scoped3A_23 = tpu.sem_alloc : memref<2x!tpu.dma_semaphore, #tpu.memory_space<semaphore_mem>>
      %gt3A = arith.constant 0 : i32
      %gt3A_24 = arith.cmpi sgt, %mul3A_16, %gt3A : i32
      %convert_element_type3A = arith.extui %gt3A_24 : i1 to i32
      %cond3A = arith.constant 0 : i32
      %cond3A_25 = arith.cmpi ne, %convert_element_type3A, %cond3A : i32
      scf.if %cond3A_25 {
        %mul3A_26 = arith.constant 4 : i32
        %mul3A_27 = arith.muli %mul3A_26, %select_n3A : i32
        %sub3A = arith.constant 1 : i32
        %sub3A_28 = arith.subi %mul3A_27, %sub3A : i32
        %eq3A = arith.constant 0 : i32
        %eq3A_29 = arith.cmpi eq, %sub3A_28, %eq3A : i32
        %add3A_30 = arith.constant 0 : i32
        %add3A_31 = arith.addi %add3A_30, %select_n3A_14 : i32
        %select_n3A_32 = arith.constant true
        %select_n3A_33 = arith.constant 0 : i32
        %select_n3A_34 = arith.constant -1 : i32
        %select_n3A_35 = arith.select %select_n3A_32, %select_n3A_34, %select_n3A_33 : i32
        %eq3A_36 = arith.constant -1 : i32
        %eq3A_37 = arith.cmpi eq, %select_n3A_35, %eq3A_36 : i32
        %sub3A_38 = arith.constant 1 : i32
        %sub3A_39 = arith.subi %select_n3A, %sub3A_38 : i32
        %select_n3A_40 = arith.select %eq3A_37, %sub3A_39, %select_n3A_35 : i32
        %select_n3A_41 = arith.constant 0 : i32
        %select_n3A_42 = arith.constant -1 : i32
        %select_n3A_43 = arith.select %eq3A_37, %select_n3A_42, %select_n3A_41 : i32
        %eq3A_44 = arith.constant -1 : i32
        %eq3A_45 = arith.cmpi eq, %select_n3A_43, %eq3A_44 : i32
        %select_n3A_46 = arith.constant 3 : i32
        %select_n3A_47 = arith.select %eq3A_45, %select_n3A_46, %select_n3A_43 : i32
        %add3A_48 = arith.constant 0 : i32
        %add3A_49 = arith.addi %select_n3A_47, %add3A_48 : i32
        %add3A_50 = arith.addi %select_n3A_40, %select_n3A_14 : i32
        %select_n3A_51 = arith.constant true
        %select_n3A_52 = arith.constant 0 : i32
        %select_n3A_53 = arith.constant 1 : i32
        %select_n3A_54 = arith.select %select_n3A_51, %select_n3A_53, %select_n3A_52 : i32
        %eq3A_55 = arith.cmpi eq, %select_n3A_54, %select_n3A : i32
        %select_n3A_56 = arith.constant 0 : i32
        %select_n3A_57 = arith.select %eq3A_55, %select_n3A_56, %select_n3A_54 : i32
        %select_n3A_58 = arith.constant 0 : i32
        %select_n3A_59 = arith.constant 1 : i32
        %select_n3A_60 = arith.select %eq3A_55, %select_n3A_59, %select_n3A_58 : i32
        %eq3A_61 = arith.constant 4 : i32
        %eq3A_62 = arith.cmpi eq, %select_n3A_60, %eq3A_61 : i32
        %select_n3A_63 = arith.constant 0 : i32
        %select_n3A_64 = arith.select %eq3A_62, %select_n3A_63, %select_n3A_60 : i32
        %add3A_65 = arith.constant 0 : i32
        %add3A_66 = arith.addi %select_n3A_64, %add3A_65 : i32
        %add3A_67 = arith.addi %select_n3A_57, %select_n3A_14 : i32
        %add3A_68 = arith.constant 1 : i32
        %add3A_69 = arith.addi %select_n3A_57, %add3A_68 : i32
        %select_n3A_70 = arith.constant true
        %select_n3A_71 = arith.select %select_n3A_70, %add3A_69, %select_n3A_57 : i32
        %eq3A_72 = arith.cmpi eq, %select_n3A_71, %select_n3A : i32
        %select_n3A_73 = arith.constant 0 : i32
        %select_n3A_74 = arith.select %eq3A_72, %select_n3A_73, %select_n3A_71 : i32
        %add3A_75 = arith.constant 1 : i32
        %add3A_76 = arith.addi %select_n3A_64, %add3A_75 : i32
        %select_n3A_77 = arith.select %eq3A_72, %add3A_76, %select_n3A_64 : i32
        %eq3A_78 = arith.constant 4 : i32
        %eq3A_79 = arith.cmpi eq, %select_n3A_77, %eq3A_78 : i32
        %select_n3A_80 = arith.constant 0 : i32
        %select_n3A_81 = arith.select %eq3A_79, %select_n3A_80, %select_n3A_77 : i32
        %add3A_82 = arith.constant 0 : i32
        %add3A_83 = arith.addi %select_n3A_81, %add3A_82 : i32
        %add3A_84 = arith.addi %select_n3A_74, %select_n3A_14 : i32
        "tpu.trace_start"() <{level = 10 : i32, message = "ep_initialize_0"}> : () -> ()
        %rem3A = arith.constant 0 : i32
        %rem3A_85 = arith.constant 2 : i32
        %rem3A_86 = arith.remui %rem3A, %rem3A_85 : i32
        %mul3A_87 = arith.constant 512 : i32
        %mul3A_88 = arith.muli %mul3A_87, %add3A_31 : i32
        %dma_start3A = arith.constant 0 : i32
        %dma_start3A_89 = arith.constant 0 : i32
        %dma_start3A_90 = tpu.memref_slice %run_scoped3A[%rem3A_86, %dma_start3A, %dma_start3A_89] : memref<2x8x512xf32, #tpu.memory_space<vmem>> -> memref<1x8x512xf32, #tpu.memory_space<vmem>>
        %dma_start3A_91 = tpu.memref_squeeze %dma_start3A_90 : memref<1x8x512xf32, #tpu.memory_space<vmem>> -> memref<8x512xf32, #tpu.memory_space<vmem>>
        %dma_start3A_92 = arith.constant 0 : i32
        %dma_start3A_93 = tpu.memref_slice %arg2[%dma_start3A_92, %mul3A_88] : memref<32x8192xf32, #tpu.memory_space<hbm>> -> memref<8x512xf32, #tpu.memory_space<hbm>>
        %dma_start3A_94 = tpu.memref_slice %run_scoped3A_17[%rem3A_86] : memref<2x!tpu.dma_semaphore, #tpu.memory_space<semaphore_mem>> -> memref<1x!tpu.dma_semaphore, #tpu.memory_space<semaphore_mem>>
        %dma_start3A_95 = tpu.memref_squeeze %dma_start3A_94 : memref<1x!tpu.dma_semaphore, #tpu.memory_space<semaphore_mem>> -> memref<!tpu.dma_semaphore, #tpu.memory_space<semaphore_mem>>
        %dma_start3A_96 = arith.constant 0 : i32
        %dma_start3A_97 = arith.constant 0 : i32
        %dma_start3A_98 = tpu.memref_slice %run_scoped3A[%rem3A_86, %dma_start3A_96, %dma_start3A_97] : memref<2x8x512xf32, #tpu.memory_space<vmem>> -> memref<1x8x512xf32, #tpu.memory_space<vmem>>
        %dma_start3A_99 = tpu.memref_squeeze %dma_start3A_98 : memref<1x8x512xf32, #tpu.memory_space<vmem>> -> memref<8x512xf32, #tpu.memory_space<vmem>>
        %dma_start3A_100 = arith.constant 0 : i32
        %dma_start3A_101 = tpu.memref_slice %arg2[%dma_start3A_100, %mul3A_88] : memref<32x8192xf32, #tpu.memory_space<hbm>> -> memref<8x512xf32, #tpu.memory_space<hbm>>
        tpu.enqueue_dma source(%dma_start3A_101 : memref<8x512xf32, #tpu.memory_space<hbm>>) target(%dma_start3A_99 : memref<8x512xf32, #tpu.memory_space<vmem>>) target_semaphore(%dma_start3A_95 : memref<!tpu.dma_semaphore, #tpu.memory_space<semaphore_mem>>)
        %add3A_102 = arith.constant 0 : i32
        %add3A_103 = arith.constant 1 : i32
        %add3A_104 = arith.addi %add3A_102, %add3A_103 : i32
        %select_n3A_105 = arith.constant true
        %select_n3A_106 = arith.constant 0 : i32
        %select_n3A_107 = arith.select %select_n3A_105, %add3A_104, %select_n3A_106 : i32
        %while3A = arith.constant 0 : i32
        %while3A_108 = arith.constant 0 : i32
        %while3A_109 = arith.constant 0 : i32
        %while3A_110 = arith.constant 0 : i32
        %while3A_111 = arith.constant 0 : i32
        %while3A_112 = arith.constant 0 : i32
        %while3A_113 = arith.constant 0 : i32
        %while3A_114 = arith.constant 0 : i32
        %while3A_115 = arith.constant 0 : i32
        %while3A_116 = arith.constant 0 : i32
        "tpu.trace_stop"() : () -> ()
        %while3A_117 = arith.subi %mul3A_16, %while3A : i32
        %while3A_118 = arith.addi %while3A, %while3A_117 : i32
        %while3A_119 = arith.constant 1 : i32
        %while3A_120 = arith.divsi %while3A_117, %while3A_119 : i32
        %while3A_121 = arith.muli %while3A_120, %while3A_119 : i32
        %while3A_122 = arith.addi %while3A, %while3A_121 : i32
        %while3A_123 = arith.constant 1 : i32
        %while3A_124:10 = scf.for %while3A_220 = %while3A to %while3A_122 step %while3A_123 iter_args(%while3A_221 = %select_n3A_107, %while3A_222 = %while3A_108, %while3A_223 = %while3A_109, %while3A_224 = %while3A_110, %while3A_225 = %while3A_111, %while3A_226 = %while3A_112, %while3A_227 = %while3A_113, %while3A_228 = %while3A_114, %while3A_229 = %while3A_115, %while3A_230 = %while3A_116) -> (i32, i32, i32, i32, i32, i32, i32, i32, i32, i32)  : i32 {
          %mul3A_231 = arith.constant 4 : i32
          %mul3A_232 = arith.muli %mul3A_231, %select_n3A : i32
          %eq3A_233 = arith.constant 0 : i32
          %eq3A_234 = arith.cmpi eq, %while3A_220, %eq3A_233 : i32
          %sub3A_235 = arith.constant 1 : i32
          %sub3A_236 = arith.subi %mul3A_232, %sub3A_235 : i32
          %eq3A_237 = arith.cmpi eq, %while3A_220, %sub3A_236 : i32
          %add3A_238 = arith.constant 0 : i32
          %add3A_239 = arith.addi %while3A_229, %add3A_238 : i32
          %add3A_240 = arith.addi %while3A_230, %select_n3A_14 : i32
          %sub3A_241 = arith.constant 1 : i32
          %sub3A_242 = arith.subi %while3A_230, %sub3A_241 : i32
          %select_n3A_243 = arith.constant true
          %select_n3A_244 = arith.select %select_n3A_243, %sub3A_242, %while3A_230 : i32
          %eq3A_245 = arith.constant -1 : i32
          %eq3A_246 = arith.cmpi eq, %select_n3A_244, %eq3A_245 : i32
          %sub3A_247 = arith.constant 1 : i32
          %sub3A_248 = arith.subi %select_n3A, %sub3A_247 : i32
          %select_n3A_249 = arith.select %eq3A_246, %sub3A_248, %select_n3A_244 : i32
          %sub3A_250 = arith.constant 1 : i32
          %sub3A_251 = arith.subi %while3A_229, %sub3A_250 : i32
          %select_n3A_252 = arith.select %eq3A_246, %sub3A_251, %while3A_229 : i32
          %eq3A_253 = arith.constant -1 : i32
          %eq3A_254 = arith.cmpi eq, %select_n3A_252, %eq3A_253 : i32
          %select_n3A_255 = arith.constant 3 : i32
          %select_n3A_256 = arith.select %eq3A_254, %select_n3A_255, %select_n3A_252 : i32
          %add3A_257 = arith.constant 0 : i32
          %add3A_258 = arith.addi %select_n3A_256, %add3A_257 : i32
          %add3A_259 = arith.addi %select_n3A_249, %select_n3A_14 : i32
          %add3A_260 = arith.constant 1 : i32
          %add3A_261 = arith.addi %while3A_230, %add3A_260 : i32
          %select_n3A_262 = arith.constant true
          %select_n3A_263 = arith.select %select_n3A_262, %add3A_261, %while3A_230 : i32
          %eq3A_264 = arith.cmpi eq, %select_n3A_263, %select_n3A : i32
          %select_n3A_265 = arith.constant 0 : i32
          %select_n3A_266 = arith.select %eq3A_264, %select_n3A_265, %select_n3A_263 : i32
          %add3A_267 = arith.constant 1 : i32
          %add3A_268 = arith.addi %while3A_229, %add3A_267 : i32
          %select_n3A_269 = arith.select %eq3A_264, %add3A_268, %while3A_229 : i32
          %eq3A_270 = arith.constant 4 : i32
          %eq3A_271 = arith.cmpi eq, %select_n3A_269, %eq3A_270 : i32
          %select_n3A_272 = arith.constant 0 : i32
          %select_n3A_273 = arith.select %eq3A_271, %select_n3A_272, %select_n3A_269 : i32
          %add3A_274 = arith.constant 0 : i32
          %add3A_275 = arith.addi %select_n3A_273, %add3A_274 : i32
          %add3A_276 = arith.addi %select_n3A_266, %select_n3A_14 : i32
          %add3A_277 = arith.constant 1 : i32
          %add3A_278 = arith.addi %select_n3A_266, %add3A_277 : i32
          %select_n3A_279 = arith.constant true
          %select_n3A_280 = arith.select %select_n3A_279, %add3A_278, %select_n3A_266 : i32
          %eq3A_281 = arith.cmpi eq, %select_n3A_280, %select_n3A : i32
          %select_n3A_282 = arith.constant 0 : i32
          %select_n3A_283 = arith.select %eq3A_281, %select_n3A_282, %select_n3A_280 : i32
          %add3A_284 = arith.constant 1 : i32
          %add3A_285 = arith.addi %select_n3A_273, %add3A_284 : i32
          %select_n3A_286 = arith.select %eq3A_281, %add3A_285, %select_n3A_273 : i32
          %eq3A_287 = arith.constant 4 : i32
          %eq3A_288 = arith.cmpi eq, %select_n3A_286, %eq3A_287 : i32
          %select_n3A_289 = arith.constant 0 : i32
          %select_n3A_290 = arith.select %eq3A_288, %select_n3A_289, %select_n3A_286 : i32
          %add3A_291 = arith.constant 0 : i32
          %add3A_292 = arith.addi %select_n3A_290, %add3A_291 : i32
          %add3A_293 = arith.addi %select_n3A_283, %select_n3A_14 : i32
          %ne3A = arith.cmpi ne, %add3A_239, %add3A_275 : i32
          %ne3A_294 = arith.cmpi ne, %add3A_240, %add3A_276 : i32
          %or3A = arith.constant false
          %or3A_295 = arith.ori %or3A, %ne3A : i1
          %or3A_296 = arith.ori %or3A_295, %ne3A_294 : i1
          %sub3A_297 = arith.constant 2 : i32
          %sub3A_298 = arith.subi %mul3A_232, %sub3A_297 : i32
          %add3A_299 = arith.constant 1 : i32
          %add3A_300 = arith.addi %sub3A_298, %add3A_299 : i32
          %ge3A = arith.cmpi sge, %while3A_220, %add3A_300 : i32
          %not3A = arith.constant true
          %not3A_301 = arith.xori %ge3A, %not3A : i1
          %and3A = arith.andi %or3A_296, %not3A_301 : i1
          %convert_element_type3A_302 = arith.extui %and3A : i1 to i32
          %cond3A_303 = arith.constant 0 : i32
          %cond3A_304 = arith.cmpi ne, %convert_element_type3A_302, %cond3A_303 : i32
          scf.if %cond3A_304 {
            "tpu.trace_start"() <{level = 10 : i32, message = "ep_copy_in"}> : () -> ()
            %rem3A_534 = arith.constant 2 : i32
            %rem3A_535 = arith.remui %while3A_221, %rem3A_534 : i32
            %mul3A_536 = arith.constant 8 : i32
            %mul3A_537 = arith.muli %mul3A_536, %add3A_275 : i32
            %mul3A_538 = arith.constant 512 : i32
            %mul3A_539 = arith.muli %mul3A_538, %add3A_276 : i32
            %dma_start3A_540 = arith.constant 0 : i32
            %dma_start3A_541 = arith.constant 0 : i32
            %dma_start3A_542 = tpu.memref_slice %run_scoped3A[%rem3A_535, %dma_start3A_540, %dma_start3A_541] : memref<2x8x512xf32, #tpu.memory_space<vmem>> -> memref<1x8x512xf32, #tpu.memory_space<vmem>>
            %dma_start3A_543 = tpu.memref_squeeze %dma_start3A_542 : memref<1x8x512xf32, #tpu.memory_space<vmem>> -> memref<8x512xf32, #tpu.memory_space<vmem>>
            %dma_start3A_544 = tpu.memref_slice %arg2[%mul3A_537, %mul3A_539] : memref<32x8192xf32, #tpu.memory_space<hbm>> -> memref<8x512xf32, #tpu.memory_space<hbm>>
            %dma_start3A_545 = tpu.memref_slice %run_scoped3A_17[%rem3A_535] : memref<2x!tpu.dma_semaphore, #tpu.memory_space<semaphore_mem>> -> memref<1x!tpu.dma_semaphore, #tpu.memory_space<semaphore_mem>>
            %dma_start3A_546 = tpu.memref_squeeze %dma_start3A_545 : memref<1x!tpu.dma_semaphore, #tpu.memory_space<semaphore_mem>> -> memref<!tpu.dma_semaphore, #tpu.memory_space<semaphore_mem>>
            %dma_start3A_547 = arith.constant 0 : i32
            %dma_start3A_548 = arith.constant 0 : i32
            %dma_start3A_549 = tpu.memref_slice %run_scoped3A[%rem3A_535, %dma_start3A_547, %dma_start3A_548] : memref<2x8x512xf32, #tpu.memory_space<vmem>> -> memref<1x8x512xf32, #tpu.memory_space<vmem>>
            %dma_start3A_550 = tpu.memref_squeeze %dma_start3A_549 : memref<1x8x512xf32, #tpu.memory_space<vmem>> -> memref<8x512xf32, #tpu.memory_space<vmem>>
            %dma_start3A_551 = tpu.memref_slice %arg2[%mul3A_537, %mul3A_539] : memref<32x8192xf32, #tpu.memory_space<hbm>> -> memref<8x512xf32, #tpu.memory_space<hbm>>
            tpu.enqueue_dma source(%dma_start3A_551 : memref<8x512xf32, #tpu.memory_space<hbm>>) target(%dma_start3A_550 : memref<8x512xf32, #tpu.memory_space<vmem>>) target_semaphore(%dma_start3A_546 : memref<!tpu.dma_semaphore, #tpu.memory_space<semaphore_mem>>)
            "tpu.trace_stop"() : () -> ()
          } else {
          }
          %and3A_305 = arith.constant true
          %and3A_306 = arith.andi %and3A, %and3A_305 : i1
          %add3A_307 = arith.constant 1 : i32
          %add3A_308 = arith.addi %while3A_221, %add3A_307 : i32
          %select_n3A_309 = arith.select %and3A_306, %add3A_308, %while3A_221 : i32
          %ne3A_310 = arith.cmpi ne, %add3A_239, %add3A_275 : i32
          %ne3A_311 = arith.cmpi ne, %add3A_240, %add3A_276 : i32
          %or3A_312 = arith.constant false
          %or3A_313 = arith.ori %or3A_312, %ne3A_310 : i1
          %or3A_314 = arith.ori %or3A_313, %ne3A_311 : i1
          %sub3A_315 = arith.constant 2 : i32
          %sub3A_316 = arith.subi %mul3A_232, %sub3A_315 : i32
          %add3A_317 = arith.constant 1 : i32
          %add3A_318 = arith.addi %sub3A_316, %add3A_317 : i32
          %ge3A_319 = arith.cmpi sge, %while3A_220, %add3A_318 : i32
          %not3A_320 = arith.constant true
          %not3A_321 = arith.xori %ge3A_319, %not3A_320 : i1
          %and3A_322 = arith.andi %or3A_314, %not3A_321 : i1
          %ne3A_323 = arith.cmpi ne, %add3A_239, %add3A_275 : i32
          %ne3A_324 = arith.cmpi ne, %add3A_240, %add3A_276 : i32
          %or3A_325 = arith.constant false
          %or3A_326 = arith.ori %or3A_325, %ne3A_323 : i1
          %or3A_327 = arith.ori %or3A_326, %ne3A_324 : i1
          %sub3A_328 = arith.constant 2 : i32
          %sub3A_329 = arith.subi %mul3A_232, %sub3A_328 : i32
          %add3A_330 = arith.constant 1 : i32
          %add3A_331 = arith.addi %sub3A_329, %add3A_330 : i32
          %ge3A_332 = arith.cmpi sge, %while3A_220, %add3A_331 : i32
          %not3A_333 = arith.constant true
          %not3A_334 = arith.xori %ge3A_332, %not3A_333 : i1
          %and3A_335 = arith.andi %or3A_327, %not3A_334 : i1
          %ne3A_336 = arith.cmpi ne, %add3A_239, %add3A_275 : i32
          %ne3A_337 = arith.cmpi ne, %add3A_240, %add3A_276 : i32
          %or3A_338 = arith.constant false
          %or3A_339 = arith.ori %or3A_338, %ne3A_336 : i1
          %or3A_340 = arith.ori %or3A_339, %ne3A_337 : i1
          %sub3A_341 = arith.constant 2 : i32
          %sub3A_342 = arith.subi %mul3A_232, %sub3A_341 : i32
          %add3A_343 = arith.constant 1 : i32
          %add3A_344 = arith.addi %sub3A_342, %add3A_343 : i32
          %ge3A_345 = arith.cmpi sge, %while3A_220, %add3A_344 : i32
          %not3A_346 = arith.constant true
          %not3A_347 = arith.xori %ge3A_345, %not3A_346 : i1
          %and3A_348 = arith.andi %or3A_340, %not3A_347 : i1
          %ne3A_349 = arith.cmpi ne, %add3A_239, %add3A_258 : i32
          %ne3A_350 = arith.cmpi ne, %add3A_240, %add3A_259 : i32
          %or3A_351 = arith.constant false
          %or3A_352 = arith.ori %or3A_351, %ne3A_349 : i1
          %or3A_353 = arith.ori %or3A_352, %ne3A_350 : i1
          %or3A_354 = arith.ori %or3A_353, %eq3A_234 : i1
          %convert_element_type3A_355 = arith.extui %or3A_354 : i1 to i32
          %cond3A_356 = arith.constant 0 : i32
          %cond3A_357 = arith.cmpi ne, %convert_element_type3A_355, %cond3A_356 : i32
          scf.if %cond3A_357 {
            "tpu.trace_start"() <{level = 10 : i32, message = "ep_wait_in"}> : () -> ()
            %mul3A_534 = arith.constant 8 : i32
            %mul3A_535 = arith.muli %mul3A_534, %add3A_239 : i32
            %mul3A_536 = arith.constant 512 : i32
            %mul3A_537 = arith.muli %mul3A_536, %add3A_240 : i32
            %rem3A_538 = arith.constant 2 : i32
            %rem3A_539 = arith.remui %while3A_222, %rem3A_538 : i32
            %dma_wait3A = arith.constant 0 : i32
            %dma_wait3A_540 = arith.constant 0 : i32
            %dma_wait3A_541 = tpu.memref_slice %run_scoped3A[%rem3A_539, %dma_wait3A, %dma_wait3A_540] : memref<2x8x512xf32, #tpu.memory_space<vmem>> -> memref<1x8x512xf32, #tpu.memory_space<vmem>>
            %dma_wait3A_542 = tpu.memref_squeeze %dma_wait3A_541 : memref<1x8x512xf32, #tpu.memory_space<vmem>> -> memref<8x512xf32, #tpu.memory_space<vmem>>
            %dma_wait3A_543 = tpu.memref_slice %arg2[%mul3A_535, %mul3A_537] : memref<32x8192xf32, #tpu.memory_space<hbm>> -> memref<8x512xf32, #tpu.memory_space<hbm>>
            %dma_wait3A_544 = tpu.memref_slice %run_scoped3A_17[%rem3A_539] : memref<2x!tpu.dma_semaphore, #tpu.memory_space<semaphore_mem>> -> memref<1x!tpu.dma_semaphore, #tpu.memory_space<semaphore_mem>>
            %dma_wait3A_545 = tpu.memref_squeeze %dma_wait3A_544 : memref<1x!tpu.dma_semaphore, #tpu.memory_space<semaphore_mem>> -> memref<!tpu.dma_semaphore, #tpu.memory_space<semaphore_mem>>
            %dma_wait3A_546 = arith.constant 0 : i32
            %dma_wait3A_547 = arith.constant 0 : i32
            %dma_wait3A_548 = tpu.memref_slice %run_scoped3A[%rem3A_539, %dma_wait3A_546, %dma_wait3A_547] : memref<2x8x512xf32, #tpu.memory_space<vmem>> -> memref<1x8x512xf32, #tpu.memory_space<vmem>>
            %dma_wait3A_549 = tpu.memref_squeeze %dma_wait3A_548 : memref<1x8x512xf32, #tpu.memory_space<vmem>> -> memref<8x512xf32, #tpu.memory_space<vmem>>
            %dma_wait3A_550 = tpu.memref_slice %arg2[%mul3A_535, %mul3A_537] : memref<32x8192xf32, #tpu.memory_space<hbm>> -> memref<8x512xf32, #tpu.memory_space<hbm>>
            tpu.wait_dma2 semaphore(%dma_wait3A_545 : memref<!tpu.dma_semaphore, #tpu.memory_space<semaphore_mem>>) src(%dma_wait3A_550 : memref<8x512xf32, #tpu.memory_space<hbm>>) dst(%dma_wait3A_549 : memref<8x512xf32, #tpu.memory_space<vmem>>)
            "tpu.trace_stop"() : () -> ()
          } else {
          }
          %ne3A_358 = arith.cmpi ne, %add3A_239, %add3A_258 : i32
          %ne3A_359 = arith.cmpi ne, %add3A_240, %add3A_259 : i32
          %or3A_360 = arith.constant false
          %or3A_361 = arith.ori %or3A_360, %ne3A_358 : i1
          %or3A_362 = arith.ori %or3A_361, %ne3A_359 : i1
          %or3A_363 = arith.ori %or3A_362, %eq3A_234 : i1
          %convert_element_type3A_364 = arith.extui %or3A_363 : i1 to i32
          %cond3A_365 = arith.constant 0 : i32
          %cond3A_366 = arith.cmpi ne, %convert_element_type3A_364, %cond3A_365 : i32
          scf.if %cond3A_366 {
          } else {
          }
          %ne3A_367 = arith.cmpi ne, %add3A_239, %add3A_258 : i32
          %ne3A_368 = arith.cmpi ne, %add3A_240, %add3A_259 : i32
          %or3A_369 = arith.constant false
          %or3A_370 = arith.ori %or3A_369, %ne3A_367 : i1
          %or3A_371 = arith.ori %or3A_370, %ne3A_368 : i1
          %or3A_372 = arith.ori %or3A_371, %eq3A_234 : i1
          %convert_element_type3A_373 = arith.extui %or3A_372 : i1 to i32
          %cond3A_374 = arith.constant 0 : i32
          %cond3A_375 = arith.cmpi ne, %convert_element_type3A_373, %cond3A_374 : i32
          scf.if %cond3A_375 {
          } else {
          }
          %ne3A_376 = arith.cmpi ne, %add3A_239, %add3A_258 : i32
          %ne3A_377 = arith.cmpi ne, %add3A_240, %add3A_259 : i32
          %or3A_378 = arith.constant false
          %or3A_379 = arith.ori %or3A_378, %ne3A_376 : i1
          %or3A_380 = arith.ori %or3A_379, %ne3A_377 : i1
          %or3A_381 = arith.ori %or3A_380, %eq3A_234 : i1
          %convert_element_type3A_382 = arith.extui %or3A_381 : i1 to i32
          %cond3A_383 = arith.constant 0 : i32
          %cond3A_384 = arith.cmpi ne, %convert_element_type3A_382, %cond3A_383 : i32
          scf.if %cond3A_384 {
          } else {
          }
          %rem3A_385 = arith.constant 2 : i32
          %rem3A_386 = arith.remui %while3A_222, %rem3A_385 : i32
          %rem3A_387 = arith.constant 2 : i32
          %rem3A_388 = arith.remui %while3A_223, %rem3A_387 : i32
          %rem3A_389 = arith.constant 2 : i32
          %rem3A_390 = arith.remui %while3A_225, %rem3A_389 : i32
          %rem3A_391 = arith.constant 2 : i32
          %rem3A_392 = arith.remui %while3A_227, %rem3A_391 : i32
          "tpu.trace_start"() <{level = 10 : i32, message = "ep_run_kernel"}> : () -> ()
          %scan3A = arith.constant 0 : i32
          %scan3A_393 = arith.constant 32 : i32
          %scan3A_394 = arith.addi %scan3A, %scan3A_393 : i32
          %scan3A_395 = arith.constant 1 : i32
          scf.for %scan3A_534 = %scan3A to %scan3A_394 step %scan3A_395  : i32 {
            %mul3A_535 = arith.constant 16 : i32
            %mul3A_536 = arith.muli %scan3A_534, %mul3A_535 : i32
            %add3A_537 = arith.constant 0 : i32
            %add3A_538 = arith.addi %add3A_537, %mul3A_536 : i32
            %get3A = arith.constant 0 : i32
            %get3A_539 = arith.constant 0 : i32
            %get3A_540 = tpu.memref_slice %run_scoped3A[%rem3A_386, %get3A, %get3A_539] : memref<2x8x512xf32, #tpu.memory_space<vmem>> -> memref<1x8x512xf32, #tpu.memory_space<vmem>>
            %get3A_541 = tpu.memref_squeeze %get3A_540 : memref<1x8x512xf32, #tpu.memory_space<vmem>> -> memref<8x512xf32, #tpu.memory_space<vmem>>
            %get3A_542 = arith.constant 0 : index
            %get3A_543 = arith.index_cast %add3A_538 : i32 to index
            %get3A_544 = tpu.vector_load %get3A_541[%get3A_542, %get3A_543] {strides = array<i32>} : memref<8x512xf32, #tpu.memory_space<vmem>>, vector<1x16xf32>,
            %get3A_545 = vector.shape_cast %get3A_544 : vector<1x16xf32> to vector<1x16xf32>
            %get3A_546 = arith.constant 0 : i32
            %get3A_547 = arith.constant 0 : i32
            %get3A_548 = tpu.memref_slice %run_scoped3A[%rem3A_386, %get3A_546, %get3A_547] : memref<2x8x512xf32, #tpu.memory_space<vmem>> -> memref<1x8x512xf32, #tpu.memory_space<vmem>>
            %get3A_549 = tpu.memref_squeeze %get3A_548 : memref<1x8x512xf32, #tpu.memory_space<vmem>> -> memref<8x512xf32, #tpu.memory_space<vmem>>
            %get3A_550 = arith.constant 1 : index
            %get3A_551 = arith.index_cast %add3A_538 : i32 to index
            %get3A_552 = tpu.vector_load %get3A_549[%get3A_550, %get3A_551] {strides = array<i32>} : memref<8x512xf32, #tpu.memory_space<vmem>>, vector<1x16xf32>,
            %get3A_553 = vector.shape_cast %get3A_552 : vector<1x16xf32> to vector<1x16xf32>
            %get3A_554 = arith.constant 0 : i32
            %get3A_555 = arith.constant 0 : i32
            %get3A_556 = tpu.memref_slice %run_scoped3A[%rem3A_386, %get3A_554, %get3A_555] : memref<2x8x512xf32, #tpu.memory_space<vmem>> -> memref<1x8x512xf32, #tpu.memory_space<vmem>>
            %get3A_557 = tpu.memref_squeeze %get3A_556 : memref<1x8x512xf32, #tpu.memory_space<vmem>> -> memref<8x512xf32, #tpu.memory_space<vmem>>
            %get3A_558 = arith.constant 2 : index
            %get3A_559 = arith.index_cast %add3A_538 : i32 to index
            %get3A_560 = tpu.vector_load %get3A_557[%get3A_558, %get3A_559] {strides = array<i32>} : memref<8x512xf32, #tpu.memory_space<vmem>>, vector<1x16xf32>,
            %get3A_561 = vector.shape_cast %get3A_560 : vector<1x16xf32> to vector<1x16xf32>
            %get3A_562 = arith.constant 0 : i32
            %get3A_563 = arith.constant 0 : i32
            %get3A_564 = tpu.memref_slice %run_scoped3A[%rem3A_386, %get3A_562, %get3A_563] : memref<2x8x512xf32, #tpu.memory_space<vmem>> -> memref<1x8x512xf32, #tpu.memory_space<vmem>>
            %get3A_565 = tpu.memref_squeeze %get3A_564 : memref<1x8x512xf32, #tpu.memory_space<vmem>> -> memref<8x512xf32, #tpu.memory_space<vmem>>
            %get3A_566 = arith.constant 3 : index
            %get3A_567 = arith.index_cast %add3A_538 : i32 to index
            %get3A_568 = tpu.vector_load %get3A_565[%get3A_566, %get3A_567] {strides = array<i32>} : memref<8x512xf32, #tpu.memory_space<vmem>>, vector<1x16xf32>,
            %get3A_569 = vector.shape_cast %get3A_568 : vector<1x16xf32> to vector<1x16xf32>
            %get3A_570 = arith.constant 0 : i32
            %get3A_571 = arith.constant 0 : i32
            %get3A_572 = tpu.memref_slice %run_scoped3A[%rem3A_386, %get3A_570, %get3A_571] : memref<2x8x512xf32, #tpu.memory_space<vmem>> -> memref<1x8x512xf32, #tpu.memory_space<vmem>>
            %get3A_573 = tpu.memref_squeeze %get3A_572 : memref<1x8x512xf32, #tpu.memory_space<vmem>> -> memref<8x512xf32, #tpu.memory_space<vmem>>
            %get3A_574 = arith.constant 4 : index
            %get3A_575 = arith.index_cast %add3A_538 : i32 to index
            %get3A_576 = tpu.vector_load %get3A_573[%get3A_574, %get3A_575] {strides = array<i32>} : memref<8x512xf32, #tpu.memory_space<vmem>>, vector<1x16xf32>,
            %get3A_577 = vector.shape_cast %get3A_576 : vector<1x16xf32> to vector<1x16xf32>
            %get3A_578 = arith.constant 0 : i32
            %get3A_579 = arith.constant 0 : i32
            %get3A_580 = tpu.memref_slice %run_scoped3A[%rem3A_386, %get3A_578, %get3A_579] : memref<2x8x512xf32, #tpu.memory_space<vmem>> -> memref<1x8x512xf32, #tpu.memory_space<vmem>>
            %get3A_581 = tpu.memref_squeeze %get3A_580 : memref<1x8x512xf32, #tpu.memory_space<vmem>> -> memref<8x512xf32, #tpu.memory_space<vmem>>
            %get3A_582 = arith.constant 5 : index
            %get3A_583 = arith.index_cast %add3A_538 : i32 to index
            %get3A_584 = tpu.vector_load %get3A_581[%get3A_582, %get3A_583] {strides = array<i32>} : memref<8x512xf32, #tpu.memory_space<vmem>>, vector<1x16xf32>,
            %get3A_585 = vector.shape_cast %get3A_584 : vector<1x16xf32> to vector<1x16xf32>
            %get3A_586 = arith.constant 0 : i32
            %get3A_587 = arith.constant 0 : i32
            %get3A_588 = tpu.memref_slice %run_scoped3A[%rem3A_386, %get3A_586, %get3A_587] : memref<2x8x512xf32, #tpu.memory_space<vmem>> -> memref<1x8x512xf32, #tpu.memory_space<vmem>>
            %get3A_589 = tpu.memref_squeeze %get3A_588 : memref<1x8x512xf32, #tpu.memory_space<vmem>> -> memref<8x512xf32, #tpu.memory_space<vmem>>
            %get3A_590 = arith.constant 6 : index
            %get3A_591 = arith.index_cast %add3A_538 : i32 to index
            %get3A_592 = tpu.vector_load %get3A_589[%get3A_590, %get3A_591] {strides = array<i32>} : memref<8x512xf32, #tpu.memory_space<vmem>>, vector<1x16xf32>,
            %get3A_593 = vector.shape_cast %get3A_592 : vector<1x16xf32> to vector<1x16xf32>
            %get3A_594 = arith.constant 0 : i32
            %get3A_595 = arith.constant 0 : i32
            %get3A_596 = tpu.memref_slice %run_scoped3A[%rem3A_386, %get3A_594, %get3A_595] : memref<2x8x512xf32, #tpu.memory_space<vmem>> -> memref<1x8x512xf32, #tpu.memory_space<vmem>>
            %get3A_597 = tpu.memref_squeeze %get3A_596 : memref<1x8x512xf32, #tpu.memory_space<vmem>> -> memref<8x512xf32, #tpu.memory_space<vmem>>
            %get3A_598 = arith.constant 7 : index
            %get3A_599 = arith.index_cast %add3A_538 : i32 to index
            %get3A_600 = tpu.vector_load %get3A_597[%get3A_598, %get3A_599] {strides = array<i32>} : memref<8x512xf32, #tpu.memory_space<vmem>>, vector<1x16xf32>,
            %get3A_601 = vector.shape_cast %get3A_600 : vector<1x16xf32> to vector<1x16xf32>
            %max3A = arith.maximumf %get3A_545, %get3A_553 : vector<1x16xf32>
            %max3A_602 = arith.maximumf %max3A, %get3A_561 : vector<1x16xf32>
            %max3A_603 = arith.maximumf %max3A_602, %get3A_569 : vector<1x16xf32>
            %max3A_604 = arith.maximumf %max3A_603, %get3A_577 : vector<1x16xf32>
            %max3A_605 = arith.maximumf %max3A_604, %get3A_585 : vector<1x16xf32>
            %max3A_606 = arith.maximumf %max3A_605, %get3A_593 : vector<1x16xf32>
            %max3A_607 = arith.maximumf %max3A_606, %get3A_601 : vector<1x16xf32>
            %broadcast_in_dim3A = arith.constant 7.000000e+00 : f32
            %broadcast_in_dim3A_608 = vector.broadcast %broadcast_in_dim3A : f32 to vector<1x16xf32>
            %eq3A_609 = arith.cmpf oeq, %get3A_593, %max3A_607 : vector<1x16xf32>
            %jit3A_610 = arith.constant 6.000000e+00 : f32
            %broadcast_in_dim3A_611 = vector.broadcast %jit3A_610 : f32 to vector<1x16xf32>
            %select_n3A_612 = arith.select %eq3A_609, %broadcast_in_dim3A_611, %broadcast_in_dim3A_608 : vector<1x16xi1>, vector<1x16xf32>
            %eq3A_613 = arith.cmpf oeq, %get3A_585, %max3A_607 : vector<1x16xf32>
            %jit3A_614 = arith.constant 5.000000e+00 : f32
            %broadcast_in_dim3A_615 = vector.broadcast %jit3A_614 : f32 to vector<1x16xf32>
            %select_n3A_616 = arith.select %eq3A_613, %broadcast_in_dim3A_615, %select_n3A_612 : vector<1x16xi1>, vector<1x16xf32>
            %eq3A_617 = arith.cmpf oeq, %get3A_577, %max3A_607 : vector<1x16xf32>
            %jit3A_618 = arith.constant 4.000000e+00 : f32
            %broadcast_in_dim3A_619 = vector.broadcast %jit3A_618 : f32 to vector<1x16xf32>
            %select_n3A_620 = arith.select %eq3A_617, %broadcast_in_dim3A_619, %select_n3A_616 : vector<1x16xi1>, vector<1x16xf32>
            %eq3A_621 = arith.cmpf oeq, %get3A_569, %max3A_607 : vector<1x16xf32>
            %jit3A_622 = arith.constant 3.000000e+00 : f32
            %broadcast_in_dim3A_623 = vector.broadcast %jit3A_622 : f32 to vector<1x16xf32>
            %select_n3A_624 = arith.select %eq3A_621, %broadcast_in_dim3A_623, %select_n3A_620 : vector<1x16xi1>, vector<1x16xf32>
            %eq3A_625 = arith.cmpf oeq, %get3A_561, %max3A_607 : vector<1x16xf32>
            %jit3A_626 = arith.constant 2.000000e+00 : f32
            %broadcast_in_dim3A_627 = vector.broadcast %jit3A_626 : f32 to vector<1x16xf32>
            %select_n3A_628 = arith.select %eq3A_625, %broadcast_in_dim3A_627, %select_n3A_624 : vector<1x16xi1>, vector<1x16xf32>
            %eq3A_629 = arith.cmpf oeq, %get3A_553, %max3A_607 : vector<1x16xf32>
            %jit3A_630 = arith.constant 1.000000e+00 : f32
            %broadcast_in_dim3A_631 = vector.broadcast %jit3A_630 : f32 to vector<1x16xf32>
            %select_n3A_632 = arith.select %eq3A_629, %broadcast_in_dim3A_631, %select_n3A_628 : vector<1x16xi1>, vector<1x16xf32>
            %eq3A_633 = arith.cmpf oeq, %get3A_545, %max3A_607 : vector<1x16xf32>
            %jit3A_634 = arith.constant 0.000000e+00 : f32
            %broadcast_in_dim3A_635 = vector.broadcast %jit3A_634 : f32 to vector<1x16xf32>
            %select_n3A_636 = arith.select %eq3A_633, %broadcast_in_dim3A_635, %select_n3A_632 : vector<1x16xi1>, vector<1x16xf32>
            %broadcast_in_dim3A_637 = arith.constant -1.000000e+30 : f32
            %broadcast_in_dim3A_638 = vector.broadcast %broadcast_in_dim3A_637 : f32 to vector<1x16xf32>
            %eq3A_639 = arith.constant 0.000000e+00 : f32
            %eq3A_640 = vector.broadcast %eq3A_639 : f32 to vector<1x16xf32>
            %eq3A_641 = arith.cmpf oeq, %select_n3A_636, %eq3A_640 : vector<1x16xf32>
            %select_n3A_642 = arith.select %eq3A_641, %broadcast_in_dim3A_638, %get3A_545 : vector<1x16xi1>, vector<1x16xf32>
            %eq3A_643 = arith.constant 1.000000e+00 : f32
            %eq3A_644 = vector.broadcast %eq3A_643 : f32 to vector<1x16xf32>
            %eq3A_645 = arith.cmpf oeq, %select_n3A_636, %eq3A_644 : vector<1x16xf32>
            %select_n3A_646 = arith.select %eq3A_645, %broadcast_in_dim3A_638, %get3A_553 : vector<1x16xi1>, vector<1x16xf32>
            %eq3A_647 = arith.constant 2.000000e+00 : f32
            %eq3A_648 = vector.broadcast %eq3A_647 : f32 to vector<1x16xf32>
            %eq3A_649 = arith.cmpf oeq, %select_n3A_636, %eq3A_648 : vector<1x16xf32>
            %select_n3A_650 = arith.select %eq3A_649, %broadcast_in_dim3A_638, %get3A_561 : vector<1x16xi1>, vector<1x16xf32>
            %eq3A_651 = arith.constant 3.000000e+00 : f32
            %eq3A_652 = vector.broadcast %eq3A_651 : f32 to vector<1x16xf32>
            %eq3A_653 = arith.cmpf oeq, %select_n3A_636, %eq3A_652 : vector<1x16xf32>
            %select_n3A_654 = arith.select %eq3A_653, %broadcast_in_dim3A_638, %get3A_569 : vector<1x16xi1>, vector<1x16xf32>
            %eq3A_655 = arith.constant 4.000000e+00 : f32
            %eq3A_656 = vector.broadcast %eq3A_655 : f32 to vector<1x16xf32>
            %eq3A_657 = arith.cmpf oeq, %select_n3A_636, %eq3A_656 : vector<1x16xf32>
            %select_n3A_658 = arith.select %eq3A_657, %broadcast_in_dim3A_638, %get3A_577 : vector<1x16xi1>, vector<1x16xf32>
            %eq3A_659 = arith.constant 5.000000e+00 : f32
            %eq3A_660 = vector.broadcast %eq3A_659 : f32 to vector<1x16xf32>
            %eq3A_661 = arith.cmpf oeq, %select_n3A_636, %eq3A_660 : vector<1x16xf32>
            %select_n3A_662 = arith.select %eq3A_661, %broadcast_in_dim3A_638, %get3A_585 : vector<1x16xi1>, vector<1x16xf32>
            %eq3A_663 = arith.constant 6.000000e+00 : f32
            %eq3A_664 = vector.broadcast %eq3A_663 : f32 to vector<1x16xf32>
            %eq3A_665 = arith.cmpf oeq, %select_n3A_636, %eq3A_664 : vector<1x16xf32>
            %select_n3A_666 = arith.select %eq3A_665, %broadcast_in_dim3A_638, %get3A_593 : vector<1x16xi1>, vector<1x16xf32>
            %eq3A_667 = arith.constant 7.000000e+00 : f32
            %eq3A_668 = vector.broadcast %eq3A_667 : f32 to vector<1x16xf32>
            %eq3A_669 = arith.cmpf oeq, %select_n3A_636, %eq3A_668 : vector<1x16xf32>
            %select_n3A_670 = arith.select %eq3A_669, %broadcast_in_dim3A_638, %get3A_601 : vector<1x16xi1>, vector<1x16xf32>
            %max3A_671 = arith.maximumf %select_n3A_642, %select_n3A_646 : vector<1x16xf32>
            %max3A_672 = arith.maximumf %max3A_671, %select_n3A_650 : vector<1x16xf32>
            %max3A_673 = arith.maximumf %max3A_672, %select_n3A_654 : vector<1x16xf32>
            %max3A_674 = arith.maximumf %max3A_673, %select_n3A_658 : vector<1x16xf32>
            %max3A_675 = arith.maximumf %max3A_674, %select_n3A_662 : vector<1x16xf32>
            %max3A_676 = arith.maximumf %max3A_675, %select_n3A_666 : vector<1x16xf32>
            %max3A_677 = arith.maximumf %max3A_676, %select_n3A_670 : vector<1x16xf32>
            %broadcast_in_dim3A_678 = arith.constant 7.000000e+00 : f32
            %broadcast_in_dim3A_679 = vector.broadcast %broadcast_in_dim3A_678 : f32 to vector<1x16xf32>
            %eq3A_680 = arith.cmpf oeq, %select_n3A_666, %max3A_677 : vector<1x16xf32>
            %jit3A_681 = arith.constant 6.000000e+00 : f32
            %broadcast_in_dim3A_682 = vector.broadcast %jit3A_681 : f32 to vector<1x16xf32>
            %select_n3A_683 = arith.select %eq3A_680, %broadcast_in_dim3A_682, %broadcast_in_dim3A_679 : vector<1x16xi1>, vector<1x16xf32>
            %eq3A_684 = arith.cmpf oeq, %select_n3A_662, %max3A_677 : vector<1x16xf32>
            %jit3A_685 = arith.constant 5.000000e+00 : f32
            %broadcast_in_dim3A_686 = vector.broadcast %jit3A_685 : f32 to vector<1x16xf32>
            %select_n3A_687 = arith.select %eq3A_684, %broadcast_in_dim3A_686, %select_n3A_683 : vector<1x16xi1>, vector<1x16xf32>
            %eq3A_688 = arith.cmpf oeq, %select_n3A_658, %max3A_677 : vector<1x16xf32>
            %jit3A_689 = arith.constant 4.000000e+00 : f32
            %broadcast_in_dim3A_690 = vector.broadcast %jit3A_689 : f32 to vector<1x16xf32>
            %select_n3A_691 = arith.select %eq3A_688, %broadcast_in_dim3A_690, %select_n3A_687 : vector<1x16xi1>, vector<1x16xf32>
            %eq3A_692 = arith.cmpf oeq, %select_n3A_654, %max3A_677 : vector<1x16xf32>
            %jit3A_693 = arith.constant 3.000000e+00 : f32
            %broadcast_in_dim3A_694 = vector.broadcast %jit3A_693 : f32 to vector<1x16xf32>
            %select_n3A_695 = arith.select %eq3A_692, %broadcast_in_dim3A_694, %select_n3A_691 : vector<1x16xi1>, vector<1x16xf32>
            %eq3A_696 = arith.cmpf oeq, %select_n3A_650, %max3A_677 : vector<1x16xf32>
            %jit3A_697 = arith.constant 2.000000e+00 : f32
            %broadcast_in_dim3A_698 = vector.broadcast %jit3A_697 : f32 to vector<1x16xf32>
            %select_n3A_699 = arith.select %eq3A_696, %broadcast_in_dim3A_698, %select_n3A_695 : vector<1x16xi1>, vector<1x16xf32>
            %eq3A_700 = arith.cmpf oeq, %select_n3A_646, %max3A_677 : vector<1x16xf32>
            %jit3A_701 = arith.constant 1.000000e+00 : f32
            %broadcast_in_dim3A_702 = vector.broadcast %jit3A_701 : f32 to vector<1x16xf32>
            %select_n3A_703 = arith.select %eq3A_700, %broadcast_in_dim3A_702, %select_n3A_699 : vector<1x16xi1>, vector<1x16xf32>
            %eq3A_704 = arith.cmpf oeq, %select_n3A_642, %max3A_677 : vector<1x16xf32>
            %jit3A_705 = arith.constant 0.000000e+00 : f32
            %broadcast_in_dim3A_706 = vector.broadcast %jit3A_705 : f32 to vector<1x16xf32>
            %select_n3A_707 = arith.select %eq3A_704, %broadcast_in_dim3A_706, %select_n3A_703 : vector<1x16xi1>, vector<1x16xf32>
            %sub3A_708 = arith.subf %get3A_545, %max3A_607 : vector<1x16xf32>
            %exp3A = math.exp %sub3A_708 : vector<1x16xf32>
            %sub3A_709 = arith.subf %get3A_553, %max3A_607 : vector<1x16xf32>
            %exp3A_710 = math.exp %sub3A_709 : vector<1x16xf32>
            %sub3A_711 = arith.subf %get3A_561, %max3A_607 : vector<1x16xf32>
            %exp3A_712 = math.exp %sub3A_711 : vector<1x16xf32>
            %sub3A_713 = arith.subf %get3A_569, %max3A_607 : vector<1x16xf32>
            %exp3A_714 = math.exp %sub3A_713 : vector<1x16xf32>
            %sub3A_715 = arith.subf %get3A_577, %max3A_607 : vector<1x16xf32>
            %exp3A_716 = math.exp %sub3A_715 : vector<1x16xf32>
            %sub3A_717 = arith.subf %get3A_585, %max3A_607 : vector<1x16xf32>
            %exp3A_718 = math.exp %sub3A_717 : vector<1x16xf32>
            %sub3A_719 = arith.subf %get3A_593, %max3A_607 : vector<1x16xf32>
            %exp3A_720 = math.exp %sub3A_719 : vector<1x16xf32>
            %sub3A_721 = arith.subf %get3A_601, %max3A_607 : vector<1x16xf32>
            %exp3A_722 = math.exp %sub3A_721 : vector<1x16xf32>
            %add3A_723 = arith.addf %exp3A, %exp3A_710 : vector<1x16xf32>
            %add3A_724 = arith.addf %add3A_723, %exp3A_712 : vector<1x16xf32>
            %add3A_725 = arith.addf %add3A_724, %exp3A_714 : vector<1x16xf32>
            %add3A_726 = arith.addf %add3A_725, %exp3A_716 : vector<1x16xf32>
            %add3A_727 = arith.addf %add3A_726, %exp3A_718 : vector<1x16xf32>
            %add3A_728 = arith.addf %add3A_727, %exp3A_720 : vector<1x16xf32>
            %add3A_729 = arith.addf %add3A_728, %exp3A_722 : vector<1x16xf32>
            %div3A = arith.constant 1.000000e+00 : f32
            %div3A_730 = vector.broadcast %div3A : f32 to vector<1x16xf32>
            %div3A_731 = arith.divf %div3A_730, %add3A_729 : vector<1x16xf32>
            %sub3A_732 = arith.subf %max3A_677, %max3A_607 : vector<1x16xf32>
            %exp3A_733 = math.exp %sub3A_732 : vector<1x16xf32>
            %add3A_734 = arith.constant 1.000000e+00 : f32
            %add3A_735 = vector.broadcast %add3A_734 : f32 to vector<1x16xf32>
            %add3A_736 = arith.addf %add3A_735, %exp3A_733 : vector<1x16xf32>
            %div3A_737 = arith.constant 1.000000e+00 : f32
            %div3A_738 = vector.broadcast %div3A_737 : f32 to vector<1x16xf32>
            %div3A_739 = arith.divf %div3A_738, %add3A_736 : vector<1x16xf32>
            %sub3A_740 = arith.constant 1.000000e+00 : f32
            %sub3A_741 = vector.broadcast %sub3A_740 : f32 to vector<1x16xf32>
            %sub3A_742 = arith.subf %sub3A_741, %div3A_739 : vector<1x16xf32>
            %broadcast_in_dim3A_743 = arith.constant 0.000000e+00 : f32
            %broadcast_in_dim3A_744 = vector.broadcast %broadcast_in_dim3A_743 : f32 to vector<1x16xf32>
            %mul3A_745 = arith.mulf %exp3A, %div3A_731 : vector<1x16xf32>
            %swap3A = arith.constant 0 : i32
            %swap3A_746 = arith.constant 0 : i32
            %swap3A_747 = tpu.memref_slice %run_scoped3A_22[%rem3A_392, %swap3A, %swap3A_746] : memref<2x8x512xf32, #tpu.memory_space<vmem>> -> memref<1x8x512xf32, #tpu.memory_space<vmem>>
            %swap3A_748 = tpu.memref_squeeze %swap3A_747 : memref<1x8x512xf32, #tpu.memory_space<vmem>> -> memref<8x512xf32, #tpu.memory_space<vmem>>
            %swap3A_749 = arith.constant 0 : index
            %swap3A_750 = arith.index_cast %add3A_538 : i32 to index
            %swap3A_751 = tpu.vector_load %swap3A_748[%swap3A_749, %swap3A_750] {strides = array<i32>} : memref<8x512xf32, #tpu.memory_space<vmem>>, vector<1x16xf32>,
            %swap3A_752 = vector.shape_cast %swap3A_751 : vector<1x16xf32> to vector<1x16xf32>
            %swap3A_753 = vector.shape_cast %mul3A_745 : vector<1x16xf32> to vector<1x16xf32>
            tpu.vector_store %swap3A_748[%swap3A_749, %swap3A_750], %swap3A_753 {strides = array<i32>} : memref<8x512xf32, #tpu.memory_space<vmem>>, vector<1x16xf32>,
            %eq3A_754 = arith.constant 0.000000e+00 : f32
            %eq3A_755 = vector.broadcast %eq3A_754 : f32 to vector<1x16xf32>
            %eq3A_756 = arith.cmpf oeq, %select_n3A_636, %eq3A_755 : vector<1x16xf32>
            %eq3A_757 = arith.constant 0.000000e+00 : f32
            %eq3A_758 = vector.broadcast %eq3A_757 : f32 to vector<1x16xf32>
            %eq3A_759 = arith.cmpf oeq, %select_n3A_707, %eq3A_758 : vector<1x16xf32>
            %select_n3A_760 = arith.select %eq3A_759, %sub3A_742, %broadcast_in_dim3A_744 : vector<1x16xi1>, vector<1x16xf32>
            %select_n3A_761 = arith.select %eq3A_756, %div3A_739, %select_n3A_760 : vector<1x16xi1>, vector<1x16xf32>
            %swap3A_762 = arith.constant 0 : i32
            %swap3A_763 = arith.constant 0 : i32
            %swap3A_764 = tpu.memref_slice %run_scoped3A_18[%rem3A_388, %swap3A_762, %swap3A_763] : memref<2x8x512xf32, #tpu.memory_space<vmem>> -> memref<1x8x512xf32, #tpu.memory_space<vmem>>
            %swap3A_765 = tpu.memref_squeeze %swap3A_764 : memref<1x8x512xf32, #tpu.memory_space<vmem>> -> memref<8x512xf32, #tpu.memory_space<vmem>>
            %swap3A_766 = arith.constant 0 : index
            %swap3A_767 = arith.index_cast %add3A_538 : i32 to index
            %swap3A_768 = tpu.vector_load %swap3A_765[%swap3A_766, %swap3A_767] {strides = array<i32>} : memref<8x512xf32, #tpu.memory_space<vmem>>, vector<1x16xf32>,
            %swap3A_769 = vector.shape_cast %swap3A_768 : vector<1x16xf32> to vector<1x16xf32>
            %swap3A_770 = vector.shape_cast %select_n3A_761 : vector<1x16xf32> to vector<1x16xf32>
            tpu.vector_store %swap3A_765[%swap3A_766, %swap3A_767], %swap3A_770 {strides = array<i32>} : memref<8x512xf32, #tpu.memory_space<vmem>>, vector<1x16xf32>,
            %mul3A_771 = arith.mulf %exp3A_710, %div3A_731 : vector<1x16xf32>
            %swap3A_772 = arith.constant 0 : i32
            %swap3A_773 = arith.constant 0 : i32
            %swap3A_774 = tpu.memref_slice %run_scoped3A_22[%rem3A_392, %swap3A_772, %swap3A_773] : memref<2x8x512xf32, #tpu.memory_space<vmem>> -> memref<1x8x512xf32, #tpu.memory_space<vmem>>
            %swap3A_775 = tpu.memref_squeeze %swap3A_774 : memref<1x8x512xf32, #tpu.memory_space<vmem>> -> memref<8x512xf32, #tpu.memory_space<vmem>>
            %swap3A_776 = arith.constant 1 : index
            %swap3A_777 = arith.index_cast %add3A_538 : i32 to index
            %swap3A_778 = tpu.vector_load %swap3A_775[%swap3A_776, %swap3A_777] {strides = array<i32>} : memref<8x512xf32, #tpu.memory_space<vmem>>, vector<1x16xf32>,
            %swap3A_779 = vector.shape_cast %swap3A_778 : vector<1x16xf32> to vector<1x16xf32>
            %swap3A_780 = vector.shape_cast %mul3A_771 : vector<1x16xf32> to vector<1x16xf32>
            tpu.vector_store %swap3A_775[%swap3A_776, %swap3A_777], %swap3A_780 {strides = array<i32>} : memref<8x512xf32, #tpu.memory_space<vmem>>, vector<1x16xf32>,
            %eq3A_781 = arith.constant 1.000000e+00 : f32
            %eq3A_782 = vector.broadcast %eq3A_781 : f32 to vector<1x16xf32>
            %eq3A_783 = arith.cmpf oeq, %select_n3A_636, %eq3A_782 : vector<1x16xf32>
            %eq3A_784 = arith.constant 1.000000e+00 : f32
            %eq3A_785 = vector.broadcast %eq3A_784 : f32 to vector<1x16xf32>
            %eq3A_786 = arith.cmpf oeq, %select_n3A_707, %eq3A_785 : vector<1x16xf32>
            %select_n3A_787 = arith.select %eq3A_786, %sub3A_742, %broadcast_in_dim3A_744 : vector<1x16xi1>, vector<1x16xf32>
            %select_n3A_788 = arith.select %eq3A_783, %div3A_739, %select_n3A_787 : vector<1x16xi1>, vector<1x16xf32>
            %swap3A_789 = arith.constant 0 : i32
            %swap3A_790 = arith.constant 0 : i32
            %swap3A_791 = tpu.memref_slice %run_scoped3A_18[%rem3A_388, %swap3A_789, %swap3A_790] : memref<2x8x512xf32, #tpu.memory_space<vmem>> -> memref<1x8x512xf32, #tpu.memory_space<vmem>>
            %swap3A_792 = tpu.memref_squeeze %swap3A_791 : memref<1x8x512xf32, #tpu.memory_space<vmem>> -> memref<8x512xf32, #tpu.memory_space<vmem>>
            %swap3A_793 = arith.constant 1 : index
            %swap3A_794 = arith.index_cast %add3A_538 : i32 to index
            %swap3A_795 = tpu.vector_load %swap3A_792[%swap3A_793, %swap3A_794] {strides = array<i32>} : memref<8x512xf32, #tpu.memory_space<vmem>>, vector<1x16xf32>,
            %swap3A_796 = vector.shape_cast %swap3A_795 : vector<1x16xf32> to vector<1x16xf32>
            %swap3A_797 = vector.shape_cast %select_n3A_788 : vector<1x16xf32> to vector<1x16xf32>
            tpu.vector_store %swap3A_792[%swap3A_793, %swap3A_794], %swap3A_797 {strides = array<i32>} : memref<8x512xf32, #tpu.memory_space<vmem>>, vector<1x16xf32>,
            %mul3A_798 = arith.mulf %exp3A_712, %div3A_731 : vector<1x16xf32>
            %swap3A_799 = arith.constant 0 : i32
            %swap3A_800 = arith.constant 0 : i32
            %swap3A_801 = tpu.memref_slice %run_scoped3A_22[%rem3A_392, %swap3A_799, %swap3A_800] : memref<2x8x512xf32, #tpu.memory_space<vmem>> -> memref<1x8x512xf32, #tpu.memory_space<vmem>>
            %swap3A_802 = tpu.memref_squeeze %swap3A_801 : memref<1x8x512xf32, #tpu.memory_space<vmem>> -> memref<8x512xf32, #tpu.memory_space<vmem>>
            %swap3A_803 = arith.constant 2 : index
            %swap3A_804 = arith.index_cast %add3A_538 : i32 to index
            %swap3A_805 = tpu.vector_load %swap3A_802[%swap3A_803, %swap3A_804] {strides = array<i32>} : memref<8x512xf32, #tpu.memory_space<vmem>>, vector<1x16xf32>,
            %swap3A_806 = vector.shape_cast %swap3A_805 : vector<1x16xf32> to vector<1x16xf32>
            %swap3A_807 = vector.shape_cast %mul3A_798 : vector<1x16xf32> to vector<1x16xf32>
            tpu.vector_store %swap3A_802[%swap3A_803, %swap3A_804], %swap3A_807 {strides = array<i32>} : memref<8x512xf32, #tpu.memory_space<vmem>>, vector<1x16xf32>,
            %eq3A_808 = arith.constant 2.000000e+00 : f32
            %eq3A_809 = vector.broadcast %eq3A_808 : f32 to vector<1x16xf32>
            %eq3A_810 = arith.cmpf oeq, %select_n3A_636, %eq3A_809 : vector<1x16xf32>
            %eq3A_811 = arith.constant 2.000000e+00 : f32
            %eq3A_812 = vector.broadcast %eq3A_811 : f32 to vector<1x16xf32>
            %eq3A_813 = arith.cmpf oeq, %select_n3A_707, %eq3A_812 : vector<1x16xf32>
            %select_n3A_814 = arith.select %eq3A_813, %sub3A_742, %broadcast_in_dim3A_744 : vector<1x16xi1>, vector<1x16xf32>
            %select_n3A_815 = arith.select %eq3A_810, %div3A_739, %select_n3A_814 : vector<1x16xi1>, vector<1x16xf32>
            %swap3A_816 = arith.constant 0 : i32
            %swap3A_817 = arith.constant 0 : i32
            %swap3A_818 = tpu.memref_slice %run_scoped3A_18[%rem3A_388, %swap3A_816, %swap3A_817] : memref<2x8x512xf32, #tpu.memory_space<vmem>> -> memref<1x8x512xf32, #tpu.memory_space<vmem>>
            %swap3A_819 = tpu.memref_squeeze %swap3A_818 : memref<1x8x512xf32, #tpu.memory_space<vmem>> -> memref<8x512xf32, #tpu.memory_space<vmem>>
            %swap3A_820 = arith.constant 2 : index
            %swap3A_821 = arith.index_cast %add3A_538 : i32 to index
            %swap3A_822 = tpu.vector_load %swap3A_819[%swap3A_820, %swap3A_821] {strides = array<i32>} : memref<8x512xf32, #tpu.memory_space<vmem>>, vector<1x16xf32>,
            %swap3A_823 = vector.shape_cast %swap3A_822 : vector<1x16xf32> to vector<1x16xf32>
            %swap3A_824 = vector.shape_cast %select_n3A_815 : vector<1x16xf32> to vector<1x16xf32>
            tpu.vector_store %swap3A_819[%swap3A_820, %swap3A_821], %swap3A_824 {strides = array<i32>} : memref<8x512xf32, #tpu.memory_space<vmem>>, vector<1x16xf32>,
            %mul3A_825 = arith.mulf %exp3A_714, %div3A_731 : vector<1x16xf32>
            %swap3A_826 = arith.constant 0 : i32
            %swap3A_827 = arith.constant 0 : i32
            %swap3A_828 = tpu.memref_slice %run_scoped3A_22[%rem3A_392, %swap3A_826, %swap3A_827] : memref<2x8x512xf32, #tpu.memory_space<vmem>> -> memref<1x8x512xf32, #tpu.memory_space<vmem>>
            %swap3A_829 = tpu.memref_squeeze %swap3A_828 : memref<1x8x512xf32, #tpu.memory_space<vmem>> -> memref<8x512xf32, #tpu.memory_space<vmem>>
            %swap3A_830 = arith.constant 3 : index
            %swap3A_831 = arith.index_cast %add3A_538 : i32 to index
            %swap3A_832 = tpu.vector_load %swap3A_829[%swap3A_830, %swap3A_831] {strides = array<i32>} : memref<8x512xf32, #tpu.memory_space<vmem>>, vector<1x16xf32>,
            %swap3A_833 = vector.shape_cast %swap3A_832 : vector<1x16xf32> to vector<1x16xf32>
            %swap3A_834 = vector.shape_cast %mul3A_825 : vector<1x16xf32> to vector<1x16xf32>
            tpu.vector_store %swap3A_829[%swap3A_830, %swap3A_831], %swap3A_834 {strides = array<i32>} : memref<8x512xf32, #tpu.memory_space<vmem>>, vector<1x16xf32>,
            %eq3A_835 = arith.constant 3.000000e+00 : f32
            %eq3A_836 = vector.broadcast %eq3A_835 : f32 to vector<1x16xf32>
            %eq3A_837 = arith.cmpf oeq, %select_n3A_636, %eq3A_836 : vector<1x16xf32>
            %eq3A_838 = arith.constant 3.000000e+00 : f32
            %eq3A_839 = vector.broadcast %eq3A_838 : f32 to vector<1x16xf32>
            %eq3A_840 = arith.cmpf oeq, %select_n3A_707, %eq3A_839 : vector<1x16xf32>
            %select_n3A_841 = arith.select %eq3A_840, %sub3A_742, %broadcast_in_dim3A_744 : vector<1x16xi1>, vector<1x16xf32>
            %select_n3A_842 = arith.select %eq3A_837, %div3A_739, %select_n3A_841 : vector<1x16xi1>, vector<1x16xf32>
            %swap3A_843 = arith.constant 0 : i32
            %swap3A_844 = arith.constant 0 : i32
            %swap3A_845 = tpu.memref_slice %run_scoped3A_18[%rem3A_388, %swap3A_843, %swap3A_844] : memref<2x8x512xf32, #tpu.memory_space<vmem>> -> memref<1x8x512xf32, #tpu.memory_space<vmem>>
            %swap3A_846 = tpu.memref_squeeze %swap3A_845 : memref<1x8x512xf32, #tpu.memory_space<vmem>> -> memref<8x512xf32, #tpu.memory_space<vmem>>
            %swap3A_847 = arith.constant 3 : index
            %swap3A_848 = arith.index_cast %add3A_538 : i32 to index
            %swap3A_849 = tpu.vector_load %swap3A_846[%swap3A_847, %swap3A_848] {strides = array<i32>} : memref<8x512xf32, #tpu.memory_space<vmem>>, vector<1x16xf32>,
            %swap3A_850 = vector.shape_cast %swap3A_849 : vector<1x16xf32> to vector<1x16xf32>
            %swap3A_851 = vector.shape_cast %select_n3A_842 : vector<1x16xf32> to vector<1x16xf32>
            tpu.vector_store %swap3A_846[%swap3A_847, %swap3A_848], %swap3A_851 {strides = array<i32>} : memref<8x512xf32, #tpu.memory_space<vmem>>, vector<1x16xf32>,
            %mul3A_852 = arith.mulf %exp3A_716, %div3A_731 : vector<1x16xf32>
            %swap3A_853 = arith.constant 0 : i32
            %swap3A_854 = arith.constant 0 : i32
            %swap3A_855 = tpu.memref_slice %run_scoped3A_22[%rem3A_392, %swap3A_853, %swap3A_854] : memref<2x8x512xf32, #tpu.memory_space<vmem>> -> memref<1x8x512xf32, #tpu.memory_space<vmem>>
            %swap3A_856 = tpu.memref_squeeze %swap3A_855 : memref<1x8x512xf32, #tpu.memory_space<vmem>> -> memref<8x512xf32, #tpu.memory_space<vmem>>
            %swap3A_857 = arith.constant 4 : index
            %swap3A_858 = arith.index_cast %add3A_538 : i32 to index
            %swap3A_859 = tpu.vector_load %swap3A_856[%swap3A_857, %swap3A_858] {strides = array<i32>} : memref<8x512xf32, #tpu.memory_space<vmem>>, vector<1x16xf32>,
            %swap3A_860 = vector.shape_cast %swap3A_859 : vector<1x16xf32> to vector<1x16xf32>
            %swap3A_861 = vector.shape_cast %mul3A_852 : vector<1x16xf32> to vector<1x16xf32>
            tpu.vector_store %swap3A_856[%swap3A_857, %swap3A_858], %swap3A_861 {strides = array<i32>} : memref<8x512xf32, #tpu.memory_space<vmem>>, vector<1x16xf32>,
            %eq3A_862 = arith.constant 4.000000e+00 : f32
            %eq3A_863 = vector.broadcast %eq3A_862 : f32 to vector<1x16xf32>
            %eq3A_864 = arith.cmpf oeq, %select_n3A_636, %eq3A_863 : vector<1x16xf32>
            %eq3A_865 = arith.constant 4.000000e+00 : f32
            %eq3A_866 = vector.broadcast %eq3A_865 : f32 to vector<1x16xf32>
            %eq3A_867 = arith.cmpf oeq, %select_n3A_707, %eq3A_866 : vector<1x16xf32>
            %select_n3A_868 = arith.select %eq3A_867, %sub3A_742, %broadcast_in_dim3A_744 : vector<1x16xi1>, vector<1x16xf32>
            %select_n3A_869 = arith.select %eq3A_864, %div3A_739, %select_n3A_868 : vector<1x16xi1>, vector<1x16xf32>
            %swap3A_870 = arith.constant 0 : i32
            %swap3A_871 = arith.constant 0 : i32
            %swap3A_872 = tpu.memref_slice %run_scoped3A_18[%rem3A_388, %swap3A_870, %swap3A_871] : memref<2x8x512xf32, #tpu.memory_space<vmem>> -> memref<1x8x512xf32, #tpu.memory_space<vmem>>
            %swap3A_873 = tpu.memref_squeeze %swap3A_872 : memref<1x8x512xf32, #tpu.memory_space<vmem>> -> memref<8x512xf32, #tpu.memory_space<vmem>>
            %swap3A_874 = arith.constant 4 : index
            %swap3A_875 = arith.index_cast %add3A_538 : i32 to index
            %swap3A_876 = tpu.vector_load %swap3A_873[%swap3A_874, %swap3A_875] {strides = array<i32>} : memref<8x512xf32, #tpu.memory_space<vmem>>, vector<1x16xf32>,
            %swap3A_877 = vector.shape_cast %swap3A_876 : vector<1x16xf32> to vector<1x16xf32>
            %swap3A_878 = vector.shape_cast %select_n3A_869 : vector<1x16xf32> to vector<1x16xf32>
            tpu.vector_store %swap3A_873[%swap3A_874, %swap3A_875], %swap3A_878 {strides = array<i32>} : memref<8x512xf32, #tpu.memory_space<vmem>>, vector<1x16xf32>,
            %mul3A_879 = arith.mulf %exp3A_718, %div3A_731 : vector<1x16xf32>
            %swap3A_880 = arith.constant 0 : i32
            %swap3A_881 = arith.constant 0 : i32
            %swap3A_882 = tpu.memref_slice %run_scoped3A_22[%rem3A_392, %swap3A_880, %swap3A_881] : memref<2x8x512xf32, #tpu.memory_space<vmem>> -> memref<1x8x512xf32, #tpu.memory_space<vmem>>
            %swap3A_883 = tpu.memref_squeeze %swap3A_882 : memref<1x8x512xf32, #tpu.memory_space<vmem>> -> memref<8x512xf32, #tpu.memory_space<vmem>>
            %swap3A_884 = arith.constant 5 : index
            %swap3A_885 = arith.index_cast %add3A_538 : i32 to index
            %swap3A_886 = tpu.vector_load %swap3A_883[%swap3A_884, %swap3A_885] {strides = array<i32>} : memref<8x512xf32, #tpu.memory_space<vmem>>, vector<1x16xf32>,
            %swap3A_887 = vector.shape_cast %swap3A_886 : vector<1x16xf32> to vector<1x16xf32>
            %swap3A_888 = vector.shape_cast %mul3A_879 : vector<1x16xf32> to vector<1x16xf32>
            tpu.vector_store %swap3A_883[%swap3A_884, %swap3A_885], %swap3A_888 {strides = array<i32>} : memref<8x512xf32, #tpu.memory_space<vmem>>, vector<1x16xf32>,
            %eq3A_889 = arith.constant 5.000000e+00 : f32
            %eq3A_890 = vector.broadcast %eq3A_889 : f32 to vector<1x16xf32>
            %eq3A_891 = arith.cmpf oeq, %select_n3A_636, %eq3A_890 : vector<1x16xf32>
            %eq3A_892 = arith.constant 5.000000e+00 : f32
            %eq3A_893 = vector.broadcast %eq3A_892 : f32 to vector<1x16xf32>
            %eq3A_894 = arith.cmpf oeq, %select_n3A_707, %eq3A_893 : vector<1x16xf32>
            %select_n3A_895 = arith.select %eq3A_894, %sub3A_742, %broadcast_in_dim3A_744 : vector<1x16xi1>, vector<1x16xf32>
            %select_n3A_896 = arith.select %eq3A_891, %div3A_739, %select_n3A_895 : vector<1x16xi1>, vector<1x16xf32>
            %swap3A_897 = arith.constant 0 : i32
            %swap3A_898 = arith.constant 0 : i32
            %swap3A_899 = tpu.memref_slice %run_scoped3A_18[%rem3A_388, %swap3A_897, %swap3A_898] : memref<2x8x512xf32, #tpu.memory_space<vmem>> -> memref<1x8x512xf32, #tpu.memory_space<vmem>>
            %swap3A_900 = tpu.memref_squeeze %swap3A_899 : memref<1x8x512xf32, #tpu.memory_space<vmem>> -> memref<8x512xf32, #tpu.memory_space<vmem>>
            %swap3A_901 = arith.constant 5 : index
            %swap3A_902 = arith.index_cast %add3A_538 : i32 to index
            %swap3A_903 = tpu.vector_load %swap3A_900[%swap3A_901, %swap3A_902] {strides = array<i32>} : memref<8x512xf32, #tpu.memory_space<vmem>>, vector<1x16xf32>,
            %swap3A_904 = vector.shape_cast %swap3A_903 : vector<1x16xf32> to vector<1x16xf32>
            %swap3A_905 = vector.shape_cast %select_n3A_896 : vector<1x16xf32> to vector<1x16xf32>
            tpu.vector_store %swap3A_900[%swap3A_901, %swap3A_902], %swap3A_905 {strides = array<i32>} : memref<8x512xf32, #tpu.memory_space<vmem>>, vector<1x16xf32>,
            %mul3A_906 = arith.mulf %exp3A_720, %div3A_731 : vector<1x16xf32>
            %swap3A_907 = arith.constant 0 : i32
            %swap3A_908 = arith.constant 0 : i32
            %swap3A_909 = tpu.memref_slice %run_scoped3A_22[%rem3A_392, %swap3A_907, %swap3A_908] : memref<2x8x512xf32, #tpu.memory_space<vmem>> -> memref<1x8x512xf32, #tpu.memory_space<vmem>>
            %swap3A_910 = tpu.memref_squeeze %swap3A_909 : memref<1x8x512xf32, #tpu.memory_space<vmem>> -> memref<8x512xf32, #tpu.memory_space<vmem>>
            %swap3A_911 = arith.constant 6 : index
            %swap3A_912 = arith.index_cast %add3A_538 : i32 to index
            %swap3A_913 = tpu.vector_load %swap3A_910[%swap3A_911, %swap3A_912] {strides = array<i32>} : memref<8x512xf32, #tpu.memory_space<vmem>>, vector<1x16xf32>,
            %swap3A_914 = vector.shape_cast %swap3A_913 : vector<1x16xf32> to vector<1x16xf32>
            %swap3A_915 = vector.shape_cast %mul3A_906 : vector<1x16xf32> to vector<1x16xf32>
            tpu.vector_store %swap3A_910[%swap3A_911, %swap3A_912], %swap3A_915 {strides = array<i32>} : memref<8x512xf32, #tpu.memory_space<vmem>>, vector<1x16xf32>,
            %eq3A_916 = arith.constant 6.000000e+00 : f32
            %eq3A_917 = vector.broadcast %eq3A_916 : f32 to vector<1x16xf32>
            %eq3A_918 = arith.cmpf oeq, %select_n3A_636, %eq3A_917 : vector<1x16xf32>
            %eq3A_919 = arith.constant 6.000000e+00 : f32
            %eq3A_920 = vector.broadcast %eq3A_919 : f32 to vector<1x16xf32>
            %eq3A_921 = arith.cmpf oeq, %select_n3A_707, %eq3A_920 : vector<1x16xf32>
            %select_n3A_922 = arith.select %eq3A_921, %sub3A_742, %broadcast_in_dim3A_744 : vector<1x16xi1>, vector<1x16xf32>
            %select_n3A_923 = arith.select %eq3A_918, %div3A_739, %select_n3A_922 : vector<1x16xi1>, vector<1x16xf32>
            %swap3A_924 = arith.constant 0 : i32
            %swap3A_925 = arith.constant 0 : i32
            %swap3A_926 = tpu.memref_slice %run_scoped3A_18[%rem3A_388, %swap3A_924, %swap3A_925] : memref<2x8x512xf32, #tpu.memory_space<vmem>> -> memref<1x8x512xf32, #tpu.memory_space<vmem>>
            %swap3A_927 = tpu.memref_squeeze %swap3A_926 : memref<1x8x512xf32, #tpu.memory_space<vmem>> -> memref<8x512xf32, #tpu.memory_space<vmem>>
            %swap3A_928 = arith.constant 6 : index
            %swap3A_929 = arith.index_cast %add3A_538 : i32 to index
            %swap3A_930 = tpu.vector_load %swap3A_927[%swap3A_928, %swap3A_929] {strides = array<i32>} : memref<8x512xf32, #tpu.memory_space<vmem>>, vector<1x16xf32>,
            %swap3A_931 = vector.shape_cast %swap3A_930 : vector<1x16xf32> to vector<1x16xf32>
            %swap3A_932 = vector.shape_cast %select_n3A_923 : vector<1x16xf32> to vector<1x16xf32>
            tpu.vector_store %swap3A_927[%swap3A_928, %swap3A_929], %swap3A_932 {strides = array<i32>} : memref<8x512xf32, #tpu.memory_space<vmem>>, vector<1x16xf32>,
            %mul3A_933 = arith.mulf %exp3A_722, %div3A_731 : vector<1x16xf32>
            %swap3A_934 = arith.constant 0 : i32
            %swap3A_935 = arith.constant 0 : i32
            %swap3A_936 = tpu.memref_slice %run_scoped3A_22[%rem3A_392, %swap3A_934, %swap3A_935] : memref<2x8x512xf32, #tpu.memory_space<vmem>> -> memref<1x8x512xf32, #tpu.memory_space<vmem>>
            %swap3A_937 = tpu.memref_squeeze %swap3A_936 : memref<1x8x512xf32, #tpu.memory_space<vmem>> -> memref<8x512xf32, #tpu.memory_space<vmem>>
            %swap3A_938 = arith.constant 7 : index
            %swap3A_939 = arith.index_cast %add3A_538 : i32 to index
            %swap3A_940 = tpu.vector_load %swap3A_937[%swap3A_938, %swap3A_939] {strides = array<i32>} : memref<8x512xf32, #tpu.memory_space<vmem>>, vector<1x16xf32>,
            %swap3A_941 = vector.shape_cast %swap3A_940 : vector<1x16xf32> to vector<1x16xf32>
            %swap3A_942 = vector.shape_cast %mul3A_933 : vector<1x16xf32> to vector<1x16xf32>
            tpu.vector_store %swap3A_937[%swap3A_938, %swap3A_939], %swap3A_942 {strides = array<i32>} : memref<8x512xf32, #tpu.memory_space<vmem>>, vector<1x16xf32>,
            %eq3A_943 = arith.constant 7.000000e+00 : f32
            %eq3A_944 = vector.broadcast %eq3A_943 : f32 to vector<1x16xf32>
            %eq3A_945 = arith.cmpf oeq, %select_n3A_636, %eq3A_944 : vector<1x16xf32>
            %eq3A_946 = arith.constant 7.000000e+00 : f32
            %eq3A_947 = vector.broadcast %eq3A_946 : f32 to vector<1x16xf32>
            %eq3A_948 = arith.cmpf oeq, %select_n3A_707, %eq3A_947 : vector<1x16xf32>
            %select_n3A_949 = arith.select %eq3A_948, %sub3A_742, %broadcast_in_dim3A_744 : vector<1x16xi1>, vector<1x16xf32>
            %select_n3A_950 = arith.select %eq3A_945, %div3A_739, %select_n3A_949 : vector<1x16xi1>, vector<1x16xf32>
            %swap3A_951 = arith.constant 0 : i32
            %swap3A_952 = arith.constant 0 : i32
            %swap3A_953 = tpu.memref_slice %run_scoped3A_18[%rem3A_388, %swap3A_951, %swap3A_952] : memref<2x8x512xf32, #tpu.memory_space<vmem>> -> memref<1x8x512xf32, #tpu.memory_space<vmem>>
            %swap3A_954 = tpu.memref_squeeze %swap3A_953 : memref<1x8x512xf32, #tpu.memory_space<vmem>> -> memref<8x512xf32, #tpu.memory_space<vmem>>
            %swap3A_955 = arith.constant 7 : index
            %swap3A_956 = arith.index_cast %add3A_538 : i32 to index
            %swap3A_957 = tpu.vector_load %swap3A_954[%swap3A_955, %swap3A_956] {strides = array<i32>} : memref<8x512xf32, #tpu.memory_space<vmem>>, vector<1x16xf32>,
            %swap3A_958 = vector.shape_cast %swap3A_957 : vector<1x16xf32> to vector<1x16xf32>
            %swap3A_959 = vector.shape_cast %select_n3A_950 : vector<1x16xf32> to vector<1x16xf32>
            tpu.vector_store %swap3A_954[%swap3A_955, %swap3A_956], %swap3A_959 {strides = array<i32>} : memref<8x512xf32, #tpu.memory_space<vmem>>, vector<1x16xf32>,
            %convert_element_type3A_960 = arith.fptosi %select_n3A_636 : vector<1x16xf32> to vector<1x16xi32>
            %swap3A_961 = arith.constant 0 : i32
            %swap3A_962 = arith.constant 0 : i32
            %swap3A_963 = tpu.memref_slice %run_scoped3A_20[%rem3A_390, %swap3A_961, %swap3A_962] : memref<2x2x512xi32, #tpu.memory_space<vmem>> -> memref<1x2x512xi32, #tpu.memory_space<vmem>>
            %swap3A_964 = tpu.memref_squeeze %swap3A_963 : memref<1x2x512xi32, #tpu.memory_space<vmem>> -> memref<2x512xi32, #tpu.memory_space<vmem>>
            %swap3A_965 = arith.constant 0 : index
            %swap3A_966 = arith.index_cast %add3A_538 : i32 to index
            %swap3A_967 = tpu.vector_load %swap3A_964[%swap3A_965, %swap3A_966] {strides = array<i32>} : memref<2x512xi32, #tpu.memory_space<vmem>>, vector<1x16xi32>,
            %swap3A_968 = vector.shape_cast %swap3A_967 : vector<1x16xi32> to vector<1x16xi32>
            %swap3A_969 = vector.shape_cast %convert_element_type3A_960 : vector<1x16xi32> to vector<1x16xi32>
            tpu.vector_store %swap3A_964[%swap3A_965, %swap3A_966], %swap3A_969 {strides = array<i32>} : memref<2x512xi32, #tpu.memory_space<vmem>>, vector<1x16xi32>,
            %convert_element_type3A_970 = arith.fptosi %select_n3A_707 : vector<1x16xf32> to vector<1x16xi32>
            %swap3A_971 = arith.constant 0 : i32
            %swap3A_972 = arith.constant 0 : i32
            %swap3A_973 = tpu.memref_slice %run_scoped3A_20[%rem3A_390, %swap3A_971, %swap3A_972] : memref<2x2x512xi32, #tpu.memory_space<vmem>> -> memref<1x2x512xi32, #tpu.memory_space<vmem>>
            %swap3A_974 = tpu.memref_squeeze %swap3A_973 : memref<1x2x512xi32, #tpu.memory_space<vmem>> -> memref<2x512xi32, #tpu.memory_space<vmem>>
            %swap3A_975 = arith.constant 1 : index
            %swap3A_976 = arith.index_cast %add3A_538 : i32 to index
            %swap3A_977 = tpu.vector_load %swap3A_974[%swap3A_975, %swap3A_976] {strides = array<i32>} : memref<2x512xi32, #tpu.memory_space<vmem>>, vector<1x16xi32>,
            %swap3A_978 = vector.shape_cast %swap3A_977 : vector<1x16xi32> to vector<1x16xi32>
            %swap3A_979 = vector.shape_cast %convert_element_type3A_970 : vector<1x16xi32> to vector<1x16xi32>
            tpu.vector_store %swap3A_974[%swap3A_975, %swap3A_976], %swap3A_979 {strides = array<i32>} : memref<2x512xi32, #tpu.memory_space<vmem>>, vector<1x16xi32>,
          }
          %scan3A_396 = arith.constant 32 : i32
          "tpu.trace_stop"() : () -> ()
          %ne3A_397 = arith.cmpi ne, %add3A_239, %add3A_275 : i32
          %ne3A_398 = arith.cmpi ne, %add3A_240, %add3A_276 : i32
          %or3A_399 = arith.constant false
          %or3A_400 = arith.ori %or3A_399, %ne3A_397 : i1
          %or3A_401 = arith.ori %or3A_400, %ne3A_398 : i1
          %or3A_402 = arith.ori %or3A_401, %eq3A_237 : i1
          %convert_element_type3A_403 = arith.extui %or3A_402 : i1 to i32
          %cond3A_404 = arith.constant 0 : i32
          %cond3A_405 = arith.cmpi ne, %convert_element_type3A_403, %cond3A_404 : i32
          scf.if %cond3A_405 {
          } else {
          }
          %and3A_406 = arith.constant false
          %and3A_407 = arith.andi %or3A_402, %and3A_406 : i1
          %ne3A_408 = arith.cmpi ne, %add3A_239, %add3A_275 : i32
          %ne3A_409 = arith.cmpi ne, %add3A_240, %add3A_276 : i32
          %or3A_410 = arith.constant false
          %or3A_411 = arith.ori %or3A_410, %ne3A_408 : i1
          %or3A_412 = arith.ori %or3A_411, %ne3A_409 : i1
          %or3A_413 = arith.ori %or3A_412, %eq3A_237 : i1
          %convert_element_type3A_414 = arith.extui %or3A_413 : i1 to i32
          %cond3A_415 = arith.constant 0 : i32
          %cond3A_416 = arith.cmpi ne, %convert_element_type3A_414, %cond3A_415 : i32
          scf.if %cond3A_416 {
            "tpu.trace_start"() <{level = 10 : i32, message = "ep_copy_out"}> : () -> ()
            %rem3A_534 = arith.constant 2 : i32
            %rem3A_535 = arith.remui %while3A_223, %rem3A_534 : i32
            %mul3A_536 = arith.constant 8 : i32
            %mul3A_537 = arith.muli %mul3A_536, %add3A_239 : i32
            %mul3A_538 = arith.constant 512 : i32
            %mul3A_539 = arith.muli %mul3A_538, %add3A_240 : i32
            %dma_start3A_540 = arith.constant 0 : i32
            %dma_start3A_541 = arith.constant 0 : i32
            %dma_start3A_542 = tpu.memref_slice %run_scoped3A_18[%rem3A_535, %dma_start3A_540, %dma_start3A_541] : memref<2x8x512xf32, #tpu.memory_space<vmem>> -> memref<1x8x512xf32, #tpu.memory_space<vmem>>
            %dma_start3A_543 = tpu.memref_squeeze %dma_start3A_542 : memref<1x8x512xf32, #tpu.memory_space<vmem>> -> memref<8x512xf32, #tpu.memory_space<vmem>>
            %dma_start3A_544 = tpu.memref_slice %arg3[%mul3A_537, %mul3A_539] : memref<32x8192xf32, #tpu.memory_space<hbm>> -> memref<8x512xf32, #tpu.memory_space<hbm>>
            %dma_start3A_545 = tpu.memref_slice %run_scoped3A_19[%rem3A_535] : memref<2x!tpu.dma_semaphore, #tpu.memory_space<semaphore_mem>> -> memref<1x!tpu.dma_semaphore, #tpu.memory_space<semaphore_mem>>
            %dma_start3A_546 = tpu.memref_squeeze %dma_start3A_545 : memref<1x!tpu.dma_semaphore, #tpu.memory_space<semaphore_mem>> -> memref<!tpu.dma_semaphore, #tpu.memory_space<semaphore_mem>>
            %dma_start3A_547 = tpu.memref_slice %arg3[%mul3A_537, %mul3A_539] : memref<32x8192xf32, #tpu.memory_space<hbm>> -> memref<8x512xf32, #tpu.memory_space<hbm>>
            %dma_start3A_548 = arith.constant 0 : i32
            %dma_start3A_549 = arith.constant 0 : i32
            %dma_start3A_550 = tpu.memref_slice %run_scoped3A_18[%rem3A_535, %dma_start3A_548, %dma_start3A_549] : memref<2x8x512xf32, #tpu.memory_space<vmem>> -> memref<1x8x512xf32, #tpu.memory_space<vmem>>
            %dma_start3A_551 = tpu.memref_squeeze %dma_start3A_550 : memref<1x8x512xf32, #tpu.memory_space<vmem>> -> memref<8x512xf32, #tpu.memory_space<vmem>>
            tpu.enqueue_dma source(%dma_start3A_551 : memref<8x512xf32, #tpu.memory_space<vmem>>) target(%dma_start3A_547 : memref<8x512xf32, #tpu.memory_space<hbm>>) target_semaphore(%dma_start3A_546 : memref<!tpu.dma_semaphore, #tpu.memory_space<semaphore_mem>>)
            "tpu.trace_stop"() : () -> ()
          } else {
          }
          %and3A_417 = arith.constant true
          %and3A_418 = arith.andi %or3A_413, %and3A_417 : i1
          %add3A_419 = arith.constant 1 : i32
          %add3A_420 = arith.addi %while3A_223, %add3A_419 : i32
          %select_n3A_421 = arith.select %and3A_418, %add3A_420, %while3A_223 : i32
          %ne3A_422 = arith.cmpi ne, %add3A_239, %add3A_275 : i32
          %ne3A_423 = arith.cmpi ne, %add3A_240, %add3A_276 : i32
          %or3A_424 = arith.constant false
          %or3A_425 = arith.ori %or3A_424, %ne3A_422 : i1
          %or3A_426 = arith.ori %or3A_425, %ne3A_423 : i1
          %or3A_427 = arith.ori %or3A_426, %eq3A_237 : i1
          %convert_element_type3A_428 = arith.extui %or3A_427 : i1 to i32
          %cond3A_429 = arith.constant 0 : i32
          %cond3A_430 = arith.cmpi ne, %convert_element_type3A_428, %cond3A_429 : i32
          scf.if %cond3A_430 {
            "tpu.trace_start"() <{level = 10 : i32, message = "ep_copy_out"}> : () -> ()
            %rem3A_534 = arith.constant 2 : i32
            %rem3A_535 = arith.remui %while3A_225, %rem3A_534 : i32
            %mul3A_536 = arith.constant 2 : i32
            %mul3A_537 = arith.muli %mul3A_536, %add3A_239 : i32
            %mul3A_538 = arith.constant 512 : i32
            %mul3A_539 = arith.muli %mul3A_538, %add3A_240 : i32
            %dma_start3A_540 = arith.constant 0 : i32
            %dma_start3A_541 = arith.constant 0 : i32
            %dma_start3A_542 = tpu.memref_slice %run_scoped3A_20[%rem3A_535, %dma_start3A_540, %dma_start3A_541] : memref<2x2x512xi32, #tpu.memory_space<vmem>> -> memref<1x2x512xi32, #tpu.memory_space<vmem>>
            %dma_start3A_543 = tpu.memref_squeeze %dma_start3A_542 : memref<1x2x512xi32, #tpu.memory_space<vmem>> -> memref<2x512xi32, #tpu.memory_space<vmem>>
            %dma_start3A_544 = tpu.memref_slice %arg4[%mul3A_537, %mul3A_539] : memref<8x8192xi32, #tpu.memory_space<hbm>> -> memref<2x512xi32, #tpu.memory_space<hbm>>
            %dma_start3A_545 = tpu.memref_slice %run_scoped3A_21[%rem3A_535] : memref<2x!tpu.dma_semaphore, #tpu.memory_space<semaphore_mem>> -> memref<1x!tpu.dma_semaphore, #tpu.memory_space<semaphore_mem>>
            %dma_start3A_546 = tpu.memref_squeeze %dma_start3A_545 : memref<1x!tpu.dma_semaphore, #tpu.memory_space<semaphore_mem>> -> memref<!tpu.dma_semaphore, #tpu.memory_space<semaphore_mem>>
            %dma_start3A_547 = tpu.memref_slice %arg4[%mul3A_537, %mul3A_539] : memref<8x8192xi32, #tpu.memory_space<hbm>> -> memref<2x512xi32, #tpu.memory_space<hbm>>
            %dma_start3A_548 = arith.constant 0 : i32
            %dma_start3A_549 = arith.constant 0 : i32
            %dma_start3A_550 = tpu.memref_slice %run_scoped3A_20[%rem3A_535, %dma_start3A_548, %dma_start3A_549] : memref<2x2x512xi32, #tpu.memory_space<vmem>> -> memref<1x2x512xi32, #tpu.memory_space<vmem>>
            %dma_start3A_551 = tpu.memref_squeeze %dma_start3A_550 : memref<1x2x512xi32, #tpu.memory_space<vmem>> -> memref<2x512xi32, #tpu.memory_space<vmem>>
            tpu.enqueue_dma source(%dma_start3A_551 : memref<2x512xi32, #tpu.memory_space<vmem>>) target(%dma_start3A_547 : memref<2x512xi32, #tpu.memory_space<hbm>>) target_semaphore(%dma_start3A_546 : memref<!tpu.dma_semaphore, #tpu.memory_space<semaphore_mem>>)
            "tpu.trace_stop"() : () -> ()
          } else {
          }
          %and3A_431 = arith.constant true
          %and3A_432 = arith.andi %or3A_427, %and3A_431 : i1
          %add3A_433 = arith.constant 1 : i32
          %add3A_434 = arith.addi %while3A_225, %add3A_433 : i32
          %select_n3A_435 = arith.select %and3A_432, %add3A_434, %while3A_225 : i32
          %ne3A_436 = arith.cmpi ne, %add3A_239, %add3A_275 : i32
          %ne3A_437 = arith.cmpi ne, %add3A_240, %add3A_276 : i32
          %or3A_438 = arith.constant false
          %or3A_439 = arith.ori %or3A_438, %ne3A_436 : i1
          %or3A_440 = arith.ori %or3A_439, %ne3A_437 : i1
          %or3A_441 = arith.ori %or3A_440, %eq3A_237 : i1
          %convert_element_type3A_442 = arith.extui %or3A_441 : i1 to i32
          %cond3A_443 = arith.constant 0 : i32
          %cond3A_444 = arith.cmpi ne, %convert_element_type3A_442, %cond3A_443 : i32
          scf.if %cond3A_444 {
            "tpu.trace_start"() <{level = 10 : i32, message = "ep_copy_out"}> : () -> ()
            %rem3A_534 = arith.constant 2 : i32
            %rem3A_535 = arith.remui %while3A_227, %rem3A_534 : i32
            %mul3A_536 = arith.constant 8 : i32
            %mul3A_537 = arith.muli %mul3A_536, %add3A_239 : i32
            %mul3A_538 = arith.constant 512 : i32
            %mul3A_539 = arith.muli %mul3A_538, %add3A_240 : i32
            %dma_start3A_540 = arith.constant 0 : i32
            %dma_start3A_541 = arith.constant 0 : i32
            %dma_start3A_542 = tpu.memref_slice %run_scoped3A_22[%rem3A_535, %dma_start3A_540, %dma_start3A_541] : memref<2x8x512xf32, #tpu.memory_space<vmem>> -> memref<1x8x512xf32, #tpu.memory_space<vmem>>
            %dma_start3A_543 = tpu.memref_squeeze %dma_start3A_542 : memref<1x8x512xf32, #tpu.memory_space<vmem>> -> memref<8x512xf32, #tpu.memory_space<vmem>>
            %dma_start3A_544 = tpu.memref_slice %arg5[%mul3A_537, %mul3A_539] : memref<32x8192xf32, #tpu.memory_space<hbm>> -> memref<8x512xf32, #tpu.memory_space<hbm>>
            %dma_start3A_545 = tpu.memref_slice %run_scoped3A_23[%rem3A_535] : memref<2x!tpu.dma_semaphore, #tpu.memory_space<semaphore_mem>> -> memref<1x!tpu.dma_semaphore, #tpu.memory_space<semaphore_mem>>
            %dma_start3A_546 = tpu.memref_squeeze %dma_start3A_545 : memref<1x!tpu.dma_semaphore, #tpu.memory_space<semaphore_mem>> -> memref<!tpu.dma_semaphore, #tpu.memory_space<semaphore_mem>>
            %dma_start3A_547 = tpu.memref_slice %arg5[%mul3A_537, %mul3A_539] : memref<32x8192xf32, #tpu.memory_space<hbm>> -> memref<8x512xf32, #tpu.memory_space<hbm>>
            %dma_start3A_548 = arith.constant 0 : i32
            %dma_start3A_549 = arith.constant 0 : i32
            %dma_start3A_550 = tpu.memref_slice %run_scoped3A_22[%rem3A_535, %dma_start3A_548, %dma_start3A_549] : memref<2x8x512xf32, #tpu.memory_space<vmem>> -> memref<1x8x512xf32, #tpu.memory_space<vmem>>
            %dma_start3A_551 = tpu.memref_squeeze %dma_start3A_550 : memref<1x8x512xf32, #tpu.memory_space<vmem>> -> memref<8x512xf32, #tpu.memory_space<vmem>>
            tpu.enqueue_dma source(%dma_start3A_551 : memref<8x512xf32, #tpu.memory_space<vmem>>) target(%dma_start3A_547 : memref<8x512xf32, #tpu.memory_space<hbm>>) target_semaphore(%dma_start3A_546 : memref<!tpu.dma_semaphore, #tpu.memory_space<semaphore_mem>>)
            "tpu.trace_stop"() : () -> ()
          } else {
          }
          %and3A_445 = arith.constant true
          %and3A_446 = arith.andi %or3A_441, %and3A_445 : i1
          %add3A_447 = arith.constant 1 : i32
          %add3A_448 = arith.addi %while3A_227, %add3A_447 : i32
          %select_n3A_449 = arith.select %and3A_446, %add3A_448, %while3A_227 : i32
          %ne3A_450 = arith.cmpi ne, %add3A_239, %add3A_258 : i32
          %ne3A_451 = arith.cmpi ne, %add3A_240, %add3A_259 : i32
          %or3A_452 = arith.constant false
          %or3A_453 = arith.ori %or3A_452, %ne3A_450 : i1
          %or3A_454 = arith.ori %or3A_453, %ne3A_451 : i1
          %not3A_455 = arith.constant true
          %not3A_456 = arith.xori %eq3A_234, %not3A_455 : i1
          %and3A_457 = arith.andi %or3A_454, %not3A_456 : i1
          %convert_element_type3A_458 = arith.extui %and3A_457 : i1 to i32
          %cond3A_459 = arith.constant 0 : i32
          %cond3A_460 = arith.cmpi ne, %convert_element_type3A_458, %cond3A_459 : i32
          scf.if %cond3A_460 {
          } else {
          }
          %and3A_461 = arith.constant false
          %and3A_462 = arith.andi %and3A_457, %and3A_461 : i1
          %ne3A_463 = arith.cmpi ne, %add3A_239, %add3A_258 : i32
          %ne3A_464 = arith.cmpi ne, %add3A_240, %add3A_259 : i32
          %or3A_465 = arith.constant false
          %or3A_466 = arith.ori %or3A_465, %ne3A_463 : i1
          %or3A_467 = arith.ori %or3A_466, %ne3A_464 : i1
          %not3A_468 = arith.constant true
          %not3A_469 = arith.xori %eq3A_234, %not3A_468 : i1
          %and3A_470 = arith.andi %or3A_467, %not3A_469 : i1
          %convert_element_type3A_471 = arith.extui %and3A_470 : i1 to i32
          %cond3A_472 = arith.constant 0 : i32
          %cond3A_473 = arith.cmpi ne, %convert_element_type3A_471, %cond3A_472 : i32
          scf.if %cond3A_473 {
            "tpu.trace_start"() <{level = 10 : i32, message = "ep_wait_out"}> : () -> ()
            %rem3A_534 = arith.constant 2 : i32
            %rem3A_535 = arith.remui %while3A_224, %rem3A_534 : i32
            %mul3A_536 = arith.constant 8 : i32
            %mul3A_537 = arith.muli %mul3A_536, %add3A_258 : i32
            %mul3A_538 = arith.constant 512 : i32
            %mul3A_539 = arith.muli %mul3A_538, %add3A_259 : i32
            %dma_wait3A = arith.constant 0 : i32
            %dma_wait3A_540 = arith.constant 0 : i32
            %dma_wait3A_541 = tpu.memref_slice %run_scoped3A_18[%rem3A_535, %dma_wait3A, %dma_wait3A_540] : memref<2x8x512xf32, #tpu.memory_space<vmem>> -> memref<1x8x512xf32, #tpu.memory_space<vmem>>
            %dma_wait3A_542 = tpu.memref_squeeze %dma_wait3A_541 : memref<1x8x512xf32, #tpu.memory_space<vmem>> -> memref<8x512xf32, #tpu.memory_space<vmem>>
            %dma_wait3A_543 = tpu.memref_slice %arg3[%mul3A_537, %mul3A_539] : memref<32x8192xf32, #tpu.memory_space<hbm>> -> memref<8x512xf32, #tpu.memory_space<hbm>>
            %dma_wait3A_544 = tpu.memref_slice %run_scoped3A_19[%rem3A_535] : memref<2x!tpu.dma_semaphore, #tpu.memory_space<semaphore_mem>> -> memref<1x!tpu.dma_semaphore, #tpu.memory_space<semaphore_mem>>
            %dma_wait3A_545 = tpu.memref_squeeze %dma_wait3A_544 : memref<1x!tpu.dma_semaphore, #tpu.memory_space<semaphore_mem>> -> memref<!tpu.dma_semaphore, #tpu.memory_space<semaphore_mem>>
            %dma_wait3A_546 = tpu.memref_slice %arg3[%mul3A_537, %mul3A_539] : memref<32x8192xf32, #tpu.memory_space<hbm>> -> memref<8x512xf32, #tpu.memory_space<hbm>>
            %dma_wait3A_547 = arith.constant 0 : i32
            %dma_wait3A_548 = arith.constant 0 : i32
            %dma_wait3A_549 = tpu.memref_slice %run_scoped3A_18[%rem3A_535, %dma_wait3A_547, %dma_wait3A_548] : memref<2x8x512xf32, #tpu.memory_space<vmem>> -> memref<1x8x512xf32, #tpu.memory_space<vmem>>
            %dma_wait3A_550 = tpu.memref_squeeze %dma_wait3A_549 : memref<1x8x512xf32, #tpu.memory_space<vmem>> -> memref<8x512xf32, #tpu.memory_space<vmem>>
            tpu.wait_dma2 semaphore(%dma_wait3A_545 : memref<!tpu.dma_semaphore, #tpu.memory_space<semaphore_mem>>) src(%dma_wait3A_550 : memref<8x512xf32, #tpu.memory_space<vmem>>) dst(%dma_wait3A_546 : memref<8x512xf32, #tpu.memory_space<hbm>>)
            "tpu.trace_stop"() : () -> ()
          } else {
          }
          %and3A_474 = arith.constant true
          %and3A_475 = arith.andi %and3A_470, %and3A_474 : i1
          %add3A_476 = arith.constant 1 : i32
          %add3A_477 = arith.addi %while3A_224, %add3A_476 : i32
          %select_n3A_478 = arith.select %and3A_475, %add3A_477, %while3A_224 : i32
          %ne3A_479 = arith.cmpi ne, %add3A_239, %add3A_258 : i32
          %ne3A_480 = arith.cmpi ne, %add3A_240, %add3A_259 : i32
          %or3A_481 = arith.constant false
          %or3A_482 = arith.ori %or3A_481, %ne3A_479 : i1
          %or3A_483 = arith.ori %or3A_482, %ne3A_480 : i1
          %not3A_484 = arith.constant true
          %not3A_485 = arith.xori %eq3A_234, %not3A_484 : i1
          %and3A_486 = arith.andi %or3A_483, %not3A_485 : i1
          %convert_element_type3A_487 = arith.extui %and3A_486 : i1 to i32
          %cond3A_488 = arith.constant 0 : i32
          %cond3A_489 = arith.cmpi ne, %convert_element_type3A_487, %cond3A_488 : i32
          scf.if %cond3A_489 {
            "tpu.trace_start"() <{level = 10 : i32, message = "ep_wait_out"}> : () -> ()
            %rem3A_534 = arith.constant 2 : i32
            %rem3A_535 = arith.remui %while3A_226, %rem3A_534 : i32
            %mul3A_536 = arith.constant 2 : i32
            %mul3A_537 = arith.muli %mul3A_536, %add3A_258 : i32
            %mul3A_538 = arith.constant 512 : i32
            %mul3A_539 = arith.muli %mul3A_538, %add3A_259 : i32
            %dma_wait3A = arith.constant 0 : i32
            %dma_wait3A_540 = arith.constant 0 : i32
            %dma_wait3A_541 = tpu.memref_slice %run_scoped3A_20[%rem3A_535, %dma_wait3A, %dma_wait3A_540] : memref<2x2x512xi32, #tpu.memory_space<vmem>> -> memref<1x2x512xi32, #tpu.memory_space<vmem>>
            %dma_wait3A_542 = tpu.memref_squeeze %dma_wait3A_541 : memref<1x2x512xi32, #tpu.memory_space<vmem>> -> memref<2x512xi32, #tpu.memory_space<vmem>>
            %dma_wait3A_543 = tpu.memref_slice %arg4[%mul3A_537, %mul3A_539] : memref<8x8192xi32, #tpu.memory_space<hbm>> -> memref<2x512xi32, #tpu.memory_space<hbm>>
            %dma_wait3A_544 = tpu.memref_slice %run_scoped3A_21[%rem3A_535] : memref<2x!tpu.dma_semaphore, #tpu.memory_space<semaphore_mem>> -> memref<1x!tpu.dma_semaphore, #tpu.memory_space<semaphore_mem>>
            %dma_wait3A_545 = tpu.memref_squeeze %dma_wait3A_544 : memref<1x!tpu.dma_semaphore, #tpu.memory_space<semaphore_mem>> -> memref<!tpu.dma_semaphore, #tpu.memory_space<semaphore_mem>>
            %dma_wait3A_546 = tpu.memref_slice %arg4[%mul3A_537, %mul3A_539] : memref<8x8192xi32, #tpu.memory_space<hbm>> -> memref<2x512xi32, #tpu.memory_space<hbm>>
            %dma_wait3A_547 = arith.constant 0 : i32
            %dma_wait3A_548 = arith.constant 0 : i32
            %dma_wait3A_549 = tpu.memref_slice %run_scoped3A_20[%rem3A_535, %dma_wait3A_547, %dma_wait3A_548] : memref<2x2x512xi32, #tpu.memory_space<vmem>> -> memref<1x2x512xi32, #tpu.memory_space<vmem>>
            %dma_wait3A_550 = tpu.memref_squeeze %dma_wait3A_549 : memref<1x2x512xi32, #tpu.memory_space<vmem>> -> memref<2x512xi32, #tpu.memory_space<vmem>>
            tpu.wait_dma2 semaphore(%dma_wait3A_545 : memref<!tpu.dma_semaphore, #tpu.memory_space<semaphore_mem>>) src(%dma_wait3A_550 : memref<2x512xi32, #tpu.memory_space<vmem>>) dst(%dma_wait3A_546 : memref<2x512xi32, #tpu.memory_space<hbm>>)
            "tpu.trace_stop"() : () -> ()
          } else {
          }
          %and3A_490 = arith.constant true
          %and3A_491 = arith.andi %and3A_486, %and3A_490 : i1
          %add3A_492 = arith.constant 1 : i32
          %add3A_493 = arith.addi %while3A_226, %add3A_492 : i32
          %select_n3A_494 = arith.select %and3A_491, %add3A_493, %while3A_226 : i32
          %ne3A_495 = arith.cmpi ne, %add3A_239, %add3A_258 : i32
          %ne3A_496 = arith.cmpi ne, %add3A_240, %add3A_259 : i32
          %or3A_497 = arith.constant false
          %or3A_498 = arith.ori %or3A_497, %ne3A_495 : i1
          %or3A_499 = arith.ori %or3A_498, %ne3A_496 : i1
          %not3A_500 = arith.constant true
          %not3A_501 = arith.xori %eq3A_234, %not3A_500 : i1
          %and3A_502 = arith.andi %or3A_499, %not3A_501 : i1
          %convert_element_type3A_503 = arith.extui %and3A_502 : i1 to i32
          %cond3A_504 = arith.constant 0 : i32
          %cond3A_505 = arith.cmpi ne, %convert_element_type3A_503, %cond3A_504 : i32
          scf.if %cond3A_505 {
            "tpu.trace_start"() <{level = 10 : i32, message = "ep_wait_out"}> : () -> ()
            %rem3A_534 = arith.constant 2 : i32
            %rem3A_535 = arith.remui %while3A_228, %rem3A_534 : i32
            %mul3A_536 = arith.constant 8 : i32
            %mul3A_537 = arith.muli %mul3A_536, %add3A_258 : i32
            %mul3A_538 = arith.constant 512 : i32
            %mul3A_539 = arith.muli %mul3A_538, %add3A_259 : i32
            %dma_wait3A = arith.constant 0 : i32
            %dma_wait3A_540 = arith.constant 0 : i32
            %dma_wait3A_541 = tpu.memref_slice %run_scoped3A_22[%rem3A_535, %dma_wait3A, %dma_wait3A_540] : memref<2x8x512xf32, #tpu.memory_space<vmem>> -> memref<1x8x512xf32, #tpu.memory_space<vmem>>
            %dma_wait3A_542 = tpu.memref_squeeze %dma_wait3A_541 : memref<1x8x512xf32, #tpu.memory_space<vmem>> -> memref<8x512xf32, #tpu.memory_space<vmem>>
            %dma_wait3A_543 = tpu.memref_slice %arg5[%mul3A_537, %mul3A_539] : memref<32x8192xf32, #tpu.memory_space<hbm>> -> memref<8x512xf32, #tpu.memory_space<hbm>>
            %dma_wait3A_544 = tpu.memref_slice %run_scoped3A_23[%rem3A_535] : memref<2x!tpu.dma_semaphore, #tpu.memory_space<semaphore_mem>> -> memref<1x!tpu.dma_semaphore, #tpu.memory_space<semaphore_mem>>
            %dma_wait3A_545 = tpu.memref_squeeze %dma_wait3A_544 : memref<1x!tpu.dma_semaphore, #tpu.memory_space<semaphore_mem>> -> memref<!tpu.dma_semaphore, #tpu.memory_space<semaphore_mem>>
            %dma_wait3A_546 = tpu.memref_slice %arg5[%mul3A_537, %mul3A_539] : memref<32x8192xf32, #tpu.memory_space<hbm>> -> memref<8x512xf32, #tpu.memory_space<hbm>>
            %dma_wait3A_547 = arith.constant 0 : i32
            %dma_wait3A_548 = arith.constant 0 : i32
            %dma_wait3A_549 = tpu.memref_slice %run_scoped3A_22[%rem3A_535, %dma_wait3A_547, %dma_wait3A_548] : memref<2x8x512xf32, #tpu.memory_space<vmem>> -> memref<1x8x512xf32, #tpu.memory_space<vmem>>
            %dma_wait3A_550 = tpu.memref_squeeze %dma_wait3A_549 : memref<1x8x512xf32, #tpu.memory_space<vmem>> -> memref<8x512xf32, #tpu.memory_space<vmem>>
            tpu.wait_dma2 semaphore(%dma_wait3A_545 : memref<!tpu.dma_semaphore, #tpu.memory_space<semaphore_mem>>) src(%dma_wait3A_550 : memref<8x512xf32, #tpu.memory_space<vmem>>) dst(%dma_wait3A_546 : memref<8x512xf32, #tpu.memory_space<hbm>>)
            "tpu.trace_stop"() : () -> ()
          } else {
          }
          %and3A_506 = arith.constant true
          %and3A_507 = arith.andi %and3A_502, %and3A_506 : i1
          %add3A_508 = arith.constant 1 : i32
          %add3A_509 = arith.addi %while3A_228, %add3A_508 : i32
          %select_n3A_510 = arith.select %and3A_507, %add3A_509, %while3A_228 : i32
          %ne3A_511 = arith.cmpi ne, %add3A_239, %add3A_275 : i32
          %ne3A_512 = arith.cmpi ne, %add3A_240, %add3A_276 : i32
          %or3A_513 = arith.constant false
          %or3A_514 = arith.ori %or3A_513, %ne3A_511 : i1
          %or3A_515 = arith.ori %or3A_514, %ne3A_512 : i1
          %or3A_516 = arith.ori %or3A_515, %eq3A_237 : i1
          %add3A_517 = arith.constant 1 : i32
          %add3A_518 = arith.addi %while3A_222, %add3A_517 : i32
          %select_n3A_519 = arith.select %or3A_516, %add3A_518, %while3A_222 : i32
          %add3A_520 = arith.constant 1 : i32
          %add3A_521 = arith.addi %while3A_230, %add3A_520 : i32
          %select_n3A_522 = arith.constant true
          %select_n3A_523 = arith.select %select_n3A_522, %add3A_521, %while3A_230 : i32
          %eq3A_524 = arith.cmpi eq, %select_n3A_523, %select_n3A : i32
          %select_n3A_525 = arith.constant 0 : i32
          %select_n3A_526 = arith.select %eq3A_524, %select_n3A_525, %select_n3A_523 : i32
          %add3A_527 = arith.constant 1 : i32
          %add3A_528 = arith.addi %while3A_229, %add3A_527 : i32
          %select_n3A_529 = arith.select %eq3A_524, %add3A_528, %while3A_229 : i32
          %eq3A_530 = arith.constant 4 : i32
          %eq3A_531 = arith.cmpi eq, %select_n3A_529, %eq3A_530 : i32
          %select_n3A_532 = arith.constant 0 : i32
          %select_n3A_533 = arith.select %eq3A_531, %select_n3A_532, %select_n3A_529 : i32
          scf.yield %select_n3A_309, %select_n3A_519, %select_n3A_421, %select_n3A_478, %select_n3A_435, %select_n3A_494, %select_n3A_449, %select_n3A_510, %select_n3A_533, %select_n3A_526 : i32, i32, i32, i32, i32, i32, i32, i32, i32, i32
        }
        %while3A_125 = arith.constant 1 : i32
        %while3A_126:10 = scf.for %while3A_220 = %while3A_122 to %while3A_118 step %while3A_125 iter_args(%while3A_221 = %while3A_124#0, %while3A_222 = %while3A_124#1, %while3A_223 = %while3A_124#2, %while3A_224 = %while3A_124#3, %while3A_225 = %while3A_124#4, %while3A_226 = %while3A_124#5, %while3A_227 = %while3A_124#6, %while3A_228 = %while3A_124#7, %while3A_229 = %while3A_124#8, %while3A_230 = %while3A_124#9) -> (i32, i32, i32, i32, i32, i32, i32, i32, i32, i32)  : i32 {
          %mul3A_231 = arith.constant 4 : i32
          %mul3A_232 = arith.muli %mul3A_231, %select_n3A : i32
          %eq3A_233 = arith.constant 0 : i32
          %eq3A_234 = arith.cmpi eq, %while3A_220, %eq3A_233 : i32
          %sub3A_235 = arith.constant 1 : i32
          %sub3A_236 = arith.subi %mul3A_232, %sub3A_235 : i32
          %eq3A_237 = arith.cmpi eq, %while3A_220, %sub3A_236 : i32
          %add3A_238 = arith.constant 0 : i32
          %add3A_239 = arith.addi %while3A_229, %add3A_238 : i32
          %add3A_240 = arith.addi %while3A_230, %select_n3A_14 : i32
          %sub3A_241 = arith.constant 1 : i32
          %sub3A_242 = arith.subi %while3A_230, %sub3A_241 : i32
          %select_n3A_243 = arith.constant true
          %select_n3A_244 = arith.select %select_n3A_243, %sub3A_242, %while3A_230 : i32
          %eq3A_245 = arith.constant -1 : i32
          %eq3A_246 = arith.cmpi eq, %select_n3A_244, %eq3A_245 : i32
          %sub3A_247 = arith.constant 1 : i32
          %sub3A_248 = arith.subi %select_n3A, %sub3A_247 : i32
          %select_n3A_249 = arith.select %eq3A_246, %sub3A_248, %select_n3A_244 : i32
          %sub3A_250 = arith.constant 1 : i32
          %sub3A_251 = arith.subi %while3A_229, %sub3A_250 : i32
          %select_n3A_252 = arith.select %eq3A_246, %sub3A_251, %while3A_229 : i32
          %eq3A_253 = arith.constant -1 : i32
          %eq3A_254 = arith.cmpi eq, %select_n3A_252, %eq3A_253 : i32
          %select_n3A_255 = arith.constant 3 : i32
          %select_n3A_256 = arith.select %eq3A_254, %select_n3A_255, %select_n3A_252 : i32
          %add3A_257 = arith.constant 0 : i32
          %add3A_258 = arith.addi %select_n3A_256, %add3A_257 : i32
          %add3A_259 = arith.addi %select_n3A_249, %select_n3A_14 : i32
          %add3A_260 = arith.constant 1 : i32
          %add3A_261 = arith.addi %while3A_230, %add3A_260 : i32
          %select_n3A_262 = arith.constant true
          %select_n3A_263 = arith.select %select_n3A_262, %add3A_261, %while3A_230 : i32
          %eq3A_264 = arith.cmpi eq, %select_n3A_263, %select_n3A : i32
          %select_n3A_265 = arith.constant 0 : i32
          %select_n3A_266 = arith.select %eq3A_264, %select_n3A_265, %select_n3A_263 : i32
          %add3A_267 = arith.constant 1 : i32
          %add3A_268 = arith.addi %while3A_229, %add3A_267 : i32
          %select_n3A_269 = arith.select %eq3A_264, %add3A_268, %while3A_229 : i32
          %eq3A_270 = arith.constant 4 : i32
          %eq3A_271 = arith.cmpi eq, %select_n3A_269, %eq3A_270 : i32
          %select_n3A_272 = arith.constant 0 : i32
          %select_n3A_273 = arith.select %eq3A_271, %select_n3A_272, %select_n3A_269 : i32
          %add3A_274 = arith.constant 0 : i32
          %add3A_275 = arith.addi %select_n3A_273, %add3A_274 : i32
          %add3A_276 = arith.addi %select_n3A_266, %select_n3A_14 : i32
          %add3A_277 = arith.constant 1 : i32
          %add3A_278 = arith.addi %select_n3A_266, %add3A_277 : i32
          %select_n3A_279 = arith.constant true
          %select_n3A_280 = arith.select %select_n3A_279, %add3A_278, %select_n3A_266 : i32
          %eq3A_281 = arith.cmpi eq, %select_n3A_280, %select_n3A : i32
          %select_n3A_282 = arith.constant 0 : i32
          %select_n3A_283 = arith.select %eq3A_281, %select_n3A_282, %select_n3A_280 : i32
          %add3A_284 = arith.constant 1 : i32
          %add3A_285 = arith.addi %select_n3A_273, %add3A_284 : i32
          %select_n3A_286 = arith.select %eq3A_281, %add3A_285, %select_n3A_273 : i32
          %eq3A_287 = arith.constant 4 : i32
          %eq3A_288 = arith.cmpi eq, %select_n3A_286, %eq3A_287 : i32
          %select_n3A_289 = arith.constant 0 : i32
          %select_n3A_290 = arith.select %eq3A_288, %select_n3A_289, %select_n3A_286 : i32
          %add3A_291 = arith.constant 0 : i32
          %add3A_292 = arith.addi %select_n3A_290, %add3A_291 : i32
          %add3A_293 = arith.addi %select_n3A_283, %select_n3A_14 : i32
          %ne3A = arith.cmpi ne, %add3A_239, %add3A_275 : i32
          %ne3A_294 = arith.cmpi ne, %add3A_240, %add3A_276 : i32
          %or3A = arith.constant false
          %or3A_295 = arith.ori %or3A, %ne3A : i1
          %or3A_296 = arith.ori %or3A_295, %ne3A_294 : i1
          %sub3A_297 = arith.constant 2 : i32
          %sub3A_298 = arith.subi %mul3A_232, %sub3A_297 : i32
          %add3A_299 = arith.constant 1 : i32
          %add3A_300 = arith.addi %sub3A_298, %add3A_299 : i32
          %ge3A = arith.cmpi sge, %while3A_220, %add3A_300 : i32
          %not3A = arith.constant true
          %not3A_301 = arith.xori %ge3A, %not3A : i1
          %and3A = arith.andi %or3A_296, %not3A_301 : i1
          %convert_element_type3A_302 = arith.extui %and3A : i1 to i32
          %cond3A_303 = arith.constant 0 : i32
          %cond3A_304 = arith.cmpi ne, %convert_element_type3A_302, %cond3A_303 : i32
          scf.if %cond3A_304 {
            "tpu.trace_start"() <{level = 10 : i32, message = "ep_copy_in"}> : () -> ()
            %rem3A_534 = arith.constant 2 : i32
            %rem3A_535 = arith.remui %while3A_221, %rem3A_534 : i32
            %mul3A_536 = arith.constant 8 : i32
            %mul3A_537 = arith.muli %mul3A_536, %add3A_275 : i32
            %mul3A_538 = arith.constant 512 : i32
            %mul3A_539 = arith.muli %mul3A_538, %add3A_276 : i32
            %dma_start3A_540 = arith.constant 0 : i32
            %dma_start3A_541 = arith.constant 0 : i32
            %dma_start3A_542 = tpu.memref_slice %run_scoped3A[%rem3A_535, %dma_start3A_540, %dma_start3A_541] : memref<2x8x512xf32, #tpu.memory_space<vmem>> -> memref<1x8x512xf32, #tpu.memory_space<vmem>>
            %dma_start3A_543 = tpu.memref_squeeze %dma_start3A_542 : memref<1x8x512xf32, #tpu.memory_space<vmem>> -> memref<8x512xf32, #tpu.memory_space<vmem>>
            %dma_start3A_544 = tpu.memref_slice %arg2[%mul3A_537, %mul3A_539] : memref<32x8192xf32, #tpu.memory_space<hbm>> -> memref<8x512xf32, #tpu.memory_space<hbm>>
            %dma_start3A_545 = tpu.memref_slice %run_scoped3A_17[%rem3A_535] : memref<2x!tpu.dma_semaphore, #tpu.memory_space<semaphore_mem>> -> memref<1x!tpu.dma_semaphore, #tpu.memory_space<semaphore_mem>>
            %dma_start3A_546 = tpu.memref_squeeze %dma_start3A_545 : memref<1x!tpu.dma_semaphore, #tpu.memory_space<semaphore_mem>> -> memref<!tpu.dma_semaphore, #tpu.memory_space<semaphore_mem>>
            %dma_start3A_547 = arith.constant 0 : i32
            %dma_start3A_548 = arith.constant 0 : i32
            %dma_start3A_549 = tpu.memref_slice %run_scoped3A[%rem3A_535, %dma_start3A_547, %dma_start3A_548] : memref<2x8x512xf32, #tpu.memory_space<vmem>> -> memref<1x8x512xf32, #tpu.memory_space<vmem>>
            %dma_start3A_550 = tpu.memref_squeeze %dma_start3A_549 : memref<1x8x512xf32, #tpu.memory_space<vmem>> -> memref<8x512xf32, #tpu.memory_space<vmem>>
            %dma_start3A_551 = tpu.memref_slice %arg2[%mul3A_537, %mul3A_539] : memref<32x8192xf32, #tpu.memory_space<hbm>> -> memref<8x512xf32, #tpu.memory_space<hbm>>
            tpu.enqueue_dma source(%dma_start3A_551 : memref<8x512xf32, #tpu.memory_space<hbm>>) target(%dma_start3A_550 : memref<8x512xf32, #tpu.memory_space<vmem>>) target_semaphore(%dma_start3A_546 : memref<!tpu.dma_semaphore, #tpu.memory_space<semaphore_mem>>)
            "tpu.trace_stop"() : () -> ()
          } else {
          }
          %and3A_305 = arith.constant true
          %and3A_306 = arith.andi %and3A, %and3A_305 : i1
          %add3A_307 = arith.constant 1 : i32
          %add3A_308 = arith.addi %while3A_221, %add3A_307 : i32
          %select_n3A_309 = arith.select %and3A_306, %add3A_308, %while3A_221 : i32
          %ne3A_310 = arith.cmpi ne, %add3A_239, %add3A_275 : i32
          %ne3A_311 = arith.cmpi ne, %add3A_240, %add3A_276 : i32
          %or3A_312 = arith.constant false
          %or3A_313 = arith.ori %or3A_312, %ne3A_310 : i1
          %or3A_314 = arith.ori %or3A_313, %ne3A_311 : i1
          %sub3A_315 = arith.constant 2 : i32
          %sub3A_316 = arith.subi %mul3A_232, %sub3A_315 : i32
          %add3A_317 = arith.constant 1 : i32
          %add3A_318 = arith.addi %sub3A_316, %add3A_317 : i32
          %ge3A_319 = arith.cmpi sge, %while3A_220, %add3A_318 : i32
          %not3A_320 = arith.constant true
          %not3A_321 = arith.xori %ge3A_319, %not3A_320 : i1
          %and3A_322 = arith.andi %or3A_314, %not3A_321 : i1
          %ne3A_323 = arith.cmpi ne, %add3A_239, %add3A_275 : i32
          %ne3A_324 = arith.cmpi ne, %add3A_240, %add3A_276 : i32
          %or3A_325 = arith.constant false
          %or3A_326 = arith.ori %or3A_325, %ne3A_323 : i1
          %or3A_327 = arith.ori %or3A_326, %ne3A_324 : i1
          %sub3A_328 = arith.constant 2 : i32
          %sub3A_329 = arith.subi %mul3A_232, %sub3A_328 : i32
          %add3A_330 = arith.constant 1 : i32
          %add3A_331 = arith.addi %sub3A_329, %add3A_330 : i32
          %ge3A_332 = arith.cmpi sge, %while3A_220, %add3A_331 : i32
          %not3A_333 = arith.constant true
          %not3A_334 = arith.xori %ge3A_332, %not3A_333 : i1
          %and3A_335 = arith.andi %or3A_327, %not3A_334 : i1
          %ne3A_336 = arith.cmpi ne, %add3A_239, %add3A_275 : i32
          %ne3A_337 = arith.cmpi ne, %add3A_240, %add3A_276 : i32
          %or3A_338 = arith.constant false
          %or3A_339 = arith.ori %or3A_338, %ne3A_336 : i1
          %or3A_340 = arith.ori %or3A_339, %ne3A_337 : i1
          %sub3A_341 = arith.constant 2 : i32
          %sub3A_342 = arith.subi %mul3A_232, %sub3A_341 : i32
          %add3A_343 = arith.constant 1 : i32
          %add3A_344 = arith.addi %sub3A_342, %add3A_343 : i32
          %ge3A_345 = arith.cmpi sge, %while3A_220, %add3A_344 : i32
          %not3A_346 = arith.constant true
          %not3A_347 = arith.xori %ge3A_345, %not3A_346 : i1
          %and3A_348 = arith.andi %or3A_340, %not3A_347 : i1
          %ne3A_349 = arith.cmpi ne, %add3A_239, %add3A_258 : i32
          %ne3A_350 = arith.cmpi ne, %add3A_240, %add3A_259 : i32
          %or3A_351 = arith.constant false
          %or3A_352 = arith.ori %or3A_351, %ne3A_349 : i1
          %or3A_353 = arith.ori %or3A_352, %ne3A_350 : i1
          %or3A_354 = arith.ori %or3A_353, %eq3A_234 : i1
          %convert_element_type3A_355 = arith.extui %or3A_354 : i1 to i32
          %cond3A_356 = arith.constant 0 : i32
          %cond3A_357 = arith.cmpi ne, %convert_element_type3A_355, %cond3A_356 : i32
          scf.if %cond3A_357 {
            "tpu.trace_start"() <{level = 10 : i32, message = "ep_wait_in"}> : () -> ()
            %mul3A_534 = arith.constant 8 : i32
            %mul3A_535 = arith.muli %mul3A_534, %add3A_239 : i32
            %mul3A_536 = arith.constant 512 : i32
            %mul3A_537 = arith.muli %mul3A_536, %add3A_240 : i32
            %rem3A_538 = arith.constant 2 : i32
            %rem3A_539 = arith.remui %while3A_222, %rem3A_538 : i32
            %dma_wait3A = arith.constant 0 : i32
            %dma_wait3A_540 = arith.constant 0 : i32
            %dma_wait3A_541 = tpu.memref_slice %run_scoped3A[%rem3A_539, %dma_wait3A, %dma_wait3A_540] : memref<2x8x512xf32, #tpu.memory_space<vmem>> -> memref<1x8x512xf32, #tpu.memory_space<vmem>>
            %dma_wait3A_542 = tpu.memref_squeeze %dma_wait3A_541 : memref<1x8x512xf32, #tpu.memory_space<vmem>> -> memref<8x512xf32, #tpu.memory_space<vmem>>
            %dma_wait3A_543 = tpu.memref_slice %arg2[%mul3A_535, %mul3A_537] : memref<32x8192xf32, #tpu.memory_space<hbm>> -> memref<8x512xf32, #tpu.memory_space<hbm>>
            %dma_wait3A_544 = tpu.memref_slice %run_scoped3A_17[%rem3A_539] : memref<2x!tpu.dma_semaphore, #tpu.memory_space<semaphore_mem>> -> memref<1x!tpu.dma_semaphore, #tpu.memory_space<semaphore_mem>>
            %dma_wait3A_545 = tpu.memref_squeeze %dma_wait3A_544 : memref<1x!tpu.dma_semaphore, #tpu.memory_space<semaphore_mem>> -> memref<!tpu.dma_semaphore, #tpu.memory_space<semaphore_mem>>
            %dma_wait3A_546 = arith.constant 0 : i32
            %dma_wait3A_547 = arith.constant 0 : i32
            %dma_wait3A_548 = tpu.memref_slice %run_scoped3A[%rem3A_539, %dma_wait3A_546, %dma_wait3A_547] : memref<2x8x512xf32, #tpu.memory_space<vmem>> -> memref<1x8x512xf32, #tpu.memory_space<vmem>>
            %dma_wait3A_549 = tpu.memref_squeeze %dma_wait3A_548 : memref<1x8x512xf32, #tpu.memory_space<vmem>> -> memref<8x512xf32, #tpu.memory_space<vmem>>
            %dma_wait3A_550 = tpu.memref_slice %arg2[%mul3A_535, %mul3A_537] : memref<32x8192xf32, #tpu.memory_space<hbm>> -> memref<8x512xf32, #tpu.memory_space<hbm>>
            tpu.wait_dma2 semaphore(%dma_wait3A_545 : memref<!tpu.dma_semaphore, #tpu.memory_space<semaphore_mem>>) src(%dma_wait3A_550 : memref<8x512xf32, #tpu.memory_space<hbm>>) dst(%dma_wait3A_549 : memref<8x512xf32, #tpu.memory_space<vmem>>)
            "tpu.trace_stop"() : () -> ()
          } else {
          }
          %ne3A_358 = arith.cmpi ne, %add3A_239, %add3A_258 : i32
          %ne3A_359 = arith.cmpi ne, %add3A_240, %add3A_259 : i32
          %or3A_360 = arith.constant false
          %or3A_361 = arith.ori %or3A_360, %ne3A_358 : i1
          %or3A_362 = arith.ori %or3A_361, %ne3A_359 : i1
          %or3A_363 = arith.ori %or3A_362, %eq3A_234 : i1
          %convert_element_type3A_364 = arith.extui %or3A_363 : i1 to i32
          %cond3A_365 = arith.constant 0 : i32
          %cond3A_366 = arith.cmpi ne, %convert_element_type3A_364, %cond3A_365 : i32
          scf.if %cond3A_366 {
          } else {
          }
          %ne3A_367 = arith.cmpi ne, %add3A_239, %add3A_258 : i32
          %ne3A_368 = arith.cmpi ne, %add3A_240, %add3A_259 : i32
          %or3A_369 = arith.constant false
          %or3A_370 = arith.ori %or3A_369, %ne3A_367 : i1
          %or3A_371 = arith.ori %or3A_370, %ne3A_368 : i1
          %or3A_372 = arith.ori %or3A_371, %eq3A_234 : i1
          %convert_element_type3A_373 = arith.extui %or3A_372 : i1 to i32
          %cond3A_374 = arith.constant 0 : i32
          %cond3A_375 = arith.cmpi ne, %convert_element_type3A_373, %cond3A_374 : i32
          scf.if %cond3A_375 {
          } else {
          }
          %ne3A_376 = arith.cmpi ne, %add3A_239, %add3A_258 : i32
          %ne3A_377 = arith.cmpi ne, %add3A_240, %add3A_259 : i32
          %or3A_378 = arith.constant false
          %or3A_379 = arith.ori %or3A_378, %ne3A_376 : i1
          %or3A_380 = arith.ori %or3A_379, %ne3A_377 : i1
          %or3A_381 = arith.ori %or3A_380, %eq3A_234 : i1
          %convert_element_type3A_382 = arith.extui %or3A_381 : i1 to i32
          %cond3A_383 = arith.constant 0 : i32
          %cond3A_384 = arith.cmpi ne, %convert_element_type3A_382, %cond3A_383 : i32
          scf.if %cond3A_384 {
          } else {
          }
          %rem3A_385 = arith.constant 2 : i32
          %rem3A_386 = arith.remui %while3A_222, %rem3A_385 : i32
          %rem3A_387 = arith.constant 2 : i32
          %rem3A_388 = arith.remui %while3A_223, %rem3A_387 : i32
          %rem3A_389 = arith.constant 2 : i32
          %rem3A_390 = arith.remui %while3A_225, %rem3A_389 : i32
          %rem3A_391 = arith.constant 2 : i32
          %rem3A_392 = arith.remui %while3A_227, %rem3A_391 : i32
          "tpu.trace_start"() <{level = 10 : i32, message = "ep_run_kernel"}> : () -> ()
          %scan3A = arith.constant 0 : i32
          %scan3A_393 = arith.constant 32 : i32
          %scan3A_394 = arith.addi %scan3A, %scan3A_393 : i32
          %scan3A_395 = arith.constant 1 : i32
          scf.for %scan3A_534 = %scan3A to %scan3A_394 step %scan3A_395  : i32 {
            %mul3A_535 = arith.constant 16 : i32
            %mul3A_536 = arith.muli %scan3A_534, %mul3A_535 : i32
            %add3A_537 = arith.constant 0 : i32
            %add3A_538 = arith.addi %add3A_537, %mul3A_536 : i32
            %get3A = arith.constant 0 : i32
            %get3A_539 = arith.constant 0 : i32
            %get3A_540 = tpu.memref_slice %run_scoped3A[%rem3A_386, %get3A, %get3A_539] : memref<2x8x512xf32, #tpu.memory_space<vmem>> -> memref<1x8x512xf32, #tpu.memory_space<vmem>>
            %get3A_541 = tpu.memref_squeeze %get3A_540 : memref<1x8x512xf32, #tpu.memory_space<vmem>> -> memref<8x512xf32, #tpu.memory_space<vmem>>
            %get3A_542 = arith.constant 0 : index
            %get3A_543 = arith.index_cast %add3A_538 : i32 to index
            %get3A_544 = tpu.vector_load %get3A_541[%get3A_542, %get3A_543] {strides = array<i32>} : memref<8x512xf32, #tpu.memory_space<vmem>>, vector<1x16xf32>,
            %get3A_545 = vector.shape_cast %get3A_544 : vector<1x16xf32> to vector<1x16xf32>
            %get3A_546 = arith.constant 0 : i32
            %get3A_547 = arith.constant 0 : i32
            %get3A_548 = tpu.memref_slice %run_scoped3A[%rem3A_386, %get3A_546, %get3A_547] : memref<2x8x512xf32, #tpu.memory_space<vmem>> -> memref<1x8x512xf32, #tpu.memory_space<vmem>>
            %get3A_549 = tpu.memref_squeeze %get3A_548 : memref<1x8x512xf32, #tpu.memory_space<vmem>> -> memref<8x512xf32, #tpu.memory_space<vmem>>
            %get3A_550 = arith.constant 1 : index
            %get3A_551 = arith.index_cast %add3A_538 : i32 to index
            %get3A_552 = tpu.vector_load %get3A_549[%get3A_550, %get3A_551] {strides = array<i32>} : memref<8x512xf32, #tpu.memory_space<vmem>>, vector<1x16xf32>,
            %get3A_553 = vector.shape_cast %get3A_552 : vector<1x16xf32> to vector<1x16xf32>
            %get3A_554 = arith.constant 0 : i32
            %get3A_555 = arith.constant 0 : i32
            %get3A_556 = tpu.memref_slice %run_scoped3A[%rem3A_386, %get3A_554, %get3A_555] : memref<2x8x512xf32, #tpu.memory_space<vmem>> -> memref<1x8x512xf32, #tpu.memory_space<vmem>>
            %get3A_557 = tpu.memref_squeeze %get3A_556 : memref<1x8x512xf32, #tpu.memory_space<vmem>> -> memref<8x512xf32, #tpu.memory_space<vmem>>
            %get3A_558 = arith.constant 2 : index
            %get3A_559 = arith.index_cast %add3A_538 : i32 to index
            %get3A_560 = tpu.vector_load %get3A_557[%get3A_558, %get3A_559] {strides = array<i32>} : memref<8x512xf32, #tpu.memory_space<vmem>>, vector<1x16xf32>,
            %get3A_561 = vector.shape_cast %get3A_560 : vector<1x16xf32> to vector<1x16xf32>
            %get3A_562 = arith.constant 0 : i32
            %get3A_563 = arith.constant 0 : i32
            %get3A_564 = tpu.memref_slice %run_scoped3A[%rem3A_386, %get3A_562, %get3A_563] : memref<2x8x512xf32, #tpu.memory_space<vmem>> -> memref<1x8x512xf32, #tpu.memory_space<vmem>>
            %get3A_565 = tpu.memref_squeeze %get3A_564 : memref<1x8x512xf32, #tpu.memory_space<vmem>> -> memref<8x512xf32, #tpu.memory_space<vmem>>
            %get3A_566 = arith.constant 3 : index
            %get3A_567 = arith.index_cast %add3A_538 : i32 to index
            %get3A_568 = tpu.vector_load %get3A_565[%get3A_566, %get3A_567] {strides = array<i32>} : memref<8x512xf32, #tpu.memory_space<vmem>>, vector<1x16xf32>,
            %get3A_569 = vector.shape_cast %get3A_568 : vector<1x16xf32> to vector<1x16xf32>
            %get3A_570 = arith.constant 0 : i32
            %get3A_571 = arith.constant 0 : i32
            %get3A_572 = tpu.memref_slice %run_scoped3A[%rem3A_386, %get3A_570, %get3A_571] : memref<2x8x512xf32, #tpu.memory_space<vmem>> -> memref<1x8x512xf32, #tpu.memory_space<vmem>>
            %get3A_573 = tpu.memref_squeeze %get3A_572 : memref<1x8x512xf32, #tpu.memory_space<vmem>> -> memref<8x512xf32, #tpu.memory_space<vmem>>
            %get3A_574 = arith.constant 4 : index
            %get3A_575 = arith.index_cast %add3A_538 : i32 to index
            %get3A_576 = tpu.vector_load %get3A_573[%get3A_574, %get3A_575] {strides = array<i32>} : memref<8x512xf32, #tpu.memory_space<vmem>>, vector<1x16xf32>,
            %get3A_577 = vector.shape_cast %get3A_576 : vector<1x16xf32> to vector<1x16xf32>
            %get3A_578 = arith.constant 0 : i32
            %get3A_579 = arith.constant 0 : i32
            %get3A_580 = tpu.memref_slice %run_scoped3A[%rem3A_386, %get3A_578, %get3A_579] : memref<2x8x512xf32, #tpu.memory_space<vmem>> -> memref<1x8x512xf32, #tpu.memory_space<vmem>>
            %get3A_581 = tpu.memref_squeeze %get3A_580 : memref<1x8x512xf32, #tpu.memory_space<vmem>> -> memref<8x512xf32, #tpu.memory_space<vmem>>
            %get3A_582 = arith.constant 5 : index
            %get3A_583 = arith.index_cast %add3A_538 : i32 to index
            %get3A_584 = tpu.vector_load %get3A_581[%get3A_582, %get3A_583] {strides = array<i32>} : memref<8x512xf32, #tpu.memory_space<vmem>>, vector<1x16xf32>,
            %get3A_585 = vector.shape_cast %get3A_584 : vector<1x16xf32> to vector<1x16xf32>
            %get3A_586 = arith.constant 0 : i32
            %get3A_587 = arith.constant 0 : i32
            %get3A_588 = tpu.memref_slice %run_scoped3A[%rem3A_386, %get3A_586, %get3A_587] : memref<2x8x512xf32, #tpu.memory_space<vmem>> -> memref<1x8x512xf32, #tpu.memory_space<vmem>>
            %get3A_589 = tpu.memref_squeeze %get3A_588 : memref<1x8x512xf32, #tpu.memory_space<vmem>> -> memref<8x512xf32, #tpu.memory_space<vmem>>
            %get3A_590 = arith.constant 6 : index
            %get3A_591 = arith.index_cast %add3A_538 : i32 to index
            %get3A_592 = tpu.vector_load %get3A_589[%get3A_590, %get3A_591] {strides = array<i32>} : memref<8x512xf32, #tpu.memory_space<vmem>>, vector<1x16xf32>,
            %get3A_593 = vector.shape_cast %get3A_592 : vector<1x16xf32> to vector<1x16xf32>
            %get3A_594 = arith.constant 0 : i32
            %get3A_595 = arith.constant 0 : i32
            %get3A_596 = tpu.memref_slice %run_scoped3A[%rem3A_386, %get3A_594, %get3A_595] : memref<2x8x512xf32, #tpu.memory_space<vmem>> -> memref<1x8x512xf32, #tpu.memory_space<vmem>>
            %get3A_597 = tpu.memref_squeeze %get3A_596 : memref<1x8x512xf32, #tpu.memory_space<vmem>> -> memref<8x512xf32, #tpu.memory_space<vmem>>
            %get3A_598 = arith.constant 7 : index
            %get3A_599 = arith.index_cast %add3A_538 : i32 to index
            %get3A_600 = tpu.vector_load %get3A_597[%get3A_598, %get3A_599] {strides = array<i32>} : memref<8x512xf32, #tpu.memory_space<vmem>>, vector<1x16xf32>,
            %get3A_601 = vector.shape_cast %get3A_600 : vector<1x16xf32> to vector<1x16xf32>
            %max3A = arith.maximumf %get3A_545, %get3A_553 : vector<1x16xf32>
            %max3A_602 = arith.maximumf %max3A, %get3A_561 : vector<1x16xf32>
            %max3A_603 = arith.maximumf %max3A_602, %get3A_569 : vector<1x16xf32>
            %max3A_604 = arith.maximumf %max3A_603, %get3A_577 : vector<1x16xf32>
            %max3A_605 = arith.maximumf %max3A_604, %get3A_585 : vector<1x16xf32>
            %max3A_606 = arith.maximumf %max3A_605, %get3A_593 : vector<1x16xf32>
            %max3A_607 = arith.maximumf %max3A_606, %get3A_601 : vector<1x16xf32>
            %broadcast_in_dim3A = arith.constant 7.000000e+00 : f32
            %broadcast_in_dim3A_608 = vector.broadcast %broadcast_in_dim3A : f32 to vector<1x16xf32>
            %eq3A_609 = arith.cmpf oeq, %get3A_593, %max3A_607 : vector<1x16xf32>
            %jit3A_610 = arith.constant 6.000000e+00 : f32
            %broadcast_in_dim3A_611 = vector.broadcast %jit3A_610 : f32 to vector<1x16xf32>
            %select_n3A_612 = arith.select %eq3A_609, %broadcast_in_dim3A_611, %broadcast_in_dim3A_608 : vector<1x16xi1>, vector<1x16xf32>
            %eq3A_613 = arith.cmpf oeq, %get3A_585, %max3A_607 : vector<1x16xf32>
            %jit3A_614 = arith.constant 5.000000e+00 : f32
            %broadcast_in_dim3A_615 = vector.broadcast %jit3A_614 : f32 to vector<1x16xf32>
            %select_n3A_616 = arith.select %eq3A_613, %broadcast_in_dim3A_615, %select_n3A_612 : vector<1x16xi1>, vector<1x16xf32>
            %eq3A_617 = arith.cmpf oeq, %get3A_577, %max3A_607 : vector<1x16xf32>
            %jit3A_618 = arith.constant 4.000000e+00 : f32
            %broadcast_in_dim3A_619 = vector.broadcast %jit3A_618 : f32 to vector<1x16xf32>
            %select_n3A_620 = arith.select %eq3A_617, %broadcast_in_dim3A_619, %select_n3A_616 : vector<1x16xi1>, vector<1x16xf32>
            %eq3A_621 = arith.cmpf oeq, %get3A_569, %max3A_607 : vector<1x16xf32>
            %jit3A_622 = arith.constant 3.000000e+00 : f32
            %broadcast_in_dim3A_623 = vector.broadcast %jit3A_622 : f32 to vector<1x16xf32>
            %select_n3A_624 = arith.select %eq3A_621, %broadcast_in_dim3A_623, %select_n3A_620 : vector<1x16xi1>, vector<1x16xf32>
            %eq3A_625 = arith.cmpf oeq, %get3A_561, %max3A_607 : vector<1x16xf32>
            %jit3A_626 = arith.constant 2.000000e+00 : f32
            %broadcast_in_dim3A_627 = vector.broadcast %jit3A_626 : f32 to vector<1x16xf32>
            %select_n3A_628 = arith.select %eq3A_625, %broadcast_in_dim3A_627, %select_n3A_624 : vector<1x16xi1>, vector<1x16xf32>
            %eq3A_629 = arith.cmpf oeq, %get3A_553, %max3A_607 : vector<1x16xf32>
            %jit3A_630 = arith.constant 1.000000e+00 : f32
            %broadcast_in_dim3A_631 = vector.broadcast %jit3A_630 : f32 to vector<1x16xf32>
            %select_n3A_632 = arith.select %eq3A_629, %broadcast_in_dim3A_631, %select_n3A_628 : vector<1x16xi1>, vector<1x16xf32>
            %eq3A_633 = arith.cmpf oeq, %get3A_545, %max3A_607 : vector<1x16xf32>
            %jit3A_634 = arith.constant 0.000000e+00 : f32
            %broadcast_in_dim3A_635 = vector.broadcast %jit3A_634 : f32 to vector<1x16xf32>
            %select_n3A_636 = arith.select %eq3A_633, %broadcast_in_dim3A_635, %select_n3A_632 : vector<1x16xi1>, vector<1x16xf32>
            %broadcast_in_dim3A_637 = arith.constant -1.000000e+30 : f32
            %broadcast_in_dim3A_638 = vector.broadcast %broadcast_in_dim3A_637 : f32 to vector<1x16xf32>
            %eq3A_639 = arith.constant 0.000000e+00 : f32
            %eq3A_640 = vector.broadcast %eq3A_639 : f32 to vector<1x16xf32>
            %eq3A_641 = arith.cmpf oeq, %select_n3A_636, %eq3A_640 : vector<1x16xf32>
            %select_n3A_642 = arith.select %eq3A_641, %broadcast_in_dim3A_638, %get3A_545 : vector<1x16xi1>, vector<1x16xf32>
            %eq3A_643 = arith.constant 1.000000e+00 : f32
            %eq3A_644 = vector.broadcast %eq3A_643 : f32 to vector<1x16xf32>
            %eq3A_645 = arith.cmpf oeq, %select_n3A_636, %eq3A_644 : vector<1x16xf32>
            %select_n3A_646 = arith.select %eq3A_645, %broadcast_in_dim3A_638, %get3A_553 : vector<1x16xi1>, vector<1x16xf32>
            %eq3A_647 = arith.constant 2.000000e+00 : f32
            %eq3A_648 = vector.broadcast %eq3A_647 : f32 to vector<1x16xf32>
            %eq3A_649 = arith.cmpf oeq, %select_n3A_636, %eq3A_648 : vector<1x16xf32>
            %select_n3A_650 = arith.select %eq3A_649, %broadcast_in_dim3A_638, %get3A_561 : vector<1x16xi1>, vector<1x16xf32>
            %eq3A_651 = arith.constant 3.000000e+00 : f32
            %eq3A_652 = vector.broadcast %eq3A_651 : f32 to vector<1x16xf32>
            %eq3A_653 = arith.cmpf oeq, %select_n3A_636, %eq3A_652 : vector<1x16xf32>
            %select_n3A_654 = arith.select %eq3A_653, %broadcast_in_dim3A_638, %get3A_569 : vector<1x16xi1>, vector<1x16xf32>
            %eq3A_655 = arith.constant 4.000000e+00 : f32
            %eq3A_656 = vector.broadcast %eq3A_655 : f32 to vector<1x16xf32>
            %eq3A_657 = arith.cmpf oeq, %select_n3A_636, %eq3A_656 : vector<1x16xf32>
            %select_n3A_658 = arith.select %eq3A_657, %broadcast_in_dim3A_638, %get3A_577 : vector<1x16xi1>, vector<1x16xf32>
            %eq3A_659 = arith.constant 5.000000e+00 : f32
            %eq3A_660 = vector.broadcast %eq3A_659 : f32 to vector<1x16xf32>
            %eq3A_661 = arith.cmpf oeq, %select_n3A_636, %eq3A_660 : vector<1x16xf32>
            %select_n3A_662 = arith.select %eq3A_661, %broadcast_in_dim3A_638, %get3A_585 : vector<1x16xi1>, vector<1x16xf32>
            %eq3A_663 = arith.constant 6.000000e+00 : f32
            %eq3A_664 = vector.broadcast %eq3A_663 : f32 to vector<1x16xf32>
            %eq3A_665 = arith.cmpf oeq, %select_n3A_636, %eq3A_664 : vector<1x16xf32>
            %select_n3A_666 = arith.select %eq3A_665, %broadcast_in_dim3A_638, %get3A_593 : vector<1x16xi1>, vector<1x16xf32>
            %eq3A_667 = arith.constant 7.000000e+00 : f32
            %eq3A_668 = vector.broadcast %eq3A_667 : f32 to vector<1x16xf32>
            %eq3A_669 = arith.cmpf oeq, %select_n3A_636, %eq3A_668 : vector<1x16xf32>
            %select_n3A_670 = arith.select %eq3A_669, %broadcast_in_dim3A_638, %get3A_601 : vector<1x16xi1>, vector<1x16xf32>
            %max3A_671 = arith.maximumf %select_n3A_642, %select_n3A_646 : vector<1x16xf32>
            %max3A_672 = arith.maximumf %max3A_671, %select_n3A_650 : vector<1x16xf32>
            %max3A_673 = arith.maximumf %max3A_672, %select_n3A_654 : vector<1x16xf32>
            %max3A_674 = arith.maximumf %max3A_673, %select_n3A_658 : vector<1x16xf32>
            %max3A_675 = arith.maximumf %max3A_674, %select_n3A_662 : vector<1x16xf32>
            %max3A_676 = arith.maximumf %max3A_675, %select_n3A_666 : vector<1x16xf32>
            %max3A_677 = arith.maximumf %max3A_676, %select_n3A_670 : vector<1x16xf32>
            %broadcast_in_dim3A_678 = arith.constant 7.000000e+00 : f32
            %broadcast_in_dim3A_679 = vector.broadcast %broadcast_in_dim3A_678 : f32 to vector<1x16xf32>
            %eq3A_680 = arith.cmpf oeq, %select_n3A_666, %max3A_677 : vector<1x16xf32>
            %jit3A_681 = arith.constant 6.000000e+00 : f32
            %broadcast_in_dim3A_682 = vector.broadcast %jit3A_681 : f32 to vector<1x16xf32>
            %select_n3A_683 = arith.select %eq3A_680, %broadcast_in_dim3A_682, %broadcast_in_dim3A_679 : vector<1x16xi1>, vector<1x16xf32>
            %eq3A_684 = arith.cmpf oeq, %select_n3A_662, %max3A_677 : vector<1x16xf32>
            %jit3A_685 = arith.constant 5.000000e+00 : f32
            %broadcast_in_dim3A_686 = vector.broadcast %jit3A_685 : f32 to vector<1x16xf32>
            %select_n3A_687 = arith.select %eq3A_684, %broadcast_in_dim3A_686, %select_n3A_683 : vector<1x16xi1>, vector<1x16xf32>
            %eq3A_688 = arith.cmpf oeq, %select_n3A_658, %max3A_677 : vector<1x16xf32>
            %jit3A_689 = arith.constant 4.000000e+00 : f32
            %broadcast_in_dim3A_690 = vector.broadcast %jit3A_689 : f32 to vector<1x16xf32>
            %select_n3A_691 = arith.select %eq3A_688, %broadcast_in_dim3A_690, %select_n3A_687 : vector<1x16xi1>, vector<1x16xf32>
            %eq3A_692 = arith.cmpf oeq, %select_n3A_654, %max3A_677 : vector<1x16xf32>
            %jit3A_693 = arith.constant 3.000000e+00 : f32
            %broadcast_in_dim3A_694 = vector.broadcast %jit3A_693 : f32 to vector<1x16xf32>
            %select_n3A_695 = arith.select %eq3A_692, %broadcast_in_dim3A_694, %select_n3A_691 : vector<1x16xi1>, vector<1x16xf32>
            %eq3A_696 = arith.cmpf oeq, %select_n3A_650, %max3A_677 : vector<1x16xf32>
            %jit3A_697 = arith.constant 2.000000e+00 : f32
            %broadcast_in_dim3A_698 = vector.broadcast %jit3A_697 : f32 to vector<1x16xf32>
            %select_n3A_699 = arith.select %eq3A_696, %broadcast_in_dim3A_698, %select_n3A_695 : vector<1x16xi1>, vector<1x16xf32>
            %eq3A_700 = arith.cmpf oeq, %select_n3A_646, %max3A_677 : vector<1x16xf32>
            %jit3A_701 = arith.constant 1.000000e+00 : f32
            %broadcast_in_dim3A_702 = vector.broadcast %jit3A_701 : f32 to vector<1x16xf32>
            %select_n3A_703 = arith.select %eq3A_700, %broadcast_in_dim3A_702, %select_n3A_699 : vector<1x16xi1>, vector<1x16xf32>
            %eq3A_704 = arith.cmpf oeq, %select_n3A_642, %max3A_677 : vector<1x16xf32>
            %jit3A_705 = arith.constant 0.000000e+00 : f32
            %broadcast_in_dim3A_706 = vector.broadcast %jit3A_705 : f32 to vector<1x16xf32>
            %select_n3A_707 = arith.select %eq3A_704, %broadcast_in_dim3A_706, %select_n3A_703 : vector<1x16xi1>, vector<1x16xf32>
            %sub3A_708 = arith.subf %get3A_545, %max3A_607 : vector<1x16xf32>
            %exp3A = math.exp %sub3A_708 : vector<1x16xf32>
            %sub3A_709 = arith.subf %get3A_553, %max3A_607 : vector<1x16xf32>
            %exp3A_710 = math.exp %sub3A_709 : vector<1x16xf32>
            %sub3A_711 = arith.subf %get3A_561, %max3A_607 : vector<1x16xf32>
            %exp3A_712 = math.exp %sub3A_711 : vector<1x16xf32>
            %sub3A_713 = arith.subf %get3A_569, %max3A_607 : vector<1x16xf32>
            %exp3A_714 = math.exp %sub3A_713 : vector<1x16xf32>
            %sub3A_715 = arith.subf %get3A_577, %max3A_607 : vector<1x16xf32>
            %exp3A_716 = math.exp %sub3A_715 : vector<1x16xf32>
            %sub3A_717 = arith.subf %get3A_585, %max3A_607 : vector<1x16xf32>
            %exp3A_718 = math.exp %sub3A_717 : vector<1x16xf32>
            %sub3A_719 = arith.subf %get3A_593, %max3A_607 : vector<1x16xf32>
            %exp3A_720 = math.exp %sub3A_719 : vector<1x16xf32>
            %sub3A_721 = arith.subf %get3A_601, %max3A_607 : vector<1x16xf32>
            %exp3A_722 = math.exp %sub3A_721 : vector<1x16xf32>
            %add3A_723 = arith.addf %exp3A, %exp3A_710 : vector<1x16xf32>
            %add3A_724 = arith.addf %add3A_723, %exp3A_712 : vector<1x16xf32>
            %add3A_725 = arith.addf %add3A_724, %exp3A_714 : vector<1x16xf32>
            %add3A_726 = arith.addf %add3A_725, %exp3A_716 : vector<1x16xf32>
            %add3A_727 = arith.addf %add3A_726, %exp3A_718 : vector<1x16xf32>
            %add3A_728 = arith.addf %add3A_727, %exp3A_720 : vector<1x16xf32>
            %add3A_729 = arith.addf %add3A_728, %exp3A_722 : vector<1x16xf32>
            %div3A = arith.constant 1.000000e+00 : f32
            %div3A_730 = vector.broadcast %div3A : f32 to vector<1x16xf32>
            %div3A_731 = arith.divf %div3A_730, %add3A_729 : vector<1x16xf32>
            %sub3A_732 = arith.subf %max3A_677, %max3A_607 : vector<1x16xf32>
            %exp3A_733 = math.exp %sub3A_732 : vector<1x16xf32>
            %add3A_734 = arith.constant 1.000000e+00 : f32
            %add3A_735 = vector.broadcast %add3A_734 : f32 to vector<1x16xf32>
            %add3A_736 = arith.addf %add3A_735, %exp3A_733 : vector<1x16xf32>
            %div3A_737 = arith.constant 1.000000e+00 : f32
            %div3A_738 = vector.broadcast %div3A_737 : f32 to vector<1x16xf32>
            %div3A_739 = arith.divf %div3A_738, %add3A_736 : vector<1x16xf32>
            %sub3A_740 = arith.constant 1.000000e+00 : f32
            %sub3A_741 = vector.broadcast %sub3A_740 : f32 to vector<1x16xf32>
            %sub3A_742 = arith.subf %sub3A_741, %div3A_739 : vector<1x16xf32>
            %broadcast_in_dim3A_743 = arith.constant 0.000000e+00 : f32
            %broadcast_in_dim3A_744 = vector.broadcast %broadcast_in_dim3A_743 : f32 to vector<1x16xf32>
            %mul3A_745 = arith.mulf %exp3A, %div3A_731 : vector<1x16xf32>
            %swap3A = arith.constant 0 : i32
            %swap3A_746 = arith.constant 0 : i32
            %swap3A_747 = tpu.memref_slice %run_scoped3A_22[%rem3A_392, %swap3A, %swap3A_746] : memref<2x8x512xf32, #tpu.memory_space<vmem>> -> memref<1x8x512xf32, #tpu.memory_space<vmem>>
            %swap3A_748 = tpu.memref_squeeze %swap3A_747 : memref<1x8x512xf32, #tpu.memory_space<vmem>> -> memref<8x512xf32, #tpu.memory_space<vmem>>
            %swap3A_749 = arith.constant 0 : index
            %swap3A_750 = arith.index_cast %add3A_538 : i32 to index
            %swap3A_751 = tpu.vector_load %swap3A_748[%swap3A_749, %swap3A_750] {strides = array<i32>} : memref<8x512xf32, #tpu.memory_space<vmem>>, vector<1x16xf32>,
            %swap3A_752 = vector.shape_cast %swap3A_751 : vector<1x16xf32> to vector<1x16xf32>
            %swap3A_753 = vector.shape_cast %mul3A_745 : vector<1x16xf32> to vector<1x16xf32>
            tpu.vector_store %swap3A_748[%swap3A_749, %swap3A_750], %swap3A_753 {strides = array<i32>} : memref<8x512xf32, #tpu.memory_space<vmem>>, vector<1x16xf32>,
            %eq3A_754 = arith.constant 0.000000e+00 : f32
            %eq3A_755 = vector.broadcast %eq3A_754 : f32 to vector<1x16xf32>
            %eq3A_756 = arith.cmpf oeq, %select_n3A_636, %eq3A_755 : vector<1x16xf32>
            %eq3A_757 = arith.constant 0.000000e+00 : f32
            %eq3A_758 = vector.broadcast %eq3A_757 : f32 to vector<1x16xf32>
            %eq3A_759 = arith.cmpf oeq, %select_n3A_707, %eq3A_758 : vector<1x16xf32>
            %select_n3A_760 = arith.select %eq3A_759, %sub3A_742, %broadcast_in_dim3A_744 : vector<1x16xi1>, vector<1x16xf32>
            %select_n3A_761 = arith.select %eq3A_756, %div3A_739, %select_n3A_760 : vector<1x16xi1>, vector<1x16xf32>
            %swap3A_762 = arith.constant 0 : i32
            %swap3A_763 = arith.constant 0 : i32
            %swap3A_764 = tpu.memref_slice %run_scoped3A_18[%rem3A_388, %swap3A_762, %swap3A_763] : memref<2x8x512xf32, #tpu.memory_space<vmem>> -> memref<1x8x512xf32, #tpu.memory_space<vmem>>
            %swap3A_765 = tpu.memref_squeeze %swap3A_764 : memref<1x8x512xf32, #tpu.memory_space<vmem>> -> memref<8x512xf32, #tpu.memory_space<vmem>>
            %swap3A_766 = arith.constant 0 : index
            %swap3A_767 = arith.index_cast %add3A_538 : i32 to index
            %swap3A_768 = tpu.vector_load %swap3A_765[%swap3A_766, %swap3A_767] {strides = array<i32>} : memref<8x512xf32, #tpu.memory_space<vmem>>, vector<1x16xf32>,
            %swap3A_769 = vector.shape_cast %swap3A_768 : vector<1x16xf32> to vector<1x16xf32>
            %swap3A_770 = vector.shape_cast %select_n3A_761 : vector<1x16xf32> to vector<1x16xf32>
            tpu.vector_store %swap3A_765[%swap3A_766, %swap3A_767], %swap3A_770 {strides = array<i32>} : memref<8x512xf32, #tpu.memory_space<vmem>>, vector<1x16xf32>,
            %mul3A_771 = arith.mulf %exp3A_710, %div3A_731 : vector<1x16xf32>
            %swap3A_772 = arith.constant 0 : i32
            %swap3A_773 = arith.constant 0 : i32
            %swap3A_774 = tpu.memref_slice %run_scoped3A_22[%rem3A_392, %swap3A_772, %swap3A_773] : memref<2x8x512xf32, #tpu.memory_space<vmem>> -> memref<1x8x512xf32, #tpu.memory_space<vmem>>
            %swap3A_775 = tpu.memref_squeeze %swap3A_774 : memref<1x8x512xf32, #tpu.memory_space<vmem>> -> memref<8x512xf32, #tpu.memory_space<vmem>>
            %swap3A_776 = arith.constant 1 : index
            %swap3A_777 = arith.index_cast %add3A_538 : i32 to index
            %swap3A_778 = tpu.vector_load %swap3A_775[%swap3A_776, %swap3A_777] {strides = array<i32>} : memref<8x512xf32, #tpu.memory_space<vmem>>, vector<1x16xf32>,
            %swap3A_779 = vector.shape_cast %swap3A_778 : vector<1x16xf32> to vector<1x16xf32>
            %swap3A_780 = vector.shape_cast %mul3A_771 : vector<1x16xf32> to vector<1x16xf32>
            tpu.vector_store %swap3A_775[%swap3A_776, %swap3A_777], %swap3A_780 {strides = array<i32>} : memref<8x512xf32, #tpu.memory_space<vmem>>, vector<1x16xf32>,
            %eq3A_781 = arith.constant 1.000000e+00 : f32
            %eq3A_782 = vector.broadcast %eq3A_781 : f32 to vector<1x16xf32>
            %eq3A_783 = arith.cmpf oeq, %select_n3A_636, %eq3A_782 : vector<1x16xf32>
            %eq3A_784 = arith.constant 1.000000e+00 : f32
            %eq3A_785 = vector.broadcast %eq3A_784 : f32 to vector<1x16xf32>
            %eq3A_786 = arith.cmpf oeq, %select_n3A_707, %eq3A_785 : vector<1x16xf32>
            %select_n3A_787 = arith.select %eq3A_786, %sub3A_742, %broadcast_in_dim3A_744 : vector<1x16xi1>, vector<1x16xf32>
            %select_n3A_788 = arith.select %eq3A_783, %div3A_739, %select_n3A_787 : vector<1x16xi1>, vector<1x16xf32>
            %swap3A_789 = arith.constant 0 : i32
            %swap3A_790 = arith.constant 0 : i32
            %swap3A_791 = tpu.memref_slice %run_scoped3A_18[%rem3A_388, %swap3A_789, %swap3A_790] : memref<2x8x512xf32, #tpu.memory_space<vmem>> -> memref<1x8x512xf32, #tpu.memory_space<vmem>>
            %swap3A_792 = tpu.memref_squeeze %swap3A_791 : memref<1x8x512xf32, #tpu.memory_space<vmem>> -> memref<8x512xf32, #tpu.memory_space<vmem>>
            %swap3A_793 = arith.constant 1 : index
            %swap3A_794 = arith.index_cast %add3A_538 : i32 to index
            %swap3A_795 = tpu.vector_load %swap3A_792[%swap3A_793, %swap3A_794] {strides = array<i32>} : memref<8x512xf32, #tpu.memory_space<vmem>>, vector<1x16xf32>,
            %swap3A_796 = vector.shape_cast %swap3A_795 : vector<1x16xf32> to vector<1x16xf32>
            %swap3A_797 = vector.shape_cast %select_n3A_788 : vector<1x16xf32> to vector<1x16xf32>
            tpu.vector_store %swap3A_792[%swap3A_793, %swap3A_794], %swap3A_797 {strides = array<i32>} : memref<8x512xf32, #tpu.memory_space<vmem>>, vector<1x16xf32>,
            %mul3A_798 = arith.mulf %exp3A_712, %div3A_731 : vector<1x16xf32>
            %swap3A_799 = arith.constant 0 : i32
            %swap3A_800 = arith.constant 0 : i32
            %swap3A_801 = tpu.memref_slice %run_scoped3A_22[%rem3A_392, %swap3A_799, %swap3A_800] : memref<2x8x512xf32, #tpu.memory_space<vmem>> -> memref<1x8x512xf32, #tpu.memory_space<vmem>>
            %swap3A_802 = tpu.memref_squeeze %swap3A_801 : memref<1x8x512xf32, #tpu.memory_space<vmem>> -> memref<8x512xf32, #tpu.memory_space<vmem>>
            %swap3A_803 = arith.constant 2 : index
            %swap3A_804 = arith.index_cast %add3A_538 : i32 to index
            %swap3A_805 = tpu.vector_load %swap3A_802[%swap3A_803, %swap3A_804] {strides = array<i32>} : memref<8x512xf32, #tpu.memory_space<vmem>>, vector<1x16xf32>,
            %swap3A_806 = vector.shape_cast %swap3A_805 : vector<1x16xf32> to vector<1x16xf32>
            %swap3A_807 = vector.shape_cast %mul3A_798 : vector<1x16xf32> to vector<1x16xf32>
            tpu.vector_store %swap3A_802[%swap3A_803, %swap3A_804], %swap3A_807 {strides = array<i32>} : memref<8x512xf32, #tpu.memory_space<vmem>>, vector<1x16xf32>,
            %eq3A_808 = arith.constant 2.000000e+00 : f32
            %eq3A_809 = vector.broadcast %eq3A_808 : f32 to vector<1x16xf32>
            %eq3A_810 = arith.cmpf oeq, %select_n3A_636, %eq3A_809 : vector<1x16xf32>
            %eq3A_811 = arith.constant 2.000000e+00 : f32
            %eq3A_812 = vector.broadcast %eq3A_811 : f32 to vector<1x16xf32>
            %eq3A_813 = arith.cmpf oeq, %select_n3A_707, %eq3A_812 : vector<1x16xf32>
            %select_n3A_814 = arith.select %eq3A_813, %sub3A_742, %broadcast_in_dim3A_744 : vector<1x16xi1>, vector<1x16xf32>
            %select_n3A_815 = arith.select %eq3A_810, %div3A_739, %select_n3A_814 : vector<1x16xi1>, vector<1x16xf32>
            %swap3A_816 = arith.constant 0 : i32
            %swap3A_817 = arith.constant 0 : i32
            %swap3A_818 = tpu.memref_slice %run_scoped3A_18[%rem3A_388, %swap3A_816, %swap3A_817] : memref<2x8x512xf32, #tpu.memory_space<vmem>> -> memref<1x8x512xf32, #tpu.memory_space<vmem>>
            %swap3A_819 = tpu.memref_squeeze %swap3A_818 : memref<1x8x512xf32, #tpu.memory_space<vmem>> -> memref<8x512xf32, #tpu.memory_space<vmem>>
            %swap3A_820 = arith.constant 2 : index
            %swap3A_821 = arith.index_cast %add3A_538 : i32 to index
            %swap3A_822 = tpu.vector_load %swap3A_819[%swap3A_820, %swap3A_821] {strides = array<i32>} : memref<8x512xf32, #tpu.memory_space<vmem>>, vector<1x16xf32>,
            %swap3A_823 = vector.shape_cast %swap3A_822 : vector<1x16xf32> to vector<1x16xf32>
            %swap3A_824 = vector.shape_cast %select_n3A_815 : vector<1x16xf32> to vector<1x16xf32>
            tpu.vector_store %swap3A_819[%swap3A_820, %swap3A_821], %swap3A_824 {strides = array<i32>} : memref<8x512xf32, #tpu.memory_space<vmem>>, vector<1x16xf32>,
            %mul3A_825 = arith.mulf %exp3A_714, %div3A_731 : vector<1x16xf32>
            %swap3A_826 = arith.constant 0 : i32
            %swap3A_827 = arith.constant 0 : i32
            %swap3A_828 = tpu.memref_slice %run_scoped3A_22[%rem3A_392, %swap3A_826, %swap3A_827] : memref<2x8x512xf32, #tpu.memory_space<vmem>> -> memref<1x8x512xf32, #tpu.memory_space<vmem>>
            %swap3A_829 = tpu.memref_squeeze %swap3A_828 : memref<1x8x512xf32, #tpu.memory_space<vmem>> -> memref<8x512xf32, #tpu.memory_space<vmem>>
            %swap3A_830 = arith.constant 3 : index
            %swap3A_831 = arith.index_cast %add3A_538 : i32 to index
            %swap3A_832 = tpu.vector_load %swap3A_829[%swap3A_830, %swap3A_831] {strides = array<i32>} : memref<8x512xf32, #tpu.memory_space<vmem>>, vector<1x16xf32>,
            %swap3A_833 = vector.shape_cast %swap3A_832 : vector<1x16xf32> to vector<1x16xf32>
            %swap3A_834 = vector.shape_cast %mul3A_825 : vector<1x16xf32> to vector<1x16xf32>
            tpu.vector_store %swap3A_829[%swap3A_830, %swap3A_831], %swap3A_834 {strides = array<i32>} : memref<8x512xf32, #tpu.memory_space<vmem>>, vector<1x16xf32>,
            %eq3A_835 = arith.constant 3.000000e+00 : f32
            %eq3A_836 = vector.broadcast %eq3A_835 : f32 to vector<1x16xf32>
            %eq3A_837 = arith.cmpf oeq, %select_n3A_636, %eq3A_836 : vector<1x16xf32>
            %eq3A_838 = arith.constant 3.000000e+00 : f32
            %eq3A_839 = vector.broadcast %eq3A_838 : f32 to vector<1x16xf32>
            %eq3A_840 = arith.cmpf oeq, %select_n3A_707, %eq3A_839 : vector<1x16xf32>
            %select_n3A_841 = arith.select %eq3A_840, %sub3A_742, %broadcast_in_dim3A_744 : vector<1x16xi1>, vector<1x16xf32>
            %select_n3A_842 = arith.select %eq3A_837, %div3A_739, %select_n3A_841 : vector<1x16xi1>, vector<1x16xf32>
            %swap3A_843 = arith.constant 0 : i32
            %swap3A_844 = arith.constant 0 : i32
            %swap3A_845 = tpu.memref_slice %run_scoped3A_18[%rem3A_388, %swap3A_843, %swap3A_844] : memref<2x8x512xf32, #tpu.memory_space<vmem>> -> memref<1x8x512xf32, #tpu.memory_space<vmem>>
            %swap3A_846 = tpu.memref_squeeze %swap3A_845 : memref<1x8x512xf32, #tpu.memory_space<vmem>> -> memref<8x512xf32, #tpu.memory_space<vmem>>
            %swap3A_847 = arith.constant 3 : index
            %swap3A_848 = arith.index_cast %add3A_538 : i32 to index
            %swap3A_849 = tpu.vector_load %swap3A_846[%swap3A_847, %swap3A_848] {strides = array<i32>} : memref<8x512xf32, #tpu.memory_space<vmem>>, vector<1x16xf32>,
            %swap3A_850 = vector.shape_cast %swap3A_849 : vector<1x16xf32> to vector<1x16xf32>
            %swap3A_851 = vector.shape_cast %select_n3A_842 : vector<1x16xf32> to vector<1x16xf32>
            tpu.vector_store %swap3A_846[%swap3A_847, %swap3A_848], %swap3A_851 {strides = array<i32>} : memref<8x512xf32, #tpu.memory_space<vmem>>, vector<1x16xf32>,
            %mul3A_852 = arith.mulf %exp3A_716, %div3A_731 : vector<1x16xf32>
            %swap3A_853 = arith.constant 0 : i32
            %swap3A_854 = arith.constant 0 : i32
            %swap3A_855 = tpu.memref_slice %run_scoped3A_22[%rem3A_392, %swap3A_853, %swap3A_854] : memref<2x8x512xf32, #tpu.memory_space<vmem>> -> memref<1x8x512xf32, #tpu.memory_space<vmem>>
            %swap3A_856 = tpu.memref_squeeze %swap3A_855 : memref<1x8x512xf32, #tpu.memory_space<vmem>> -> memref<8x512xf32, #tpu.memory_space<vmem>>
            %swap3A_857 = arith.constant 4 : index
            %swap3A_858 = arith.index_cast %add3A_538 : i32 to index
            %swap3A_859 = tpu.vector_load %swap3A_856[%swap3A_857, %swap3A_858] {strides = array<i32>} : memref<8x512xf32, #tpu.memory_space<vmem>>, vector<1x16xf32>,
            %swap3A_860 = vector.shape_cast %swap3A_859 : vector<1x16xf32> to vector<1x16xf32>
            %swap3A_861 = vector.shape_cast %mul3A_852 : vector<1x16xf32> to vector<1x16xf32>
            tpu.vector_store %swap3A_856[%swap3A_857, %swap3A_858], %swap3A_861 {strides = array<i32>} : memref<8x512xf32, #tpu.memory_space<vmem>>, vector<1x16xf32>,
            %eq3A_862 = arith.constant 4.000000e+00 : f32
            %eq3A_863 = vector.broadcast %eq3A_862 : f32 to vector<1x16xf32>
            %eq3A_864 = arith.cmpf oeq, %select_n3A_636, %eq3A_863 : vector<1x16xf32>
            %eq3A_865 = arith.constant 4.000000e+00 : f32
            %eq3A_866 = vector.broadcast %eq3A_865 : f32 to vector<1x16xf32>
            %eq3A_867 = arith.cmpf oeq, %select_n3A_707, %eq3A_866 : vector<1x16xf32>
            %select_n3A_868 = arith.select %eq3A_867, %sub3A_742, %broadcast_in_dim3A_744 : vector<1x16xi1>, vector<1x16xf32>
            %select_n3A_869 = arith.select %eq3A_864, %div3A_739, %select_n3A_868 : vector<1x16xi1>, vector<1x16xf32>
            %swap3A_870 = arith.constant 0 : i32
            %swap3A_871 = arith.constant 0 : i32
            %swap3A_872 = tpu.memref_slice %run_scoped3A_18[%rem3A_388, %swap3A_870, %swap3A_871] : memref<2x8x512xf32, #tpu.memory_space<vmem>> -> memref<1x8x512xf32, #tpu.memory_space<vmem>>
            %swap3A_873 = tpu.memref_squeeze %swap3A_872 : memref<1x8x512xf32, #tpu.memory_space<vmem>> -> memref<8x512xf32, #tpu.memory_space<vmem>>
            %swap3A_874 = arith.constant 4 : index
            %swap3A_875 = arith.index_cast %add3A_538 : i32 to index
            %swap3A_876 = tpu.vector_load %swap3A_873[%swap3A_874, %swap3A_875] {strides = array<i32>} : memref<8x512xf32, #tpu.memory_space<vmem>>, vector<1x16xf32>,
            %swap3A_877 = vector.shape_cast %swap3A_876 : vector<1x16xf32> to vector<1x16xf32>
            %swap3A_878 = vector.shape_cast %select_n3A_869 : vector<1x16xf32> to vector<1x16xf32>
            tpu.vector_store %swap3A_873[%swap3A_874, %swap3A_875], %swap3A_878 {strides = array<i32>} : memref<8x512xf32, #tpu.memory_space<vmem>>, vector<1x16xf32>,
            %mul3A_879 = arith.mulf %exp3A_718, %div3A_731 : vector<1x16xf32>
            %swap3A_880 = arith.constant 0 : i32
            %swap3A_881 = arith.constant 0 : i32
            %swap3A_882 = tpu.memref_slice %run_scoped3A_22[%rem3A_392, %swap3A_880, %swap3A_881] : memref<2x8x512xf32, #tpu.memory_space<vmem>> -> memref<1x8x512xf32, #tpu.memory_space<vmem>>
            %swap3A_883 = tpu.memref_squeeze %swap3A_882 : memref<1x8x512xf32, #tpu.memory_space<vmem>> -> memref<8x512xf32, #tpu.memory_space<vmem>>
            %swap3A_884 = arith.constant 5 : index
            %swap3A_885 = arith.index_cast %add3A_538 : i32 to index
            %swap3A_886 = tpu.vector_load %swap3A_883[%swap3A_884, %swap3A_885] {strides = array<i32>} : memref<8x512xf32, #tpu.memory_space<vmem>>, vector<1x16xf32>,
            %swap3A_887 = vector.shape_cast %swap3A_886 : vector<1x16xf32> to vector<1x16xf32>
            %swap3A_888 = vector.shape_cast %mul3A_879 : vector<1x16xf32> to vector<1x16xf32>
            tpu.vector_store %swap3A_883[%swap3A_884, %swap3A_885], %swap3A_888 {strides = array<i32>} : memref<8x512xf32, #tpu.memory_space<vmem>>, vector<1x16xf32>,
            %eq3A_889 = arith.constant 5.000000e+00 : f32
            %eq3A_890 = vector.broadcast %eq3A_889 : f32 to vector<1x16xf32>
            %eq3A_891 = arith.cmpf oeq, %select_n3A_636, %eq3A_890 : vector<1x16xf32>
            %eq3A_892 = arith.constant 5.000000e+00 : f32
            %eq3A_893 = vector.broadcast %eq3A_892 : f32 to vector<1x16xf32>
            %eq3A_894 = arith.cmpf oeq, %select_n3A_707, %eq3A_893 : vector<1x16xf32>
            %select_n3A_895 = arith.select %eq3A_894, %sub3A_742, %broadcast_in_dim3A_744 : vector<1x16xi1>, vector<1x16xf32>
            %select_n3A_896 = arith.select %eq3A_891, %div3A_739, %select_n3A_895 : vector<1x16xi1>, vector<1x16xf32>
            %swap3A_897 = arith.constant 0 : i32
            %swap3A_898 = arith.constant 0 : i32
            %swap3A_899 = tpu.memref_slice %run_scoped3A_18[%rem3A_388, %swap3A_897, %swap3A_898] : memref<2x8x512xf32, #tpu.memory_space<vmem>> -> memref<1x8x512xf32, #tpu.memory_space<vmem>>
            %swap3A_900 = tpu.memref_squeeze %swap3A_899 : memref<1x8x512xf32, #tpu.memory_space<vmem>> -> memref<8x512xf32, #tpu.memory_space<vmem>>
            %swap3A_901 = arith.constant 5 : index
            %swap3A_902 = arith.index_cast %add3A_538 : i32 to index
            %swap3A_903 = tpu.vector_load %swap3A_900[%swap3A_901, %swap3A_902] {strides = array<i32>} : memref<8x512xf32, #tpu.memory_space<vmem>>, vector<1x16xf32>,
            %swap3A_904 = vector.shape_cast %swap3A_903 : vector<1x16xf32> to vector<1x16xf32>
            %swap3A_905 = vector.shape_cast %select_n3A_896 : vector<1x16xf32> to vector<1x16xf32>
            tpu.vector_store %swap3A_900[%swap3A_901, %swap3A_902], %swap3A_905 {strides = array<i32>} : memref<8x512xf32, #tpu.memory_space<vmem>>, vector<1x16xf32>,
            %mul3A_906 = arith.mulf %exp3A_720, %div3A_731 : vector<1x16xf32>
            %swap3A_907 = arith.constant 0 : i32
            %swap3A_908 = arith.constant 0 : i32
            %swap3A_909 = tpu.memref_slice %run_scoped3A_22[%rem3A_392, %swap3A_907, %swap3A_908] : memref<2x8x512xf32, #tpu.memory_space<vmem>> -> memref<1x8x512xf32, #tpu.memory_space<vmem>>
            %swap3A_910 = tpu.memref_squeeze %swap3A_909 : memref<1x8x512xf32, #tpu.memory_space<vmem>> -> memref<8x512xf32, #tpu.memory_space<vmem>>
            %swap3A_911 = arith.constant 6 : index
            %swap3A_912 = arith.index_cast %add3A_538 : i32 to index
            %swap3A_913 = tpu.vector_load %swap3A_910[%swap3A_911, %swap3A_912] {strides = array<i32>} : memref<8x512xf32, #tpu.memory_space<vmem>>, vector<1x16xf32>,
            %swap3A_914 = vector.shape_cast %swap3A_913 : vector<1x16xf32> to vector<1x16xf32>
            %swap3A_915 = vector.shape_cast %mul3A_906 : vector<1x16xf32> to vector<1x16xf32>
            tpu.vector_store %swap3A_910[%swap3A_911, %swap3A_912], %swap3A_915 {strides = array<i32>} : memref<8x512xf32, #tpu.memory_space<vmem>>, vector<1x16xf32>,
            %eq3A_916 = arith.constant 6.000000e+00 : f32
            %eq3A_917 = vector.broadcast %eq3A_916 : f32 to vector<1x16xf32>
            %eq3A_918 = arith.cmpf oeq, %select_n3A_636, %eq3A_917 : vector<1x16xf32>
            %eq3A_919 = arith.constant 6.000000e+00 : f32
            %eq3A_920 = vector.broadcast %eq3A_919 : f32 to vector<1x16xf32>
            %eq3A_921 = arith.cmpf oeq, %select_n3A_707, %eq3A_920 : vector<1x16xf32>
            %select_n3A_922 = arith.select %eq3A_921, %sub3A_742, %broadcast_in_dim3A_744 : vector<1x16xi1>, vector<1x16xf32>
            %select_n3A_923 = arith.select %eq3A_918, %div3A_739, %select_n3A_922 : vector<1x16xi1>, vector<1x16xf32>
            %swap3A_924 = arith.constant 0 : i32
            %swap3A_925 = arith.constant 0 : i32
            %swap3A_926 = tpu.memref_slice %run_scoped3A_18[%rem3A_388, %swap3A_924, %swap3A_925] : memref<2x8x512xf32, #tpu.memory_space<vmem>> -> memref<1x8x512xf32, #tpu.memory_space<vmem>>
            %swap3A_927 = tpu.memref_squeeze %swap3A_926 : memref<1x8x512xf32, #tpu.memory_space<vmem>> -> memref<8x512xf32, #tpu.memory_space<vmem>>
            %swap3A_928 = arith.constant 6 : index
            %swap3A_929 = arith.index_cast %add3A_538 : i32 to index
            %swap3A_930 = tpu.vector_load %swap3A_927[%swap3A_928, %swap3A_929] {strides = array<i32>} : memref<8x512xf32, #tpu.memory_space<vmem>>, vector<1x16xf32>,
            %swap3A_931 = vector.shape_cast %swap3A_930 : vector<1x16xf32> to vector<1x16xf32>
            %swap3A_932 = vector.shape_cast %select_n3A_923 : vector<1x16xf32> to vector<1x16xf32>
            tpu.vector_store %swap3A_927[%swap3A_928, %swap3A_929], %swap3A_932 {strides = array<i32>} : memref<8x512xf32, #tpu.memory_space<vmem>>, vector<1x16xf32>,
            %mul3A_933 = arith.mulf %exp3A_722, %div3A_731 : vector<1x16xf32>
            %swap3A_934 = arith.constant 0 : i32
            %swap3A_935 = arith.constant 0 : i32
            %swap3A_936 = tpu.memref_slice %run_scoped3A_22[%rem3A_392, %swap3A_934, %swap3A_935] : memref<2x8x512xf32, #tpu.memory_space<vmem>> -> memref<1x8x512xf32, #tpu.memory_space<vmem>>
            %swap3A_937 = tpu.memref_squeeze %swap3A_936 : memref<1x8x512xf32, #tpu.memory_space<vmem>> -> memref<8x512xf32, #tpu.memory_space<vmem>>
            %swap3A_938 = arith.constant 7 : index
            %swap3A_939 = arith.index_cast %add3A_538 : i32 to index
            %swap3A_940 = tpu.vector_load %swap3A_937[%swap3A_938, %swap3A_939] {strides = array<i32>} : memref<8x512xf32, #tpu.memory_space<vmem>>, vector<1x16xf32>,
            %swap3A_941 = vector.shape_cast %swap3A_940 : vector<1x16xf32> to vector<1x16xf32>
            %swap3A_942 = vector.shape_cast %mul3A_933 : vector<1x16xf32> to vector<1x16xf32>
            tpu.vector_store %swap3A_937[%swap3A_938, %swap3A_939], %swap3A_942 {strides = array<i32>} : memref<8x512xf32, #tpu.memory_space<vmem>>, vector<1x16xf32>,
            %eq3A_943 = arith.constant 7.000000e+00 : f32
            %eq3A_944 = vector.broadcast %eq3A_943 : f32 to vector<1x16xf32>
            %eq3A_945 = arith.cmpf oeq, %select_n3A_636, %eq3A_944 : vector<1x16xf32>
            %eq3A_946 = arith.constant 7.000000e+00 : f32
            %eq3A_947 = vector.broadcast %eq3A_946 : f32 to vector<1x16xf32>
            %eq3A_948 = arith.cmpf oeq, %select_n3A_707, %eq3A_947 : vector<1x16xf32>
            %select_n3A_949 = arith.select %eq3A_948, %sub3A_742, %broadcast_in_dim3A_744 : vector<1x16xi1>, vector<1x16xf32>
            %select_n3A_950 = arith.select %eq3A_945, %div3A_739, %select_n3A_949 : vector<1x16xi1>, vector<1x16xf32>
            %swap3A_951 = arith.constant 0 : i32
            %swap3A_952 = arith.constant 0 : i32
            %swap3A_953 = tpu.memref_slice %run_scoped3A_18[%rem3A_388, %swap3A_951, %swap3A_952] : memref<2x8x512xf32, #tpu.memory_space<vmem>> -> memref<1x8x512xf32, #tpu.memory_space<vmem>>
            %swap3A_954 = tpu.memref_squeeze %swap3A_953 : memref<1x8x512xf32, #tpu.memory_space<vmem>> -> memref<8x512xf32, #tpu.memory_space<vmem>>
            %swap3A_955 = arith.constant 7 : index
            %swap3A_956 = arith.index_cast %add3A_538 : i32 to index
            %swap3A_957 = tpu.vector_load %swap3A_954[%swap3A_955, %swap3A_956] {strides = array<i32>} : memref<8x512xf32, #tpu.memory_space<vmem>>, vector<1x16xf32>,
            %swap3A_958 = vector.shape_cast %swap3A_957 : vector<1x16xf32> to vector<1x16xf32>
            %swap3A_959 = vector.shape_cast %select_n3A_950 : vector<1x16xf32> to vector<1x16xf32>
            tpu.vector_store %swap3A_954[%swap3A_955, %swap3A_956], %swap3A_959 {strides = array<i32>} : memref<8x512xf32, #tpu.memory_space<vmem>>, vector<1x16xf32>,
            %convert_element_type3A_960 = arith.fptosi %select_n3A_636 : vector<1x16xf32> to vector<1x16xi32>
            %swap3A_961 = arith.constant 0 : i32
            %swap3A_962 = arith.constant 0 : i32
            %swap3A_963 = tpu.memref_slice %run_scoped3A_20[%rem3A_390, %swap3A_961, %swap3A_962] : memref<2x2x512xi32, #tpu.memory_space<vmem>> -> memref<1x2x512xi32, #tpu.memory_space<vmem>>
            %swap3A_964 = tpu.memref_squeeze %swap3A_963 : memref<1x2x512xi32, #tpu.memory_space<vmem>> -> memref<2x512xi32, #tpu.memory_space<vmem>>
            %swap3A_965 = arith.constant 0 : index
            %swap3A_966 = arith.index_cast %add3A_538 : i32 to index
            %swap3A_967 = tpu.vector_load %swap3A_964[%swap3A_965, %swap3A_966] {strides = array<i32>} : memref<2x512xi32, #tpu.memory_space<vmem>>, vector<1x16xi32>,
            %swap3A_968 = vector.shape_cast %swap3A_967 : vector<1x16xi32> to vector<1x16xi32>
            %swap3A_969 = vector.shape_cast %convert_element_type3A_960 : vector<1x16xi32> to vector<1x16xi32>
            tpu.vector_store %swap3A_964[%swap3A_965, %swap3A_966], %swap3A_969 {strides = array<i32>} : memref<2x512xi32, #tpu.memory_space<vmem>>, vector<1x16xi32>,
            %convert_element_type3A_970 = arith.fptosi %select_n3A_707 : vector<1x16xf32> to vector<1x16xi32>
            %swap3A_971 = arith.constant 0 : i32
            %swap3A_972 = arith.constant 0 : i32
            %swap3A_973 = tpu.memref_slice %run_scoped3A_20[%rem3A_390, %swap3A_971, %swap3A_972] : memref<2x2x512xi32, #tpu.memory_space<vmem>> -> memref<1x2x512xi32, #tpu.memory_space<vmem>>
            %swap3A_974 = tpu.memref_squeeze %swap3A_973 : memref<1x2x512xi32, #tpu.memory_space<vmem>> -> memref<2x512xi32, #tpu.memory_space<vmem>>
            %swap3A_975 = arith.constant 1 : index
            %swap3A_976 = arith.index_cast %add3A_538 : i32 to index
            %swap3A_977 = tpu.vector_load %swap3A_974[%swap3A_975, %swap3A_976] {strides = array<i32>} : memref<2x512xi32, #tpu.memory_space<vmem>>, vector<1x16xi32>,
            %swap3A_978 = vector.shape_cast %swap3A_977 : vector<1x16xi32> to vector<1x16xi32>
            %swap3A_979 = vector.shape_cast %convert_element_type3A_970 : vector<1x16xi32> to vector<1x16xi32>
            tpu.vector_store %swap3A_974[%swap3A_975, %swap3A_976], %swap3A_979 {strides = array<i32>} : memref<2x512xi32, #tpu.memory_space<vmem>>, vector<1x16xi32>,
          }
          %scan3A_396 = arith.constant 32 : i32
          "tpu.trace_stop"() : () -> ()
          %ne3A_397 = arith.cmpi ne, %add3A_239, %add3A_275 : i32
          %ne3A_398 = arith.cmpi ne, %add3A_240, %add3A_276 : i32
          %or3A_399 = arith.constant false
          %or3A_400 = arith.ori %or3A_399, %ne3A_397 : i1
          %or3A_401 = arith.ori %or3A_400, %ne3A_398 : i1
          %or3A_402 = arith.ori %or3A_401, %eq3A_237 : i1
          %convert_element_type3A_403 = arith.extui %or3A_402 : i1 to i32
          %cond3A_404 = arith.constant 0 : i32
          %cond3A_405 = arith.cmpi ne, %convert_element_type3A_403, %cond3A_404 : i32
          scf.if %cond3A_405 {
          } else {
          }
          %and3A_406 = arith.constant false
          %and3A_407 = arith.andi %or3A_402, %and3A_406 : i1
          %ne3A_408 = arith.cmpi ne, %add3A_239, %add3A_275 : i32
          %ne3A_409 = arith.cmpi ne, %add3A_240, %add3A_276 : i32
          %or3A_410 = arith.constant false
          %or3A_411 = arith.ori %or3A_410, %ne3A_408 : i1
          %or3A_412 = arith.ori %or3A_411, %ne3A_409 : i1
          %or3A_413 = arith.ori %or3A_412, %eq3A_237 : i1
          %convert_element_type3A_414 = arith.extui %or3A_413 : i1 to i32
          %cond3A_415 = arith.constant 0 : i32
          %cond3A_416 = arith.cmpi ne, %convert_element_type3A_414, %cond3A_415 : i32
          scf.if %cond3A_416 {
            "tpu.trace_start"() <{level = 10 : i32, message = "ep_copy_out"}> : () -> ()
            %rem3A_534 = arith.constant 2 : i32
            %rem3A_535 = arith.remui %while3A_223, %rem3A_534 : i32
            %mul3A_536 = arith.constant 8 : i32
            %mul3A_537 = arith.muli %mul3A_536, %add3A_239 : i32
            %mul3A_538 = arith.constant 512 : i32
            %mul3A_539 = arith.muli %mul3A_538, %add3A_240 : i32
            %dma_start3A_540 = arith.constant 0 : i32
            %dma_start3A_541 = arith.constant 0 : i32
            %dma_start3A_542 = tpu.memref_slice %run_scoped3A_18[%rem3A_535, %dma_start3A_540, %dma_start3A_541] : memref<2x8x512xf32, #tpu.memory_space<vmem>> -> memref<1x8x512xf32, #tpu.memory_space<vmem>>
            %dma_start3A_543 = tpu.memref_squeeze %dma_start3A_542 : memref<1x8x512xf32, #tpu.memory_space<vmem>> -> memref<8x512xf32, #tpu.memory_space<vmem>>
            %dma_start3A_544 = tpu.memref_slice %arg3[%mul3A_537, %mul3A_539] : memref<32x8192xf32, #tpu.memory_space<hbm>> -> memref<8x512xf32, #tpu.memory_space<hbm>>
            %dma_start3A_545 = tpu.memref_slice %run_scoped3A_19[%rem3A_535] : memref<2x!tpu.dma_semaphore, #tpu.memory_space<semaphore_mem>> -> memref<1x!tpu.dma_semaphore, #tpu.memory_space<semaphore_mem>>
            %dma_start3A_546 = tpu.memref_squeeze %dma_start3A_545 : memref<1x!tpu.dma_semaphore, #tpu.memory_space<semaphore_mem>> -> memref<!tpu.dma_semaphore, #tpu.memory_space<semaphore_mem>>
            %dma_start3A_547 = tpu.memref_slice %arg3[%mul3A_537, %mul3A_539] : memref<32x8192xf32, #tpu.memory_space<hbm>> -> memref<8x512xf32, #tpu.memory_space<hbm>>
            %dma_start3A_548 = arith.constant 0 : i32
            %dma_start3A_549 = arith.constant 0 : i32
            %dma_start3A_550 = tpu.memref_slice %run_scoped3A_18[%rem3A_535, %dma_start3A_548, %dma_start3A_549] : memref<2x8x512xf32, #tpu.memory_space<vmem>> -> memref<1x8x512xf32, #tpu.memory_space<vmem>>
            %dma_start3A_551 = tpu.memref_squeeze %dma_start3A_550 : memref<1x8x512xf32, #tpu.memory_space<vmem>> -> memref<8x512xf32, #tpu.memory_space<vmem>>
            tpu.enqueue_dma source(%dma_start3A_551 : memref<8x512xf32, #tpu.memory_space<vmem>>) target(%dma_start3A_547 : memref<8x512xf32, #tpu.memory_space<hbm>>) target_semaphore(%dma_start3A_546 : memref<!tpu.dma_semaphore, #tpu.memory_space<semaphore_mem>>)
            "tpu.trace_stop"() : () -> ()
          } else {
          }
          %and3A_417 = arith.constant true
          %and3A_418 = arith.andi %or3A_413, %and3A_417 : i1
          %add3A_419 = arith.constant 1 : i32
          %add3A_420 = arith.addi %while3A_223, %add3A_419 : i32
          %select_n3A_421 = arith.select %and3A_418, %add3A_420, %while3A_223 : i32
          %ne3A_422 = arith.cmpi ne, %add3A_239, %add3A_275 : i32
          %ne3A_423 = arith.cmpi ne, %add3A_240, %add3A_276 : i32
          %or3A_424 = arith.constant false
          %or3A_425 = arith.ori %or3A_424, %ne3A_422 : i1
          %or3A_426 = arith.ori %or3A_425, %ne3A_423 : i1
          %or3A_427 = arith.ori %or3A_426, %eq3A_237 : i1
          %convert_element_type3A_428 = arith.extui %or3A_427 : i1 to i32
          %cond3A_429 = arith.constant 0 : i32
          %cond3A_430 = arith.cmpi ne, %convert_element_type3A_428, %cond3A_429 : i32
          scf.if %cond3A_430 {
            "tpu.trace_start"() <{level = 10 : i32, message = "ep_copy_out"}> : () -> ()
            %rem3A_534 = arith.constant 2 : i32
            %rem3A_535 = arith.remui %while3A_225, %rem3A_534 : i32
            %mul3A_536 = arith.constant 2 : i32
            %mul3A_537 = arith.muli %mul3A_536, %add3A_239 : i32
            %mul3A_538 = arith.constant 512 : i32
            %mul3A_539 = arith.muli %mul3A_538, %add3A_240 : i32
            %dma_start3A_540 = arith.constant 0 : i32
            %dma_start3A_541 = arith.constant 0 : i32
            %dma_start3A_542 = tpu.memref_slice %run_scoped3A_20[%rem3A_535, %dma_start3A_540, %dma_start3A_541] : memref<2x2x512xi32, #tpu.memory_space<vmem>> -> memref<1x2x512xi32, #tpu.memory_space<vmem>>
            %dma_start3A_543 = tpu.memref_squeeze %dma_start3A_542 : memref<1x2x512xi32, #tpu.memory_space<vmem>> -> memref<2x512xi32, #tpu.memory_space<vmem>>
            %dma_start3A_544 = tpu.memref_slice %arg4[%mul3A_537, %mul3A_539] : memref<8x8192xi32, #tpu.memory_space<hbm>> -> memref<2x512xi32, #tpu.memory_space<hbm>>
            %dma_start3A_545 = tpu.memref_slice %run_scoped3A_21[%rem3A_535] : memref<2x!tpu.dma_semaphore, #tpu.memory_space<semaphore_mem>> -> memref<1x!tpu.dma_semaphore, #tpu.memory_space<semaphore_mem>>
            %dma_start3A_546 = tpu.memref_squeeze %dma_start3A_545 : memref<1x!tpu.dma_semaphore, #tpu.memory_space<semaphore_mem>> -> memref<!tpu.dma_semaphore, #tpu.memory_space<semaphore_mem>>
            %dma_start3A_547 = tpu.memref_slice %arg4[%mul3A_537, %mul3A_539] : memref<8x8192xi32, #tpu.memory_space<hbm>> -> memref<2x512xi32, #tpu.memory_space<hbm>>
            %dma_start3A_548 = arith.constant 0 : i32
            %dma_start3A_549 = arith.constant 0 : i32
            %dma_start3A_550 = tpu.memref_slice %run_scoped3A_20[%rem3A_535, %dma_start3A_548, %dma_start3A_549] : memref<2x2x512xi32, #tpu.memory_space<vmem>> -> memref<1x2x512xi32, #tpu.memory_space<vmem>>
            %dma_start3A_551 = tpu.memref_squeeze %dma_start3A_550 : memref<1x2x512xi32, #tpu.memory_space<vmem>> -> memref<2x512xi32, #tpu.memory_space<vmem>>
            tpu.enqueue_dma source(%dma_start3A_551 : memref<2x512xi32, #tpu.memory_space<vmem>>) target(%dma_start3A_547 : memref<2x512xi32, #tpu.memory_space<hbm>>) target_semaphore(%dma_start3A_546 : memref<!tpu.dma_semaphore, #tpu.memory_space<semaphore_mem>>)
            "tpu.trace_stop"() : () -> ()
          } else {
          }
          %and3A_431 = arith.constant true
          %and3A_432 = arith.andi %or3A_427, %and3A_431 : i1
          %add3A_433 = arith.constant 1 : i32
          %add3A_434 = arith.addi %while3A_225, %add3A_433 : i32
          %select_n3A_435 = arith.select %and3A_432, %add3A_434, %while3A_225 : i32
          %ne3A_436 = arith.cmpi ne, %add3A_239, %add3A_275 : i32
          %ne3A_437 = arith.cmpi ne, %add3A_240, %add3A_276 : i32
          %or3A_438 = arith.constant false
          %or3A_439 = arith.ori %or3A_438, %ne3A_436 : i1
          %or3A_440 = arith.ori %or3A_439, %ne3A_437 : i1
          %or3A_441 = arith.ori %or3A_440, %eq3A_237 : i1
          %convert_element_type3A_442 = arith.extui %or3A_441 : i1 to i32
          %cond3A_443 = arith.constant 0 : i32
          %cond3A_444 = arith.cmpi ne, %convert_element_type3A_442, %cond3A_443 : i32
          scf.if %cond3A_444 {
            "tpu.trace_start"() <{level = 10 : i32, message = "ep_copy_out"}> : () -> ()
            %rem3A_534 = arith.constant 2 : i32
            %rem3A_535 = arith.remui %while3A_227, %rem3A_534 : i32
            %mul3A_536 = arith.constant 8 : i32
            %mul3A_537 = arith.muli %mul3A_536, %add3A_239 : i32
            %mul3A_538 = arith.constant 512 : i32
            %mul3A_539 = arith.muli %mul3A_538, %add3A_240 : i32
            %dma_start3A_540 = arith.constant 0 : i32
            %dma_start3A_541 = arith.constant 0 : i32
            %dma_start3A_542 = tpu.memref_slice %run_scoped3A_22[%rem3A_535, %dma_start3A_540, %dma_start3A_541] : memref<2x8x512xf32, #tpu.memory_space<vmem>> -> memref<1x8x512xf32, #tpu.memory_space<vmem>>
            %dma_start3A_543 = tpu.memref_squeeze %dma_start3A_542 : memref<1x8x512xf32, #tpu.memory_space<vmem>> -> memref<8x512xf32, #tpu.memory_space<vmem>>
            %dma_start3A_544 = tpu.memref_slice %arg5[%mul3A_537, %mul3A_539] : memref<32x8192xf32, #tpu.memory_space<hbm>> -> memref<8x512xf32, #tpu.memory_space<hbm>>
            %dma_start3A_545 = tpu.memref_slice %run_scoped3A_23[%rem3A_535] : memref<2x!tpu.dma_semaphore, #tpu.memory_space<semaphore_mem>> -> memref<1x!tpu.dma_semaphore, #tpu.memory_space<semaphore_mem>>
            %dma_start3A_546 = tpu.memref_squeeze %dma_start3A_545 : memref<1x!tpu.dma_semaphore, #tpu.memory_space<semaphore_mem>> -> memref<!tpu.dma_semaphore, #tpu.memory_space<semaphore_mem>>
            %dma_start3A_547 = tpu.memref_slice %arg5[%mul3A_537, %mul3A_539] : memref<32x8192xf32, #tpu.memory_space<hbm>> -> memref<8x512xf32, #tpu.memory_space<hbm>>
            %dma_start3A_548 = arith.constant 0 : i32
            %dma_start3A_549 = arith.constant 0 : i32
            %dma_start3A_550 = tpu.memref_slice %run_scoped3A_22[%rem3A_535, %dma_start3A_548, %dma_start3A_549] : memref<2x8x512xf32, #tpu.memory_space<vmem>> -> memref<1x8x512xf32, #tpu.memory_space<vmem>>
            %dma_start3A_551 = tpu.memref_squeeze %dma_start3A_550 : memref<1x8x512xf32, #tpu.memory_space<vmem>> -> memref<8x512xf32, #tpu.memory_space<vmem>>
            tpu.enqueue_dma source(%dma_start3A_551 : memref<8x512xf32, #tpu.memory_space<vmem>>) target(%dma_start3A_547 : memref<8x512xf32, #tpu.memory_space<hbm>>) target_semaphore(%dma_start3A_546 : memref<!tpu.dma_semaphore, #tpu.memory_space<semaphore_mem>>)
            "tpu.trace_stop"() : () -> ()
          } else {
          }
          %and3A_445 = arith.constant true
          %and3A_446 = arith.andi %or3A_441, %and3A_445 : i1
          %add3A_447 = arith.constant 1 : i32
          %add3A_448 = arith.addi %while3A_227, %add3A_447 : i32
          %select_n3A_449 = arith.select %and3A_446, %add3A_448, %while3A_227 : i32
          %ne3A_450 = arith.cmpi ne, %add3A_239, %add3A_258 : i32
          %ne3A_451 = arith.cmpi ne, %add3A_240, %add3A_259 : i32
          %or3A_452 = arith.constant false
          %or3A_453 = arith.ori %or3A_452, %ne3A_450 : i1
          %or3A_454 = arith.ori %or3A_453, %ne3A_451 : i1
          %not3A_455 = arith.constant true
          %not3A_456 = arith.xori %eq3A_234, %not3A_455 : i1
          %and3A_457 = arith.andi %or3A_454, %not3A_456 : i1
          %convert_element_type3A_458 = arith.extui %and3A_457 : i1 to i32
          %cond3A_459 = arith.constant 0 : i32
          %cond3A_460 = arith.cmpi ne, %convert_element_type3A_458, %cond3A_459 : i32
          scf.if %cond3A_460 {
          } else {
          }
          %and3A_461 = arith.constant false
          %and3A_462 = arith.andi %and3A_457, %and3A_461 : i1
          %ne3A_463 = arith.cmpi ne, %add3A_239, %add3A_258 : i32
          %ne3A_464 = arith.cmpi ne, %add3A_240, %add3A_259 : i32
          %or3A_465 = arith.constant false
          %or3A_466 = arith.ori %or3A_465, %ne3A_463 : i1
          %or3A_467 = arith.ori %or3A_466, %ne3A_464 : i1
          %not3A_468 = arith.constant true
          %not3A_469 = arith.xori %eq3A_234, %not3A_468 : i1
          %and3A_470 = arith.andi %or3A_467, %not3A_469 : i1
          %convert_element_type3A_471 = arith.extui %and3A_470 : i1 to i32
          %cond3A_472 = arith.constant 0 : i32
          %cond3A_473 = arith.cmpi ne, %convert_element_type3A_471, %cond3A_472 : i32
          scf.if %cond3A_473 {
            "tpu.trace_start"() <{level = 10 : i32, message = "ep_wait_out"}> : () -> ()
            %rem3A_534 = arith.constant 2 : i32
            %rem3A_535 = arith.remui %while3A_224, %rem3A_534 : i32
            %mul3A_536 = arith.constant 8 : i32
            %mul3A_537 = arith.muli %mul3A_536, %add3A_258 : i32
            %mul3A_538 = arith.constant 512 : i32
            %mul3A_539 = arith.muli %mul3A_538, %add3A_259 : i32
            %dma_wait3A = arith.constant 0 : i32
            %dma_wait3A_540 = arith.constant 0 : i32
            %dma_wait3A_541 = tpu.memref_slice %run_scoped3A_18[%rem3A_535, %dma_wait3A, %dma_wait3A_540] : memref<2x8x512xf32, #tpu.memory_space<vmem>> -> memref<1x8x512xf32, #tpu.memory_space<vmem>>
            %dma_wait3A_542 = tpu.memref_squeeze %dma_wait3A_541 : memref<1x8x512xf32, #tpu.memory_space<vmem>> -> memref<8x512xf32, #tpu.memory_space<vmem>>
            %dma_wait3A_543 = tpu.memref_slice %arg3[%mul3A_537, %mul3A_539] : memref<32x8192xf32, #tpu.memory_space<hbm>> -> memref<8x512xf32, #tpu.memory_space<hbm>>
            %dma_wait3A_544 = tpu.memref_slice %run_scoped3A_19[%rem3A_535] : memref<2x!tpu.dma_semaphore, #tpu.memory_space<semaphore_mem>> -> memref<1x!tpu.dma_semaphore, #tpu.memory_space<semaphore_mem>>
            %dma_wait3A_545 = tpu.memref_squeeze %dma_wait3A_544 : memref<1x!tpu.dma_semaphore, #tpu.memory_space<semaphore_mem>> -> memref<!tpu.dma_semaphore, #tpu.memory_space<semaphore_mem>>
            %dma_wait3A_546 = tpu.memref_slice %arg3[%mul3A_537, %mul3A_539] : memref<32x8192xf32, #tpu.memory_space<hbm>> -> memref<8x512xf32, #tpu.memory_space<hbm>>
            %dma_wait3A_547 = arith.constant 0 : i32
            %dma_wait3A_548 = arith.constant 0 : i32
            %dma_wait3A_549 = tpu.memref_slice %run_scoped3A_18[%rem3A_535, %dma_wait3A_547, %dma_wait3A_548] : memref<2x8x512xf32, #tpu.memory_space<vmem>> -> memref<1x8x512xf32, #tpu.memory_space<vmem>>
            %dma_wait3A_550 = tpu.memref_squeeze %dma_wait3A_549 : memref<1x8x512xf32, #tpu.memory_space<vmem>> -> memref<8x512xf32, #tpu.memory_space<vmem>>
            tpu.wait_dma2 semaphore(%dma_wait3A_545 : memref<!tpu.dma_semaphore, #tpu.memory_space<semaphore_mem>>) src(%dma_wait3A_550 : memref<8x512xf32, #tpu.memory_space<vmem>>) dst(%dma_wait3A_546 : memref<8x512xf32, #tpu.memory_space<hbm>>)
            "tpu.trace_stop"() : () -> ()
          } else {
          }
          %and3A_474 = arith.constant true
          %and3A_475 = arith.andi %and3A_470, %and3A_474 : i1
          %add3A_476 = arith.constant 1 : i32
          %add3A_477 = arith.addi %while3A_224, %add3A_476 : i32
          %select_n3A_478 = arith.select %and3A_475, %add3A_477, %while3A_224 : i32
          %ne3A_479 = arith.cmpi ne, %add3A_239, %add3A_258 : i32
          %ne3A_480 = arith.cmpi ne, %add3A_240, %add3A_259 : i32
          %or3A_481 = arith.constant false
          %or3A_482 = arith.ori %or3A_481, %ne3A_479 : i1
          %or3A_483 = arith.ori %or3A_482, %ne3A_480 : i1
          %not3A_484 = arith.constant true
          %not3A_485 = arith.xori %eq3A_234, %not3A_484 : i1
          %and3A_486 = arith.andi %or3A_483, %not3A_485 : i1
          %convert_element_type3A_487 = arith.extui %and3A_486 : i1 to i32
          %cond3A_488 = arith.constant 0 : i32
          %cond3A_489 = arith.cmpi ne, %convert_element_type3A_487, %cond3A_488 : i32
          scf.if %cond3A_489 {
            "tpu.trace_start"() <{level = 10 : i32, message = "ep_wait_out"}> : () -> ()
            %rem3A_534 = arith.constant 2 : i32
            %rem3A_535 = arith.remui %while3A_226, %rem3A_534 : i32
            %mul3A_536 = arith.constant 2 : i32
            %mul3A_537 = arith.muli %mul3A_536, %add3A_258 : i32
            %mul3A_538 = arith.constant 512 : i32
            %mul3A_539 = arith.muli %mul3A_538, %add3A_259 : i32
            %dma_wait3A = arith.constant 0 : i32
            %dma_wait3A_540 = arith.constant 0 : i32
            %dma_wait3A_541 = tpu.memref_slice %run_scoped3A_20[%rem3A_535, %dma_wait3A, %dma_wait3A_540] : memref<2x2x512xi32, #tpu.memory_space<vmem>> -> memref<1x2x512xi32, #tpu.memory_space<vmem>>
            %dma_wait3A_542 = tpu.memref_squeeze %dma_wait3A_541 : memref<1x2x512xi32, #tpu.memory_space<vmem>> -> memref<2x512xi32, #tpu.memory_space<vmem>>
            %dma_wait3A_543 = tpu.memref_slice %arg4[%mul3A_537, %mul3A_539] : memref<8x8192xi32, #tpu.memory_space<hbm>> -> memref<2x512xi32, #tpu.memory_space<hbm>>
            %dma_wait3A_544 = tpu.memref_slice %run_scoped3A_21[%rem3A_535] : memref<2x!tpu.dma_semaphore, #tpu.memory_space<semaphore_mem>> -> memref<1x!tpu.dma_semaphore, #tpu.memory_space<semaphore_mem>>
            %dma_wait3A_545 = tpu.memref_squeeze %dma_wait3A_544 : memref<1x!tpu.dma_semaphore, #tpu.memory_space<semaphore_mem>> -> memref<!tpu.dma_semaphore, #tpu.memory_space<semaphore_mem>>
            %dma_wait3A_546 = tpu.memref_slice %arg4[%mul3A_537, %mul3A_539] : memref<8x8192xi32, #tpu.memory_space<hbm>> -> memref<2x512xi32, #tpu.memory_space<hbm>>
            %dma_wait3A_547 = arith.constant 0 : i32
            %dma_wait3A_548 = arith.constant 0 : i32
            %dma_wait3A_549 = tpu.memref_slice %run_scoped3A_20[%rem3A_535, %dma_wait3A_547, %dma_wait3A_548] : memref<2x2x512xi32, #tpu.memory_space<vmem>> -> memref<1x2x512xi32, #tpu.memory_space<vmem>>
            %dma_wait3A_550 = tpu.memref_squeeze %dma_wait3A_549 : memref<1x2x512xi32, #tpu.memory_space<vmem>> -> memref<2x512xi32, #tpu.memory_space<vmem>>
            tpu.wait_dma2 semaphore(%dma_wait3A_545 : memref<!tpu.dma_semaphore, #tpu.memory_space<semaphore_mem>>) src(%dma_wait3A_550 : memref<2x512xi32, #tpu.memory_space<vmem>>) dst(%dma_wait3A_546 : memref<2x512xi32, #tpu.memory_space<hbm>>)
            "tpu.trace_stop"() : () -> ()
          } else {
          }
          %and3A_490 = arith.constant true
          %and3A_491 = arith.andi %and3A_486, %and3A_490 : i1
          %add3A_492 = arith.constant 1 : i32
          %add3A_493 = arith.addi %while3A_226, %add3A_492 : i32
          %select_n3A_494 = arith.select %and3A_491, %add3A_493, %while3A_226 : i32
          %ne3A_495 = arith.cmpi ne, %add3A_239, %add3A_258 : i32
          %ne3A_496 = arith.cmpi ne, %add3A_240, %add3A_259 : i32
          %or3A_497 = arith.constant false
          %or3A_498 = arith.ori %or3A_497, %ne3A_495 : i1
          %or3A_499 = arith.ori %or3A_498, %ne3A_496 : i1
          %not3A_500 = arith.constant true
          %not3A_501 = arith.xori %eq3A_234, %not3A_500 : i1
          %and3A_502 = arith.andi %or3A_499, %not3A_501 : i1
          %convert_element_type3A_503 = arith.extui %and3A_502 : i1 to i32
          %cond3A_504 = arith.constant 0 : i32
          %cond3A_505 = arith.cmpi ne, %convert_element_type3A_503, %cond3A_504 : i32
          scf.if %cond3A_505 {
            "tpu.trace_start"() <{level = 10 : i32, message = "ep_wait_out"}> : () -> ()
            %rem3A_534 = arith.constant 2 : i32
            %rem3A_535 = arith.remui %while3A_228, %rem3A_534 : i32
            %mul3A_536 = arith.constant 8 : i32
            %mul3A_537 = arith.muli %mul3A_536, %add3A_258 : i32
            %mul3A_538 = arith.constant 512 : i32
            %mul3A_539 = arith.muli %mul3A_538, %add3A_259 : i32
            %dma_wait3A = arith.constant 0 : i32
            %dma_wait3A_540 = arith.constant 0 : i32
            %dma_wait3A_541 = tpu.memref_slice %run_scoped3A_22[%rem3A_535, %dma_wait3A, %dma_wait3A_540] : memref<2x8x512xf32, #tpu.memory_space<vmem>> -> memref<1x8x512xf32, #tpu.memory_space<vmem>>
            %dma_wait3A_542 = tpu.memref_squeeze %dma_wait3A_541 : memref<1x8x512xf32, #tpu.memory_space<vmem>> -> memref<8x512xf32, #tpu.memory_space<vmem>>
            %dma_wait3A_543 = tpu.memref_slice %arg5[%mul3A_537, %mul3A_539] : memref<32x8192xf32, #tpu.memory_space<hbm>> -> memref<8x512xf32, #tpu.memory_space<hbm>>
            %dma_wait3A_544 = tpu.memref_slice %run_scoped3A_23[%rem3A_535] : memref<2x!tpu.dma_semaphore, #tpu.memory_space<semaphore_mem>> -> memref<1x!tpu.dma_semaphore, #tpu.memory_space<semaphore_mem>>
            %dma_wait3A_545 = tpu.memref_squeeze %dma_wait3A_544 : memref<1x!tpu.dma_semaphore, #tpu.memory_space<semaphore_mem>> -> memref<!tpu.dma_semaphore, #tpu.memory_space<semaphore_mem>>
            %dma_wait3A_546 = tpu.memref_slice %arg5[%mul3A_537, %mul3A_539] : memref<32x8192xf32, #tpu.memory_space<hbm>> -> memref<8x512xf32, #tpu.memory_space<hbm>>
            %dma_wait3A_547 = arith.constant 0 : i32
            %dma_wait3A_548 = arith.constant 0 : i32
            %dma_wait3A_549 = tpu.memref_slice %run_scoped3A_22[%rem3A_535, %dma_wait3A_547, %dma_wait3A_548] : memref<2x8x512xf32, #tpu.memory_space<vmem>> -> memref<1x8x512xf32, #tpu.memory_space<vmem>>
            %dma_wait3A_550 = tpu.memref_squeeze %dma_wait3A_549 : memref<1x8x512xf32, #tpu.memory_space<vmem>> -> memref<8x512xf32, #tpu.memory_space<vmem>>
            tpu.wait_dma2 semaphore(%dma_wait3A_545 : memref<!tpu.dma_semaphore, #tpu.memory_space<semaphore_mem>>) src(%dma_wait3A_550 : memref<8x512xf32, #tpu.memory_space<vmem>>) dst(%dma_wait3A_546 : memref<8x512xf32, #tpu.memory_space<hbm>>)
            "tpu.trace_stop"() : () -> ()
          } else {
          }
          %and3A_506 = arith.constant true
          %and3A_507 = arith.andi %and3A_502, %and3A_506 : i1
          %add3A_508 = arith.constant 1 : i32
          %add3A_509 = arith.addi %while3A_228, %add3A_508 : i32
          %select_n3A_510 = arith.select %and3A_507, %add3A_509, %while3A_228 : i32
          %ne3A_511 = arith.cmpi ne, %add3A_239, %add3A_275 : i32
          %ne3A_512 = arith.cmpi ne, %add3A_240, %add3A_276 : i32
          %or3A_513 = arith.constant false
          %or3A_514 = arith.ori %or3A_513, %ne3A_511 : i1
          %or3A_515 = arith.ori %or3A_514, %ne3A_512 : i1
          %or3A_516 = arith.ori %or3A_515, %eq3A_237 : i1
          %add3A_517 = arith.constant 1 : i32
          %add3A_518 = arith.addi %while3A_222, %add3A_517 : i32
          %select_n3A_519 = arith.select %or3A_516, %add3A_518, %while3A_222 : i32
          %add3A_520 = arith.constant 1 : i32
          %add3A_521 = arith.addi %while3A_230, %add3A_520 : i32
          %select_n3A_522 = arith.constant true
          %select_n3A_523 = arith.select %select_n3A_522, %add3A_521, %while3A_230 : i32
          %eq3A_524 = arith.cmpi eq, %select_n3A_523, %select_n3A : i32
          %select_n3A_525 = arith.constant 0 : i32
          %select_n3A_526 = arith.select %eq3A_524, %select_n3A_525, %select_n3A_523 : i32
          %add3A_527 = arith.constant 1 : i32
          %add3A_528 = arith.addi %while3A_229, %add3A_527 : i32
          %select_n3A_529 = arith.select %eq3A_524, %add3A_528, %while3A_229 : i32
          %eq3A_530 = arith.constant 4 : i32
          %eq3A_531 = arith.cmpi eq, %select_n3A_529, %eq3A_530 : i32
          %select_n3A_532 = arith.constant 0 : i32
          %select_n3A_533 = arith.select %eq3A_531, %select_n3A_532, %select_n3A_529 : i32
          scf.yield %select_n3A_309, %select_n3A_519, %select_n3A_421, %select_n3A_478, %select_n3A_435, %select_n3A_494, %select_n3A_449, %select_n3A_510, %select_n3A_533, %select_n3A_526 : i32, i32, i32, i32, i32, i32, i32, i32, i32, i32
        }
        %sub3A_127 = arith.constant 1 : i32
        %sub3A_128 = arith.subi %while3A_126#9, %sub3A_127 : i32
        %select_n3A_129 = arith.constant true
        %select_n3A_130 = arith.select %select_n3A_129, %sub3A_128, %while3A_126#9 : i32
        %eq3A_131 = arith.constant -1 : i32
        %eq3A_132 = arith.cmpi eq, %select_n3A_130, %eq3A_131 : i32
        %sub3A_133 = arith.constant 1 : i32
        %sub3A_134 = arith.subi %select_n3A, %sub3A_133 : i32
        %select_n3A_135 = arith.select %eq3A_132, %sub3A_134, %select_n3A_130 : i32
        %sub3A_136 = arith.constant 1 : i32
        %sub3A_137 = arith.subi %while3A_126#8, %sub3A_136 : i32
        %select_n3A_138 = arith.select %eq3A_132, %sub3A_137, %while3A_126#8 : i32
        %eq3A_139 = arith.constant -1 : i32
        %eq3A_140 = arith.cmpi eq, %select_n3A_138, %eq3A_139 : i32
        %select_n3A_141 = arith.constant 3 : i32
        %select_n3A_142 = arith.select %eq3A_140, %select_n3A_141, %select_n3A_138 : i32
        %sub3A_143 = arith.constant 1 : i32
        %sub3A_144 = arith.subi %mul3A_16, %sub3A_143 : i32
        %mul3A_145 = arith.constant 4 : i32
        %mul3A_146 = arith.muli %mul3A_145, %select_n3A : i32
        %eq3A_147 = arith.constant 0 : i32
        %eq3A_148 = arith.cmpi eq, %sub3A_144, %eq3A_147 : i32
        %sub3A_149 = arith.constant 1 : i32
        %sub3A_150 = arith.subi %mul3A_146, %sub3A_149 : i32
        %eq3A_151 = arith.cmpi eq, %sub3A_144, %sub3A_150 : i32
        %add3A_152 = arith.constant 0 : i32
        %add3A_153 = arith.addi %select_n3A_142, %add3A_152 : i32
        %add3A_154 = arith.addi %select_n3A_135, %select_n3A_14 : i32
        %sub3A_155 = arith.constant 1 : i32
        %sub3A_156 = arith.subi %select_n3A_135, %sub3A_155 : i32
        %select_n3A_157 = arith.constant true
        %select_n3A_158 = arith.select %select_n3A_157, %sub3A_156, %select_n3A_135 : i32
        %eq3A_159 = arith.constant -1 : i32
        %eq3A_160 = arith.cmpi eq, %select_n3A_158, %eq3A_159 : i32
        %sub3A_161 = arith.constant 1 : i32
        %sub3A_162 = arith.subi %select_n3A, %sub3A_161 : i32
        %select_n3A_163 = arith.select %eq3A_160, %sub3A_162, %select_n3A_158 : i32
        %sub3A_164 = arith.constant 1 : i32
        %sub3A_165 = arith.subi %select_n3A_142, %sub3A_164 : i32
        %select_n3A_166 = arith.select %eq3A_160, %sub3A_165, %select_n3A_142 : i32
        %eq3A_167 = arith.constant -1 : i32
        %eq3A_168 = arith.cmpi eq, %select_n3A_166, %eq3A_167 : i32
        %select_n3A_169 = arith.constant 3 : i32
        %select_n3A_170 = arith.select %eq3A_168, %select_n3A_169, %select_n3A_166 : i32
        %add3A_171 = arith.constant 0 : i32
        %add3A_172 = arith.addi %select_n3A_170, %add3A_171 : i32
        %add3A_173 = arith.addi %select_n3A_163, %select_n3A_14 : i32
        %add3A_174 = arith.constant 1 : i32
        %add3A_175 = arith.addi %select_n3A_135, %add3A_174 : i32
        %select_n3A_176 = arith.constant true
        %select_n3A_177 = arith.select %select_n3A_176, %add3A_175, %select_n3A_135 : i32
        %eq3A_178 = arith.cmpi eq, %select_n3A_177, %select_n3A : i32
        %select_n3A_179 = arith.constant 0 : i32
        %select_n3A_180 = arith.select %eq3A_178, %select_n3A_179, %select_n3A_177 : i32
        %add3A_181 = arith.constant 1 : i32
        %add3A_182 = arith.addi %select_n3A_142, %add3A_181 : i32
        %select_n3A_183 = arith.select %eq3A_178, %add3A_182, %select_n3A_142 : i32
        %eq3A_184 = arith.constant 4 : i32
        %eq3A_185 = arith.cmpi eq, %select_n3A_183, %eq3A_184 : i32
        %select_n3A_186 = arith.constant 0 : i32
        %select_n3A_187 = arith.select %eq3A_185, %select_n3A_186, %select_n3A_183 : i32
        %add3A_188 = arith.constant 0 : i32
        %add3A_189 = arith.addi %select_n3A_187, %add3A_188 : i32
        %add3A_190 = arith.addi %select_n3A_180, %select_n3A_14 : i32
        %add3A_191 = arith.constant 1 : i32
        %add3A_192 = arith.addi %select_n3A_180, %add3A_191 : i32
        %select_n3A_193 = arith.constant true
        %select_n3A_194 = arith.select %select_n3A_193, %add3A_192, %select_n3A_180 : i32
        %eq3A_195 = arith.cmpi eq, %select_n3A_194, %select_n3A : i32
        %select_n3A_196 = arith.constant 0 : i32
        %select_n3A_197 = arith.select %eq3A_195, %select_n3A_196, %select_n3A_194 : i32
        %add3A_198 = arith.constant 1 : i32
        %add3A_199 = arith.addi %select_n3A_187, %add3A_198 : i32
        %select_n3A_200 = arith.select %eq3A_195, %add3A_199, %select_n3A_187 : i32
        %eq3A_201 = arith.constant 4 : i32
        %eq3A_202 = arith.cmpi eq, %select_n3A_200, %eq3A_201 : i32
        %select_n3A_203 = arith.constant 0 : i32
        %select_n3A_204 = arith.select %eq3A_202, %select_n3A_203, %select_n3A_200 : i32
        %add3A_205 = arith.constant 0 : i32
        %add3A_206 = arith.addi %select_n3A_204, %add3A_205 : i32
        %add3A_207 = arith.addi %select_n3A_197, %select_n3A_14 : i32
        %convert_element_type3A_208 = arith.extui %eq3A_151 : i1 to i32
        %cond3A_209 = arith.constant 0 : i32
        %cond3A_210 = arith.cmpi ne, %convert_element_type3A_208, %cond3A_209 : i32
        scf.if %cond3A_210 {
        } else {
        }
        %convert_element_type3A_211 = arith.extui %eq3A_151 : i1 to i32
        %cond3A_212 = arith.constant 0 : i32
        %cond3A_213 = arith.cmpi ne, %convert_element_type3A_211, %cond3A_212 : i32
        scf.if %cond3A_213 {
          "tpu.trace_start"() <{level = 10 : i32, message = "ep_finalize"}> : () -> ()
          %rem3A_220 = arith.constant 2 : i32
          %rem3A_221 = arith.remui %while3A_126#3, %rem3A_220 : i32
          %mul3A_222 = arith.constant 8 : i32
          %mul3A_223 = arith.muli %mul3A_222, %add3A_153 : i32
          %mul3A_224 = arith.constant 512 : i32
          %mul3A_225 = arith.muli %mul3A_224, %add3A_154 : i32
          %dma_wait3A = arith.constant 0 : i32
          %dma_wait3A_226 = arith.constant 0 : i32
          %dma_wait3A_227 = tpu.memref_slice %run_scoped3A_18[%rem3A_221, %dma_wait3A, %dma_wait3A_226] : memref<2x8x512xf32, #tpu.memory_space<vmem>> -> memref<1x8x512xf32, #tpu.memory_space<vmem>>
          %dma_wait3A_228 = tpu.memref_squeeze %dma_wait3A_227 : memref<1x8x512xf32, #tpu.memory_space<vmem>> -> memref<8x512xf32, #tpu.memory_space<vmem>>
          %dma_wait3A_229 = tpu.memref_slice %arg3[%mul3A_223, %mul3A_225] : memref<32x8192xf32, #tpu.memory_space<hbm>> -> memref<8x512xf32, #tpu.memory_space<hbm>>
          %dma_wait3A_230 = tpu.memref_slice %run_scoped3A_19[%rem3A_221] : memref<2x!tpu.dma_semaphore, #tpu.memory_space<semaphore_mem>> -> memref<1x!tpu.dma_semaphore, #tpu.memory_space<semaphore_mem>>
          %dma_wait3A_231 = tpu.memref_squeeze %dma_wait3A_230 : memref<1x!tpu.dma_semaphore, #tpu.memory_space<semaphore_mem>> -> memref<!tpu.dma_semaphore, #tpu.memory_space<semaphore_mem>>
          %dma_wait3A_232 = tpu.memref_slice %arg3[%mul3A_223, %mul3A_225] : memref<32x8192xf32, #tpu.memory_space<hbm>> -> memref<8x512xf32, #tpu.memory_space<hbm>>
          %dma_wait3A_233 = arith.constant 0 : i32
          %dma_wait3A_234 = arith.constant 0 : i32
          %dma_wait3A_235 = tpu.memref_slice %run_scoped3A_18[%rem3A_221, %dma_wait3A_233, %dma_wait3A_234] : memref<2x8x512xf32, #tpu.memory_space<vmem>> -> memref<1x8x512xf32, #tpu.memory_space<vmem>>
          %dma_wait3A_236 = tpu.memref_squeeze %dma_wait3A_235 : memref<1x8x512xf32, #tpu.memory_space<vmem>> -> memref<8x512xf32, #tpu.memory_space<vmem>>
          tpu.wait_dma2 semaphore(%dma_wait3A_231 : memref<!tpu.dma_semaphore, #tpu.memory_space<semaphore_mem>>) src(%dma_wait3A_236 : memref<8x512xf32, #tpu.memory_space<vmem>>) dst(%dma_wait3A_232 : memref<8x512xf32, #tpu.memory_space<hbm>>)
          "tpu.trace_stop"() : () -> ()
        } else {
        }
        %convert_element_type3A_214 = arith.extui %eq3A_151 : i1 to i32
        %cond3A_215 = arith.constant 0 : i32
        %cond3A_216 = arith.cmpi ne, %convert_element_type3A_214, %cond3A_215 : i32
        scf.if %cond3A_216 {
          "tpu.trace_start"() <{level = 10 : i32, message = "ep_finalize"}> : () -> ()
          %rem3A_220 = arith.constant 2 : i32
          %rem3A_221 = arith.remui %while3A_126#5, %rem3A_220 : i32
          %mul3A_222 = arith.constant 2 : i32
          %mul3A_223 = arith.muli %mul3A_222, %add3A_153 : i32
          %mul3A_224 = arith.constant 512 : i32
          %mul3A_225 = arith.muli %mul3A_224, %add3A_154 : i32
          %dma_wait3A = arith.constant 0 : i32
          %dma_wait3A_226 = arith.constant 0 : i32
          %dma_wait3A_227 = tpu.memref_slice %run_scoped3A_20[%rem3A_221, %dma_wait3A, %dma_wait3A_226] : memref<2x2x512xi32, #tpu.memory_space<vmem>> -> memref<1x2x512xi32, #tpu.memory_space<vmem>>
          %dma_wait3A_228 = tpu.memref_squeeze %dma_wait3A_227 : memref<1x2x512xi32, #tpu.memory_space<vmem>> -> memref<2x512xi32, #tpu.memory_space<vmem>>
          %dma_wait3A_229 = tpu.memref_slice %arg4[%mul3A_223, %mul3A_225] : memref<8x8192xi32, #tpu.memory_space<hbm>> -> memref<2x512xi32, #tpu.memory_space<hbm>>
          %dma_wait3A_230 = tpu.memref_slice %run_scoped3A_21[%rem3A_221] : memref<2x!tpu.dma_semaphore, #tpu.memory_space<semaphore_mem>> -> memref<1x!tpu.dma_semaphore, #tpu.memory_space<semaphore_mem>>
          %dma_wait3A_231 = tpu.memref_squeeze %dma_wait3A_230 : memref<1x!tpu.dma_semaphore, #tpu.memory_space<semaphore_mem>> -> memref<!tpu.dma_semaphore, #tpu.memory_space<semaphore_mem>>
          %dma_wait3A_232 = tpu.memref_slice %arg4[%mul3A_223, %mul3A_225] : memref<8x8192xi32, #tpu.memory_space<hbm>> -> memref<2x512xi32, #tpu.memory_space<hbm>>
          %dma_wait3A_233 = arith.constant 0 : i32
          %dma_wait3A_234 = arith.constant 0 : i32
          %dma_wait3A_235 = tpu.memref_slice %run_scoped3A_20[%rem3A_221, %dma_wait3A_233, %dma_wait3A_234] : memref<2x2x512xi32, #tpu.memory_space<vmem>> -> memref<1x2x512xi32, #tpu.memory_space<vmem>>
          %dma_wait3A_236 = tpu.memref_squeeze %dma_wait3A_235 : memref<1x2x512xi32, #tpu.memory_space<vmem>> -> memref<2x512xi32, #tpu.memory_space<vmem>>
          tpu.wait_dma2 semaphore(%dma_wait3A_231 : memref<!tpu.dma_semaphore, #tpu.memory_space<semaphore_mem>>) src(%dma_wait3A_236 : memref<2x512xi32, #tpu.memory_space<vmem>>) dst(%dma_wait3A_232 : memref<2x512xi32, #tpu.memory_space<hbm>>)
          "tpu.trace_stop"() : () -> ()
        } else {
        }
        %convert_element_type3A_217 = arith.extui %eq3A_151 : i1 to i32
        %cond3A_218 = arith.constant 0 : i32
        %cond3A_219 = arith.cmpi ne, %convert_element_type3A_217, %cond3A_218 : i32
        scf.if %cond3A_219 {
          "tpu.trace_start"() <{level = 10 : i32, message = "ep_finalize"}> : () -> ()
          %rem3A_220 = arith.constant 2 : i32
          %rem3A_221 = arith.remui %while3A_126#7, %rem3A_220 : i32
          %mul3A_222 = arith.constant 8 : i32
          %mul3A_223 = arith.muli %mul3A_222, %add3A_153 : i32
          %mul3A_224 = arith.constant 512 : i32
          %mul3A_225 = arith.muli %mul3A_224, %add3A_154 : i32
          %dma_wait3A = arith.constant 0 : i32
          %dma_wait3A_226 = arith.constant 0 : i32
          %dma_wait3A_227 = tpu.memref_slice %run_scoped3A_22[%rem3A_221, %dma_wait3A, %dma_wait3A_226] : memref<2x8x512xf32, #tpu.memory_space<vmem>> -> memref<1x8x512xf32, #tpu.memory_space<vmem>>
          %dma_wait3A_228 = tpu.memref_squeeze %dma_wait3A_227 : memref<1x8x512xf32, #tpu.memory_space<vmem>> -> memref<8x512xf32, #tpu.memory_space<vmem>>
          %dma_wait3A_229 = tpu.memref_slice %arg5[%mul3A_223, %mul3A_225] : memref<32x8192xf32, #tpu.memory_space<hbm>> -> memref<8x512xf32, #tpu.memory_space<hbm>>
          %dma_wait3A_230 = tpu.memref_slice %run_scoped3A_23[%rem3A_221] : memref<2x!tpu.dma_semaphore, #tpu.memory_space<semaphore_mem>> -> memref<1x!tpu.dma_semaphore, #tpu.memory_space<semaphore_mem>>
          %dma_wait3A_231 = tpu.memref_squeeze %dma_wait3A_230 : memref<1x!tpu.dma_semaphore, #tpu.memory_space<semaphore_mem>> -> memref<!tpu.dma_semaphore, #tpu.memory_space<semaphore_mem>>
          %dma_wait3A_232 = tpu.memref_slice %arg5[%mul3A_223, %mul3A_225] : memref<32x8192xf32, #tpu.memory_space<hbm>> -> memref<8x512xf32, #tpu.memory_space<hbm>>
          %dma_wait3A_233 = arith.constant 0 : i32
          %dma_wait3A_234 = arith.constant 0 : i32
          %dma_wait3A_235 = tpu.memref_slice %run_scoped3A_22[%rem3A_221, %dma_wait3A_233, %dma_wait3A_234] : memref<2x8x512xf32, #tpu.memory_space<vmem>> -> memref<1x8x512xf32, #tpu.memory_space<vmem>>
          %dma_wait3A_236 = tpu.memref_squeeze %dma_wait3A_235 : memref<1x8x512xf32, #tpu.memory_space<vmem>> -> memref<8x512xf32, #tpu.memory_space<vmem>>
          tpu.wait_dma2 semaphore(%dma_wait3A_231 : memref<!tpu.dma_semaphore, #tpu.memory_space<semaphore_mem>>) src(%dma_wait3A_236 : memref<8x512xf32, #tpu.memory_space<vmem>>) dst(%dma_wait3A_232 : memref<8x512xf32, #tpu.memory_space<hbm>>)
          "tpu.trace_stop"() : () -> ()
        } else {
        }
      } else {
      }
      tpu.yield
    }) : () -> ()
    return
  }
}

module attributes {stable_mosaic.version = 14 : i64} {
  func.func @_logits_body(%arg0: i32, %arg1: i32, %arg2: memref<1x2048x768xf32, #tpu.memory_space<vmem>>, %arg3: memref<1x192x2048xf32, #tpu.memory_space<vmem>>, %arg4: memref<1x192x2048xf32, #tpu.memory_space<vmem>>, %arg5: memref<1x96x2048xf32, #tpu.memory_space<vmem>>, %arg6: memref<1x96x2048xf32, #tpu.memory_space<vmem>>, %arg7: memref<8x1376xf32, #tpu.memory_space<vmem>>, %arg8: memref<8x1xf32, #tpu.memory_space<vmem>>, %arg9: memref<8x2048xf32, #tpu.memory_space<vmem>>) attributes {dimension_semantics = [#tpu.dimension_semantics<arbitrary>, #tpu.dimension_semantics<arbitrary>], iteration_bounds = array<i64: 4, 4>, scalar_prefetch = 0 : i64, scratch_operands = 0 : i64, tpu.core_type = #tpu.core_type<tc>, window_params = [{transform_indices = @transform_0, window_bounds = array<i64: 1, 2048, 768>}, {transform_indices = @transform_1, window_bounds = array<i64: 1, 192, 2048>}, {transform_indices = @transform_2, window_bounds = array<i64: 1, 192, 2048>}, {transform_indices = @transform_3, window_bounds = array<i64: 1, 96, 2048>}, {transform_indices = @transform_4, window_bounds = array<i64: 1, 96, 2048>}, {pipeline_mode = #tpu.pipeline_mode<synchronous>, transform_indices = @transform_5, window_bounds = array<i64: 8, 1376>}, {pipeline_mode = #tpu.pipeline_mode<synchronous>, transform_indices = @transform_6, window_bounds = array<i64: 8, 1>}, {transform_indices = @transform_7, window_bounds = array<i64: 8, 2048>}]} {
    %get3A = arith.constant 0 : index
    %get3A_0 = arith.constant 0 : index
    %get3A_1 = arith.constant 0 : index
    %get3A_2 = vector.load %arg2[%get3A, %get3A_0, %get3A_1] : memref<1x2048x768xf32, #tpu.memory_space<vmem>>, vector<1x2048x768xf32>
    %get3A_3 = vector.shape_cast %get3A_2 : vector<1x2048x768xf32> to vector<2048x768xf32>
    %get3A_4 = arith.constant 0 : index
    %get3A_5 = arith.constant 0 : index
    %get3A_6 = vector.load %arg7[%get3A_4, %get3A_5] : memref<8x1376xf32, #tpu.memory_space<vmem>>, vector<8x768xf32>
    %transpose3A = tpu.transpose %get3A_6, [1, 0] : vector<8x768xf32> -> vector<768x8xf32>
    %dot_general3A = arith.constant dense<0.000000e+00> : vector<2048x8xf32>
    %dot_general3A_7 = tpu.matmul %get3A_3, %transpose3A, %dot_general3A {dimension_numbers = #tpu.dot_dimension_numbers<[1], [0], [0], [1], [0, 0, 1, 1], [], []>, transpose_lhs_hint = false} : vector<2048x768xf32>, vector<768x8xf32>, vector<2048x8xf32> -> vector<2048x8xf32>
    %transpose3A_8 = tpu.transpose %dot_general3A_7, [1, 0] : vector<2048x8xf32> -> vector<8x2048xf32>
    %get3A_9 = arith.constant 0 : index
    %get3A_10 = arith.constant 800 : index
    %get3A_11 = vector.load %arg7[%get3A_9, %get3A_10] : memref<8x1376xf32, #tpu.memory_space<vmem>>, vector<8x192xf32>
    %get3A_12 = arith.constant 0 : index
    %get3A_13 = arith.constant 0 : index
    %get3A_14 = arith.constant 0 : index
    %get3A_15 = vector.load %arg3[%get3A_12, %get3A_13, %get3A_14] : memref<1x192x2048xf32, #tpu.memory_space<vmem>>, vector<1x192x2048xf32>
    %get3A_16 = vector.shape_cast %get3A_15 : vector<1x192x2048xf32> to vector<192x2048xf32>
    %dot_general3A_17 = arith.constant dense<0.000000e+00> : vector<8x2048xf32>
    %dot_general3A_18 = tpu.matmul %get3A_11, %get3A_16, %dot_general3A_17 {dimension_numbers = #tpu.dot_dimension_numbers<[1], [0], [0], [1], [0, 0, 1, 1], [], []>, transpose_lhs_hint = false} : vector<8x192xf32>, vector<192x2048xf32>, vector<8x2048xf32> -> vector<8x2048xf32>
    %add3A = arith.addf %transpose3A_8, %dot_general3A_18 : vector<8x2048xf32>
    %get3A_19 = arith.constant 0 : index
    %get3A_20 = arith.constant 992 : index
    %get3A_21 = vector.load %arg7[%get3A_19, %get3A_20] : memref<8x1376xf32, #tpu.memory_space<vmem>>, vector<8x192xf32>
    %get3A_22 = arith.constant 0 : index
    %get3A_23 = arith.constant 0 : index
    %get3A_24 = arith.constant 0 : index
    %get3A_25 = vector.load %arg4[%get3A_22, %get3A_23, %get3A_24] : memref<1x192x2048xf32, #tpu.memory_space<vmem>>, vector<1x192x2048xf32>
    %get3A_26 = vector.shape_cast %get3A_25 : vector<1x192x2048xf32> to vector<192x2048xf32>
    %dot_general3A_27 = arith.constant dense<0.000000e+00> : vector<8x2048xf32>
    %dot_general3A_28 = tpu.matmul %get3A_21, %get3A_26, %dot_general3A_27 {dimension_numbers = #tpu.dot_dimension_numbers<[1], [0], [0], [1], [0, 0, 1, 1], [], []>, transpose_lhs_hint = false} : vector<8x192xf32>, vector<192x2048xf32>, vector<8x2048xf32> -> vector<8x2048xf32>
    %add3A_29 = arith.addf %add3A, %dot_general3A_28 : vector<8x2048xf32>
    %get3A_30 = arith.constant 0 : index
    %get3A_31 = arith.constant 1184 : index
    %get3A_32 = vector.load %arg7[%get3A_30, %get3A_31] : memref<8x1376xf32, #tpu.memory_space<vmem>>, vector<8x96xf32>
    %get3A_33 = arith.constant 0 : index
    %get3A_34 = arith.constant 0 : index
    %get3A_35 = arith.constant 0 : index
    %get3A_36 = vector.load %arg5[%get3A_33, %get3A_34, %get3A_35] : memref<1x96x2048xf32, #tpu.memory_space<vmem>>, vector<1x96x2048xf32>
    %get3A_37 = vector.shape_cast %get3A_36 : vector<1x96x2048xf32> to vector<96x2048xf32>
    %dot_general3A_38 = arith.constant dense<0.000000e+00> : vector<8x2048xf32>
    %dot_general3A_39 = tpu.matmul %get3A_32, %get3A_37, %dot_general3A_38 {dimension_numbers = #tpu.dot_dimension_numbers<[1], [0], [0], [1], [0, 0, 1, 1], [], []>, transpose_lhs_hint = false} : vector<8x96xf32>, vector<96x2048xf32>, vector<8x2048xf32> -> vector<8x2048xf32>
    %add3A_40 = arith.addf %add3A_29, %dot_general3A_39 : vector<8x2048xf32>
    %get3A_41 = arith.constant 0 : index
    %get3A_42 = arith.constant 1280 : index
    %get3A_43 = vector.load %arg7[%get3A_41, %get3A_42] : memref<8x1376xf32, #tpu.memory_space<vmem>>, vector<8x96xf32>
    %get3A_44 = arith.constant 0 : index
    %get3A_45 = arith.constant 0 : index
    %get3A_46 = arith.constant 0 : index
    %get3A_47 = vector.load %arg6[%get3A_44, %get3A_45, %get3A_46] : memref<1x96x2048xf32, #tpu.memory_space<vmem>>, vector<1x96x2048xf32>
    %get3A_48 = vector.shape_cast %get3A_47 : vector<1x96x2048xf32> to vector<96x2048xf32>
    %dot_general3A_49 = arith.constant dense<0.000000e+00> : vector<8x2048xf32>
    %dot_general3A_50 = tpu.matmul %get3A_43, %get3A_48, %dot_general3A_49 {dimension_numbers = #tpu.dot_dimension_numbers<[1], [0], [0], [1], [0, 0, 1, 1], [], []>, transpose_lhs_hint = false} : vector<8x96xf32>, vector<96x2048xf32>, vector<8x2048xf32> -> vector<8x2048xf32>
    %add3A_51 = arith.addf %add3A_40, %dot_general3A_50 : vector<8x2048xf32>
    %get3A_52 = arith.constant 0 : index
    %get3A_53 = arith.constant 0 : index
    %get3A_54 = vector.load %arg8[%get3A_52, %get3A_53] : memref<8x1xf32, #tpu.memory_space<vmem>>, vector<8x1xf32>
    %add3A_55 = vector.broadcast %get3A_54 : vector<8x1xf32> to vector<8x2048xf32>
    %add3A_56 = arith.addf %add3A_51, %add3A_55 : vector<8x2048xf32>
    %swap3A = arith.constant 0 : index
    %swap3A_57 = arith.constant 0 : index
    %swap3A_58 = vector.load %arg9[%swap3A, %swap3A_57] : memref<8x2048xf32, #tpu.memory_space<vmem>>, vector<8x2048xf32>
    tpu.vector_store %arg9[%swap3A, %swap3A_57], %add3A_56 {strides = array<i32>} : memref<8x2048xf32, #tpu.memory_space<vmem>>, vector<8x2048xf32>,
    return
  }
  func.func @transform_0(%arg0: i32, %arg1: i32) -> (i32, i32, i32) {
    %c0_i32 = arith.constant 0 : i32
    %c0_i32_0 = arith.constant 0 : i32
    return %arg0, %arg1, %c0_i32 : i32, i32, i32
  }
  func.func @transform_1(%arg0: i32, %arg1: i32) -> (i32, i32, i32) {
    %c0_i32 = arith.constant 0 : i32
    %c0_i32_0 = arith.constant 0 : i32
    return %arg0, %c0_i32, %arg1 : i32, i32, i32
  }
  func.func @transform_2(%arg0: i32, %arg1: i32) -> (i32, i32, i32) {
    %c0_i32 = arith.constant 0 : i32
    %c0_i32_0 = arith.constant 0 : i32
    return %arg0, %c0_i32, %arg1 : i32, i32, i32
  }
  func.func @transform_3(%arg0: i32, %arg1: i32) -> (i32, i32, i32) {
    %c0_i32 = arith.constant 0 : i32
    %c0_i32_0 = arith.constant 0 : i32
    return %arg0, %c0_i32, %arg1 : i32, i32, i32
  }
  func.func @transform_4(%arg0: i32, %arg1: i32) -> (i32, i32, i32) {
    %c0_i32 = arith.constant 0 : i32
    %c0_i32_0 = arith.constant 0 : i32
    return %arg0, %c0_i32, %arg1 : i32, i32, i32
  }
  func.func @transform_5(%arg0: i32, %arg1: i32) -> (i32, i32) {
    %c0_i32 = arith.constant 0 : i32
    %c0_i32_0 = arith.constant 0 : i32
    %c0_i32_1 = arith.constant 0 : i32
    return %c0_i32, %c0_i32_0 : i32, i32
  }
  func.func @transform_6(%arg0: i32, %arg1: i32) -> (i32, i32) {
    %c0_i32 = arith.constant 0 : i32
    %c0_i32_0 = arith.constant 0 : i32
    %c0_i32_1 = arith.constant 0 : i32
    return %c0_i32, %c0_i32_0 : i32, i32
  }
  func.func @transform_7(%arg0: i32, %arg1: i32) -> (i32, i32) {
    %c0_i32 = arith.constant 0 : i32
    return %arg0, %arg1 : i32, i32
  }
}

</mosaic_0001>

<sc_bundles>
// kernel: _run.4.cloned.1.call-start
scs
__scs_entry_jumppad:
0x0: {  	(pc) =	sbr.rel $0x88, $3  }
0x1: {  	(tag) =	ssettag $0x0;
	lr =	simm.s32 $0x1  }
0x2: {  	[smem:$0x3F9A] =	sst lr;
	_ =	strace $0xD0000000  }
0x3: {  	_ = 	snop  }
0x4: {  	_ = 	snop  }
0x5: {  	_ = 	snop  }
0x6: {  	_ = 	snop  }
0x7: {  	_ = 	snop  }
__scs_overlays_trampoline_lowered:
0x8: {  	[smem:$0x3FA9] =	sst s0  }
0x9: {  	[smem:$0x3FAA] =	sst s1  }
0xa: {  	[smem:$0x3FAB] =	sst s2  }
0xb: {  	[smem:$0x3FAC] =	sst s3  }
0xc: {  	[smem:$0x3FAD] =	sst s4  }
0xd: {  	[smem:$0x3FAE] =	sst s5  }
0xe: {  	[smem:$0x3FAF] =	sst s6  }
0xf: {  	[smem:$0x3FB0] =	sst s7  }
0x10: {  	[smem:$0x3FB1] =	sst s8  }
0x11: {  	[smem:$0x3FB2] =	sst s9;
	s0 =	simm.s32 @!p0 $0x0  }
0x12: {  	s1 =	sld [smem:$0x3F98];
	s0 =	simm.s32 @p0 $0x1  }
0x13: {  	[smem:$0x3FB3] =	sst s0;
	s0 =	simm.s32 @!p1 $0x0  }
0x14: {  	s2 =	sld [smem:$0x3F97];
	s0 =	simm.s32 @p1 $0x1  }
0x15: {  	[smem:$0x3FB4] =	sst s0;
	s0 =	simm.s32 @!p2 $0x0  }
0x16: {  	s3 =	sld [smem:$0x3FDB];
	s0 =	simm.s32 @p2 $0x1  }
0x17: {  	s4 =	simm.s32 $0x1BF5;
	[smem:$0x3FB6] =	sst s0  }
0x18: {  	s0 =	sld [smem:$0x3F99];
	_ =	swait.ge [sflag:s4], $0x0  }
0x19: {  	s7 =	sld [smem:$0x3F9A]  }
0x1a: {  	s8 =	sadd.s32 $0xFFFFE003, lr  }
0x1b: {  	s9 =	sadd.s32 $0xFFFFFEF7, lr;
	s5 =	simm.s32 $0xFFFFFFFF;
	p2 =	slt.u32 s8, $0xFFFFF086  }
0x1c: {  	p1 =	slt.u32 s9, $0xF7A;
	s5 =	simm.s32 @!p2 $0x0  }
0x1d: {  	s5 =	simm.s32 @p1 $0x1;
	p0 =	seq.s32 s7, s2  }
0x1e: {  	s7 =	smul.u32 @!p0 $0xF7A, s2;
	p2 =	seq.s32 @!p0 s5, $0x0  }
0x1f: {  	s9 =	smul.u32 $0xF7A, s1;
	s8 =	simm.s32 @!p0 $0x1BF5;
	p2 =	por !p2, p0  }
0x20: {  	[sflag:s8] =	ssyncset.s32 @!p0 $0xFFFFF086;
	s6 =	sadd.s32 @!p0 s3, s7;
	s7 =	simm.s32 @!p0 $0x108  }
0x21: {  	s3 =	sadd.s32 s3, s9;
	s6 =	sadd.s32 @!p0 $0x88, s6;
	s7 =	simm.s32 @p2 $0x1082  }
0x22: {  	[simem:s7], [sflag:s8] =	dma.local @!p0 [hbm:s6], $0xF7A  }
0x23: {  	s9 =	sor.u32 $0xD0000000, s2;
	s6 =	simm.s32 $0x108;
	_ =	swait.ge @!p0 [sflag:s8], $0x0  }
0x24: {  	s3 =	sadd.s32 $0x88, s3;
	s6 =	simm.s32 @!p1 $0x1082;
	[sflag:s4] =	ssyncset.s32 $0xFFFFF086  }
0x25: {  	[simem:s6], [sflag:s4] =	dma.local [hbm:s3], $0xF7A  }
0x26: {  	[smem:$0x3F9A] =	sst s1;
	(tag) =	ssettag s2;
	_ =	strace s9  }
0x27: {  	s1 =	sld [smem:$0x3FAA]  }
0x28: {  	s2 =	sld [smem:$0x3FAB]  }
0x29: {  	s4 =	sld [smem:$0x3FAD]  }
0x2a: {  	p0 =	seq.s32 s5, $0x0;
	s5 =	sld [smem:$0x3FAE]  }
0x2b: {  	s6 =	sld [smem:$0x3FAF]  }
0x2c: {  	s7 =	sld [smem:$0x3FB0]  }
0x2d: {  	s3 =	simm.s32 $0x108;
	s8 =	sld [smem:$0x3FB1]  }
0x2e: {  	s3 =	simm.s32 @!p0 $0x1082;
	s9 =	sld [smem:$0x3FB2]  }
0x2f: {  	lr =	sadd.s32 s0, s3;
	s0 =	sld [smem:$0x3FA9]  }
0x30: {  	s3 =	sld [smem:$0x3FAC]  }
0x31: {  	[smem:$0x3FB5] =	sst s10  }
0x32: {  	s10 =	sld [smem:$0x3FB3];
	_ =	sdelay $0x3  }
0x33: {  	p0 =	seq.s32 s10, $0x1;
	s10 =	sld [smem:$0x3FB5];
	_ =	sdelay $0x3  }
0x34: {  	[smem:$0x3FB5] =	sst s10  }
0x35: {  	s10 =	sld [smem:$0x3FB4];
	_ =	sdelay $0x3  }
0x36: {  	p1 =	seq.s32 s10, $0x1;
	s10 =	sld [smem:$0x3FB5];
	_ =	sdelay $0x3  }
0x37: {  	[smem:$0x3FB5] =	sst s10  }
0x38: {  	s10 =	sld [smem:$0x3FB6]  }
0x39: {  	_ = 	snop;
	(pc) =	sbr.ind lr, $3  }
0x3a: {  	_ = 	snop  }
0x3b: {  	_ = 	snop  }
0x3c: {  	p2 =	seq.s32 s10, $0x1;
	s10 =	sld [smem:$0x3FB5]  }
0x3d: {  	_ =	shalt  }
0x3e: {  	_ =	shalt  }
0x3f: {  	_ =	shalt  }
0x40: {  	_ =	shalt  }
0x41: {  	_ =	shalt  }
0x42: {  	_ =	shalt  }
0x43: {  	_ =	shalt  }
0x44: {  	_ =	shalt  }
0x45: {  	_ =	shalt  }
0x46: {  	_ =	shalt  }
0x47: {  	_ =	shalt  }
0x48: {  	_ =	shalt  }
0x49: {  	_ =	shalt  }
0x4a: {  	_ =	shalt  }
0x4b: {  	_ =	shalt  }
0x4c: {  	_ =	shalt  }
0x4d: {  	_ =	shalt  }
0x4e: {  	_ =	shalt  }
0x4f: {  	_ =	shalt  }
0x50: {  	_ =	shalt  }
0x51: {  	_ =	shalt  }
0x52: {  	_ =	shalt  }
0x53: {  	_ =	shalt  }
0x54: {  	_ =	shalt  }
0x55: {  	_ =	shalt  }
0x56: {  	_ =	shalt  }
0x57: {  	_ =	shalt  }
0x58: {  	_ =	shalt  }
0x59: {  	_ =	shalt  }
0x5a: {  	_ =	shalt  }
0x5b: {  	_ =	shalt  }
0x5c: {  	_ =	shalt  }
0x5d: {  	_ =	shalt  }
0x5e: {  	_ =	shalt  }
0x5f: {  	_ =	shalt  }
0x60: {  	_ =	shalt  }
0x61: {  	_ =	shalt  }
0x62: {  	_ =	shalt  }
0x63: {  	_ =	shalt  }
0x64: {  	_ =	shalt  }
0x65: {  	_ =	shalt  }
0x66: {  	_ =	shalt  }
0x67: {  	_ =	shalt  }
0x68: {  	_ =	shalt  }
0x69: {  	_ =	shalt  }
0x6a: {  	_ =	shalt  }
0x6b: {  	_ =	shalt  }
0x6c: {  	_ =	shalt  }
0x6d: {  	_ =	shalt  }
0x6e: {  	_ =	shalt  }
0x6f: {  	_ =	shalt  }
0x70: {  	_ =	shalt  }
0x71: {  	_ =	shalt  }
0x72: {  	_ =	shalt  }
0x73: {  	_ =	shalt  }
0x74: {  	_ =	shalt  }
0x75: {  	_ =	shalt  }
0x76: {  	_ =	shalt  }
0x77: {  	_ =	shalt  }
0x78: {  	_ =	shalt  }
0x79: {  	_ =	shalt  }
0x7a: {  	_ =	shalt  }
0x7b: {  	_ =	shalt  }
0x7c: {  	_ =	shalt  }
0x7d: {  	_ =	shalt  }
0x7e: {  	_ =	shalt  }
0x7f: {  	_ =	shalt  }
0x80: {  	_ =	shalt  }
0x81: {  	_ =	shalt  }
0x82: {  	_ =	shalt  }
0x83: {  	_ =	shalt  }
0x84: {  	_ =	shalt  }
0x85: {  	_ =	shalt  }
0x86: {  	_ =	shalt  }
0x87: {  	_ =	shalt  }
.Lfunc_end0:
.L_simem_size_0:
called_computation_lowered:
.L_overlay_start_0:
0x88: {  	s2 =	sld [smem:$0x3FD9]  }
0x89: {  	s3 =	sld [smem:$0x3FFE];
	_ =	sdelay $0x1  }
0x8a: {  	s1 =	srdreg.scid  }
0x8b: {  	s0 =	sand.u32 $0x1, s1  }
0x8c: {  	s14 =	sshll.u32 s0, $0xA;
	s2 =	sadd.s32 s3, s2  }
0x8d: {  	s2 =	sadd.s32 s2, s14  }
0x8e: {  	[smem:$0x3FC1] =	sst s2  }
0x8f: {  	_ = 	snop  }
0x90: {  	s2 =	sld [smem:$0x3FD0];
	_ =	sdelay $0x2  }
0x91: {  	s15 =	simm.s32 $0xA;
	s4 =	simm.s32 $0x10  }
0x92: {  	[smem:s4], [sflag:s15] =	dma.local [hbm:s2], $0x1  }
0x93: {  	_ =	swait.eq [sflag:s15], $0x1  }
0x94: {  	[sflag:s15] =	ssyncset.done $0x0  }
0x95: {  	s16 =	sld [smem:$0x10];
	[sflag:s15] =	ssyncadd.s32 $0xFFFFFFFF  }
0x96: {  	s17 =	sld [smem:$0x12];
	(tm) =	ssettm $0x1  }
0x97: {  	s18 =	sld [smem:$0x3FFB];
	_ =	sdelay $0x3  }
0x98: {  	_ =	strace s18  }
0x99: {  	s4 =	sld [smem:$0x3FFC];
	_ =	sdelay $0x3  }
0x9a: {  	_ =	strace s4  }
0x9b: {  	s4 =	sld [smem:$0x3FFD];
	_ =	sdelay $0x3  }
0x9c: {  	_ =	strace s4  }
0x9d: {  	_ =	strace $0x8FFFFFFF  }
0x9e: {  	s19 =	sld [smem:$0x3FDB];
	_ =	sdelay $0x1  }
0x9f: {  	s5 =	simm.s32 $_scs_section_size  }
0xa0: {  	s6 =	simm.s32 $_size__tile_overlayer_lowered;
	s7 =	simm.s32 $_tile_overlayer_lowered  }
0xa1: {  	s22 =	simm.s32 $0x1BFF;
	s21 =	sshll.u32 s7, $0x1;
	s4 =	sadd.s32 s5, s19  }
0xa2: {  	s8 =	simm.s32 $0x0;
	s20 =	sshll.u32 s6, $0x1;
	s6 =	sadd.s32 s21, s4  }
0xa3: {  	[timem:s8], [sflag:s22] =	dma.local [hbm:s6], s20  }
0xa4: {  	_ =	swait.ge [sflag:s22], s20  }
0xa5: {  	s5 =	ssub.s32 $0x0, s20;
	[sflag:s22] =	ssyncset.done $0x0  }
0xa6: {  	[sflag:s22] =	ssyncadd.s32 s5;
	_ =	sdelay $0x1  }
0xa7: {  	s23 =	simm.s32 $0x1B8B  }
0xa8: {  	_ =	swait.ge [sflag:s23], $0x1  }
0xa9: {  	[sflag:s23] =	ssyncset.done $0x0  }
0xaa: {  	s25 =	simm.s32 $0x1B8E;
	s24 =	sld [smem:$0x3FFE];
	[sflag:s23] =	ssyncadd.s32 $0xFFFFFFFF  }
0xab: {  	s26 =	simm.s32 $execute0_lowered;
	[smem:$0x3FD2] =	sst s25  }
0xac: {  	s6 =	sshll.u32 s26, $0x1;
	_ =	strace $0x80000046;
	[dreg:$0x1] =	wrdreg $0xFFFFFFFF  }
0xad: {  	s28 =	simm.s32 $_size_execute0_lowered;
	s4 =	sadd.s32 s4, s6;
	[dreg:$0x0] =	wrdreg $0x0  }
0xae: {  	s6 =	sshll.u32 s28, $0x1;
	[dreg:$0x2] =	wrdreg s4  }
0xaf: {  	[dreg:$0x3] =	wrdreg s6  }
0xb0: {  	[dreg:$0x4] =	wrdreg $0xC0  }
0xb1: {  	_ =	task [dreg:s8], $0x5FFFF  }
0xb2: {  	[dreg:$0x1] =	wrdreg $0xFFFFFFFF  }
0xb3: {  	[dreg:$0x0] =	wrdreg $0x60  }
0xb4: {  	[dreg:$0x2] =	wrdreg s24  }
0xb5: {  	[dreg:$0x3] =	wrdreg s16  }
0xb6: {  	[dreg:$0x4] =	wrdreg s17  }
0xb7: {  	[dreg:$0x5] =	wrdreg $0x9  }
0xb8: {  	_ =	task.clear_ibuf [dreg:s8], $0x6FFFF;
	_ =	strace $0x90000046  }
0xb9: {  	s29 =	simm.s32 $0x9;
	_ =	strace $0x80000055  }
0xba: {  	_ =	swait.ge [sflag:s29], $0x1  }
0xbb: {  	[sflag:s29] =	ssyncadd.s32 $0xFFFFFFFF  }
0xbc: {  	_ =	strace $0x90000055  }
0xbd: {  	_ =	sfence  }
0xbe: {  	s30 =	sld [smem:$0x0];
	_ =	sdelay $0x2  }
0xbf: {  	s31 =	sshll.u32 s1, $0xD;
	s1 =	sshrl.u32 s1, $0x2  }
0xc0: {  	s3 =	sand.u32 $0x4000, s31;
	s1 =	sadd.s32 s1, s30  }
0xc1: {  	s0 =	sor.u32 s3, s0;
	s1 =	sshll.u32 s1, $0x11  }
0xc2: {  	s0 =	sor.u32 s1, s0  }
0xc3: {  	s0 =	sadd.s32 $0x8F2B, s0  }
0xc4: {  	[sflag:s0] =	ssyncadd.remote.s32 $0x1  }
0xc5: {  	_ =	sfence.sel $0xFFFF  }
0xc6: {  	[dreg:$0x0] =	wrdreg $0xFFFFFFFF;
	(pc) =	sbr.abs _section_cstart, $3  }
0xc7: {  	[dreg:$0x1] =	wrdreg $0xFFFFFFFF  }
0xc8: {  	_ =	task.clear_ibuf [dreg:s8], $0x2FFFF;
	_ =	strace $0x9FFFFFFF  }
0xc9: {  	(tm) =	ssettm $0x7FFFFFFF  }
tec
execute0_lowered:
.L_overlay_start_1:
0x0: {  	(tag) =	ssettag $0x1  }
0x1: {  	s1 =	srdreg.scid  }
0x2: {  	s1 =	sand.u32 $0x1, s1  }
0x3: {  	p0 =	seq.s32 s1, $0x1  }
.Ltmp0:
0x4: {  	_ = 	snop;
	(pc) =	sbr.rel @p0 .LBB2_6-.Ltmp0, $4  }
0x5: {  	_ = 	snop  }
0x6: {  	s0 =	rddreg [dreg:$0x0];
	s3 =	simm.s32 $0x0  }
0x7: {  	[smem:$0x7FF] =	sst s3  }
0x8: {  	s2 =	rddreg [dreg:$0x3];
	_ =	strace $0x80000047;
	s1 =	stileid.u32  }
0x9: {  	s2 =	sadd.s32 $0xE00, s0  }
0xa: {  	s26 =	sadd.s32 $0x8E00, s0;
	s28 =	sshll.u32 s1, $0x9;
	s8 =	simm.s32 $0xFFFFFFFF  }
0xb: {  	s29 =	sshll.u32 s1, $0xC;
	s7 =	simm.s32 $0x1;
	s13 =	simm.s32 $0x0  }
0xc: {  	s5 =	simm.s32 $0x0;
	s14 =	simm.s32 $0x0;
	[dreg:$0x5] =	wrdreg s26  }
0xd: {  	s4 =	simm.s32 $0x0;
	s30 =	simm.s32 $0x0;
	[dreg:$0x4] =	wrdreg s2  }
0xe: {  	s0 =	sadd.s32 s2, s28;
	_ =	strace $0x80000048;
	[dreg:$0x7] =	wrdreg s29  }
0xf: {  	[tilespmem:s3], [sflag:$0x1] =	stream.linear.gather [hbm4b:s0+s3], $0x1000, $0x200038;
	[tilespmem:$0x6800] =	vst v63  }
0x10: {  	s31 =	simm.s32 $0x0;
	_ =	strace $0x90000048;
	[dreg:$0x9] =	wrdreg s30  }
0x11: {  	s6 =	simm.s32 $0x0;
	s8 =	simm.s32 @!p0 $0x3;
	[dreg:$0xa] =	wrdreg s31  }
0x12: {  	v0 =	vimm.f32 $7.000000000e+00;
	s17 =	simm.s32 $0x0;
	s18 =	simm.s32 $0x0;
	[dreg:$0x6] =	wrdreg s8  }
.LBB2_2:
0x13: {  	s19 =	smov.u32 s13;
	s13 =	sadd.s32 $0x1, s13  }
0x14: {  	p0 =	seq.s32 s13, $0x4  }
0x15: {  	s13 =	simm.s32 @p0 $0x0  }
0x16: {  	p1 =	slt.s32 s18, s8;
	p0 =	sne.s32 s19, s13  }
0x17: {  	p0 =	por !p1, !p0  }
0x18: {  	p0 =	por !p0, !p0  }
0x19: {  	s1 =	rddreg [dreg:$0x7];
	s0 =	sshll.u32 @p0 s13, $0x10  }
0x1a: {  	_ =	strace @p0 $0x80000049;
	s0 =	sor.u32 @p0 s1, s0;
	s1 =	sand.u32 @p0 $0x1, s7  }
0x1b: {  	s3 =	rddreg [dreg:$0x4];
	s2 =	sshll.u32 @p0 s1, $0xC;
	s0 =	sshrl.u32 @p0 s0, $0x3  }
0x1c: {  	s1 =	sadd.s32 @p0 $0x1, s1;
	s0 =	sadd.s32 @p0 s3, s0;
	s3 =	simm.s32 @p0 $0x0  }
0x1d: {  	[tilespmem:s2], [sflag:s1] =	stream.linear.gather @p0 [hbm4b:s0+s3], $0x1000, $0x200038;
	[tilespmem:$0x6800] =	vst v63  }
0x1e: {  	s10 =	sand.u32 $0x1, s17;
	s11 =	sshll.u32 s17, $0xC;
	_ =	strace @p0 $0x90000049  }
0x1f: {  	s0 =	sadd.s32 $0x1, s10;
	s1 =	sand.u32 $0x1000, s11;
	_ =	strace $0x8000004A  }
0x20: {  	v1 =	vmov s1;
	_ =	swait.ge [sflag:s0], $0x1000  }
0x21: {  	s30 =	simm.s32 $0x0;
	[sflag:s0] =	ssyncset.done $0x0  }
0x22: {  	s20 =	sand.u32 $0x70, s30;
	[sflag:s0] =	ssyncadd.s32 $0xFFFFF000  }
0x23: {  	s12 =	sand.u32 $0x7FFFFC00, s30;
	_ =	strace $0x9000004A  }
0x24: {  	s29 =	sor.u32 s20, s12;
	_ =	strace $0x8000004B  }
0x25: {  	s15 =	sand.u32 $0xFFFFFC00, s30;
	s28 =	sor.u32 $0x80, s29;
	v2 =	vld.idx.msk [tilespmem:v1+s29+$0x0 ss:$0x1], $0xffff  }
0x26: {  	s26 =	sor.u32 $0x100, s29;
	s0 =	sadd.s32 $0x0, s15;
	v3 =	vld.idx.msk [tilespmem:v1+s28+$0x0 ss:$0x1], $0xffff  }
0x27: {  	s25 =	sor.u32 $0x180, s0;
	v4 =	vld.idx.msk [tilespmem:v1+s26+$0x0 ss:$0x1], $0xffff  }
0x28: {  	s24 =	sor.u32 $0x200, s29;
	v5 =	vld.idx.msk [tilespmem:v1+s25+$0x0 ss:$0x1], $0xffff  }
0x29: {  	s22 =	sor.u32 $0x280, s29;
	v6 =	vld.idx.msk [tilespmem:v1+s24+$0x0 ss:$0x1], $0xffff  }
0x2a: {  	s21 =	sor.u32 $0x300, s29;
	v7 =	vld.idx.msk [tilespmem:v1+s22+$0x0 ss:$0x1], $0xffff  }
0x2b: {  	s23 =	sor.u32 $0x380, s0;
	v8 =	vld.idx.msk [tilespmem:v1+s21+$0x0 ss:$0x1], $0xffff;
	v9 =	vmax.f32 v2, v3  }
0x2c: {  	v10 =	vld.idx.msk [tilespmem:v1+s23+$0x0 ss:$0x1], $0xffff;
	v9 =	vmax.f32 v9, v4  }
0x2d: {  	v9 =	vmax.f32 v9, v5  }
0x2e: {  	v9 =	vmax.f32 v9, v6  }
0x2f: {  	v9 =	vmax.f32 v9, v7  }
0x30: {  	v9 =	vmax.f32 v9, v8  }
0x31: {  	v9 =	vmax.f32 v9, v10  }
0x32: {  	vm0 =	veq.f32 v8, v9;
	vm1 =	veq.f32 v7, v9;
	vm2 =	veq.f32 v6, v9  }
0x33: {  	vm3 =	veq.f32 v4, v9;
	v12 =	vsub.f32 v2, v9;
	v11 =	vsel vm0, $0x40C00000, v0  }
0x34: {  	v13 =	vsub.f32 v3, v9;
	v14 =	vsub.f32 v4, v9;
	v11 =	vsel vm1, $0x40A00000, v11  }
0x35: {  	v15 =	vsub.f32 v5, v9;
	vm0 =	veq.f32 v5, v9;
	v11 =	vsel vm2, $0x40800000, v11  }
0x36: {  	vm5 =	veq.f32 v2, v9;
	v12 =	vmul.f32 $1.442695020e+00, v12;
	v11 =	vsel vm0, $0x40400000, v11  }
0x37: {  	vm1 =	veq.f32 v3, v9;
	v14 =	vmul.f32 $1.442695020e+00, v14;
	v11 =	vsel vm3, $0x40000000, v11  }
0x38: {  	v13 =	vmul.f32 $1.442695020e+00, v13;
	(erf) = vpow2.f32 v12;
	v11 =	vsel vm1, $0x3F800000, v11  }
0x39: {  	v17 =	vsel vm5, $0xF149F2CA, v2;
	(erf) = vpow2.f32 v14;
	v16 =	vsel vm5, $0x0, v11  }
0x3a: {  	(erf) = vpow2.f32 v13;
	v11 =	vmul.f32 $1.442695020e+00, v15;
	vm6 =	veq.f32 v16, $1.000000000e+00  }
0x3b: {  	vm4 =	veq.f32 v16, $2.000000000e+00;
	vm0 =	veq.f32 v16, $7.000000000e+00;
	vm1 =	veq.f32 v16, $5.000000000e+00  }
0x3c: {  	vm3 =	veq.f32 v16, $4.000000000e+00;
	vm7 =	veq.f32 v16, $3.000000000e+00;
	vm2 =	veq.f32 v16, $6.000000000e+00  }
0x3d: {  	v3 =	vsel vm6, $0xF149F2CA, v3;
	v4 =	vsel vm4, $0xF149F2CA, v4;
	v14 =	vsel vm3, $0xF149F2CA, v6  }
0x3e: {  	v15 =	vsel vm1, $0xF149F2CA, v7;
	v6 =	vsub.f32 v6, v9;
	v2 =	vmax.f32 v17, v3  }
0x3f: {  	v5 =	vsel vm7, $0xF149F2CA, v5;
	(erf) = vpow2.f32 v11;
	v2 =	vmax.f32 v2, v4  }
0x40: {  	v7 =	vsub.f32 v7, v9;
	v6 =	vmul.f32 $1.442695020e+00, v6;
	v2 =	vmax.f32 v2, v5  }
0x41: {  	v18 =	vsel vm2, $0xF149F2CA, v8;
	v8 =	vsub.f32 v8, v9;
	v2 =	vmax.f32 v2, v14  }
0x42: {  	v7 =	vmul.f32 $1.442695020e+00, v7;
	(erf) = vpow2.f32 v6;
	v2 =	vmax.f32 v2, v15  }
0x43: {  	v12 =	vsel vm0, $0xF149F2CA, v10;
	v10 =	vsub.f32 v10, v9;
	v11 =	vpop (erf);
	v2 =	vmax.f32 v2, v18  }
0x44: {  	(erf) = vpow2.f32 v7;
	v6 =	vpop (erf);
	v19 =	vmax.f32 v2, v12;
	v2 =	vmul.f32 $1.442695020e+00, v8  }
0x45: {  	v13 =	vpop (erf);
	v8 =	vsub.f32 v19, v9  }
0x46: {  	v9 =	vmul.f32 $1.442695020e+00, v10;
	(erf) = vpow2.f32 v2;
	v2 =	vadd.f32 v13, v11  }
0x47: {  	v7 =	vmul.f32 $1.442695020e+00, v8  }
0x48: {  	(erf) = vpow2.f32 v9;
	v2 =	vadd.f32 v2, v6  }
0x49: {  	v12 =	vpop (erf);
	(erf) = vpow2.f32 v7  }
0x4a: {  	v2 =	vadd.f32 v2, v12  }
0x4b: {  	v9 =	vpop (erf)  }
0x4c: {  	v2 =	vadd.f32 v2, v9  }
0x4d: {  	s16 =	sand.u32 $0x1, s14;
	v10 =	vpop (erf)  }
0x4e: {  	s0 =	sshll.u32 s16, $0xC;
	vm8 =	veq.f32 v18, v19;
	vm9 =	veq.f32 v14, v19;
	v14 =	vadd.f32 v2, v10  }
0x4f: {  	[dreg:$0xb] =	wrdreg s16;
	s0 =	sor.u32 $0x4800, s0;
	v7 =	vsel vm8, $0x40C00000, v0;
	vm8 =	veq.f32 v15, v19  }
0x50: {  	s9 =	simm.s32 $0x1;
	s31 =	smov.u32 s6;
	[dreg:$0xc] =	wrdreg s0;
	v7 =	vsel vm8, $0x40A00000, v7;
	v8 =	vpop (erf)  }
0x51: {  	s6 =	simm.s32 $0x80;
	s9 =	simm.s32 @!p0 $0x0;
	s3 =	rddreg [dreg:$0xa];
	vm8 =	veq.f32 v5, v19;
	v7 =	vsel vm9, $0x40800000, v7;
	vm9 =	veq.f32 v3, v19;
	v5 =	vpop (erf)  }
0x52: {  	s16 =	sadd.s32 s9, s7;
	s10 =	rddreg [dreg:$0x9];
	s8 =	sand.u32 $0x1, s3;
	v7 =	vsel vm8, $0x40400000, v7;
	vm8 =	veq.f32 v4, v19;
	v4 =	vadd.f32 v14, v8;
	v14 =	vpop (erf)  }
0x53: {  	[dreg:$0x8] =	wrdreg s16;
	s2 =	sshll.u32 s8, $0xC;
	v3 =	vsel vm8, $0x40000000, v7;
	v2 =	vmov s0;
	s0 =	sand.u32 $0x1, s10;
	v7 =	vadd.f32 $1.000000000e+00, v14  }
0x54: {  	[dreg:$0xe] =	wrdreg s8;
	s11 =	sor.u32 $0x2000, s2;
	vm8 =	veq.f32 v17, v19;
	v3 =	vsel vm9, $0x3F800000, v3;
	s15 =	sshll.u32 s0, $0xA;
	v15 =	vadd.f32 v4, v5  }
0x55: {  	s12 =	sshrl.u32 s12, $0x2;
	[dreg:$0xf] =	wrdreg s11;
	s2 =	sor.u32 $0x4000, s15;
	v4 =	vtrunc.f32 v16;
	v14 =	vsel vm8, $0x0, v3;
	(erf) = vrcp.f32 v7  }
0x56: {  	s1 =	smov.u32 s4;
	[dreg:$0xd] =	wrdreg s0;
	s4 =	sadd.s32 s12, s2;
	v3 =	vmov s11;
	v7 =	vtrunc.f32 v14;
	(erf) = vrcp.f32 v15  }
.LBB2_3:
0x57: {  	_ = 	snop  }
0x58: {  	p0 =	sne.s32 s6, $0xF80  }
0x59: {  	s30 =	sadd.s32 $0x10, s30;
	s15 =	smov.u32 s6;
	s6 =	sadd.s32 $0x80, s6  }
0x5a: {  	_ =	sdelay $0x1  }
0x5b: {  	s9 =	sand.u32 $0x70, s30;
	s16 =	sand.u32 $0x7FFFFC00, s15  }
0x5c: {  	vm9 =	veq.f32 v14, $7.000000000e+00;
	s8 =	sor.u32 s9, s16;
	s16 =	sshrl.u32 s16, $0x2  }
0x5d: {  	vm11 =	veq.f32 v14, $4.000000000e+00;
	vm12 =	veq.f32 v14, $5.000000000e+00;
	vm10 =	veq.f32 v14, $6.000000000e+00;
	s10 =	sand.u32 $0xFFFFFC00, s15;
	s0 =	sor.u32 $0x80, s8;
	s15 =	sadd.s32 s16, s2;
	v15 =	vpop (erf)  }
0x5e: {  	vm13 =	veq.f32 v14, $2.000000000e+00;
	vm14 =	veq.f32 v14, $3.000000000e+00;
	s10 =	sadd.s32 s10, s30;
	s16 =	sor.u32 $0x100, s8;
	v16 =	vsub.f32 $1.000000000e+00, v15;
	v17 =	vpop (erf)  }
0x5f: {  	vm15 =	veq.f32 v14, $1.000000000e+00;
	s11 =	sor.u32 $0x180, s10;
	v11 =	vmul.f32 v17, v11;
	v13 =	vmul.f32 v17, v13  }
0x60: {  	s12 =	sor.u32 $0x200, s8;
	v6 =	vmul.f32 v17, v6;
	v14 =	vnsel vm8, $0x0, v16;
	v18 =	vnsel vm15, $0x0, v16  }
0x61: {  	s3 =	sor.u32 $0x280, s8;
	[tilespmem:v2+s29+$0x0 ss:$0x1] =	vst.idx.msk $0xffff, v11;
	v11 =	vsel vm5, v15, v14;
	v14 =	vsel vm6, v15, v18;
	v18 =	vnsel vm13, $0x0, v16  }
0x62: {  	s7 =	sor.u32 $0x300, s8;
	v12 =	vmul.f32 v17, v12;
	[tilespmem:v3+s29+$0x0 ss:$0x1] =	vst.idx.msk $0xffff, v11;
	v11 =	vsel vm4, v15, v18;
	v18 =	vnsel vm14, $0x0, v16;
	s29 =	smov.u32 s8  }
0x63: {  	v19 =	vnsel vm12, $0x0, v16;
	s8 =	sor.u32 $0x380, s10;
	[tilespmem:v2+s28+$0x0 ss:$0x1] =	vst.idx.msk $0xffff, v13;
	v13 =	vsel vm7, v15, v18;
	v18 =	vnsel vm11, $0x0, v16  }
0x64: {  	[tilespmem:v3+s28+$0x0 ss:$0x1] =	vst.idx.msk $0xffff, v14;
	v14 =	vsel vm3, v15, v18;
	v18 =	vsel vm1, v15, v19;
	v19 =	vnsel vm10, $0x0, v16;
	s28 =	smov.u32 s0  }
0x65: {  	v16 =	vnsel vm9, $0x0, v16;
	[tilespmem:v2+s26+$0x0 ss:$0x1] =	vst.idx.msk $0xffff, v6;
	v6 =	vsel vm2, v15, v19  }
0x66: {  	[tilespmem:v3+s26+$0x0 ss:$0x1] =	vst.idx.msk $0xffff, v11;
	v11 =	vsel vm0, v15, v16;
	s26 =	smov.u32 s16  }
0x67: {  	v9 =	vmul.f32 v17, v9;
	[tilespmem:v2+s25+$0x0 ss:$0x1] =	vst.idx.msk $0xffff, v12  }
0x68: {  	[tilespmem:v3+s25+$0x0 ss:$0x1] =	vst.idx.msk $0xffff, v13;
	s25 =	smov.u32 s11  }
0x69: {  	[tilespmem:v2+s24+$0x0 ss:$0x1] =	vst.idx.msk $0xffff, v9;
	v9 =	vmul.f32 v17, v10  }
0x6a: {  	[tilespmem:v3+s24+$0x0 ss:$0x1] =	vst.idx.msk $0xffff, v14;
	s24 =	smov.u32 s12  }
0x6b: {  	v8 =	vmul.f32 v17, v8;
	[tilespmem:v2+s22+$0x0 ss:$0x1] =	vst.idx.msk $0xffff, v9  }
0x6c: {  	[tilespmem:v3+s22+$0x0 ss:$0x1] =	vst.idx.msk $0xffff, v18;
	s22 =	smov.u32 s3  }
0x6d: {  	v5 =	vmul.f32 v17, v5;
	[tilespmem:v2+s21+$0x0 ss:$0x1] =	vst.idx.msk $0xffff, v8  }
0x6e: {  	[tilespmem:v3+s21+$0x0 ss:$0x1] =	vst.idx.msk $0xffff, v6;
	s21 =	smov.u32 s7  }
0x6f: {  	v4 =	vcvt.f32.s32 v4;
	[tilespmem:v2+s23+$0x0 ss:$0x1] =	vst.idx.msk $0xffff, v5  }
0x70: {  	s0 =	sadd.s32 s20, s4;
	s20 =	smov.u32 s9;
	s4 =	smov.u32 s15;
	v5 =	vcvt.f32.s32 v7;
	[tilespmem:v3+s23+$0x0 ss:$0x1] =	vst.idx.msk $0xffff, v11  }
0x71: {  	s23 =	smov.u32 s8;
	[tilespmem:s0+$0x0] =	vst v4  }
0x72: {  	[tilespmem:s0+$0x80] =	vst v5  }
0x73: {  	v4 =	vld.idx.msk [tilespmem:v1+s29+$0x0 ss:$0x1], $0xffff  }
0x74: {  	v5 =	vld.idx.msk [tilespmem:v1+s26+$0x0 ss:$0x1], $0xffff  }
0x75: {  	v6 =	vld.idx.msk [tilespmem:v1+s28+$0x0 ss:$0x1], $0xffff  }
0x76: {  	v7 =	vld.idx.msk [tilespmem:v1+s25+$0x0 ss:$0x1], $0xffff  }
0x77: {  	v8 =	vld.idx.msk [tilespmem:v1+s24+$0x0 ss:$0x1], $0xffff  }
0x78: {  	v9 =	vld.idx.msk [tilespmem:v1+s22+$0x0 ss:$0x1], $0xffff  }
0x79: {  	v10 =	vld.idx.msk [tilespmem:v1+s21+$0x0 ss:$0x1], $0xffff  }
0x7a: {  	v12 =	vld.idx.msk [tilespmem:v1+s23+$0x0 ss:$0x1], $0xffff  }
0x7b: {  	v11 =	vmax.f32 v4, v6  }
0x7c: {  	v11 =	vmax.f32 v11, v5  }
0x7d: {  	v11 =	vmax.f32 v11, v7  }
0x7e: {  	v11 =	vmax.f32 v11, v8  }
0x7f: {  	v11 =	vmax.f32 v11, v9  }
0x80: {  	v11 =	vmax.f32 v11, v10  }
0x81: {  	v13 =	vmax.f32 v11, v12  }
0x82: {  	vm0 =	veq.f32 v10, v13;
	vm1 =	veq.f32 v9, v13;
	vm2 =	veq.f32 v8, v13  }
0x83: {  	vm3 =	veq.f32 v5, v13;
	v11 =	vsel vm0, $0x40C00000, v0;
	vm0 =	veq.f32 v7, v13  }
0x84: {  	v14 =	vsub.f32 v4, v13;
	v11 =	vsel vm1, $0x40A00000, v11;
	vm1 =	veq.f32 v6, v13  }
0x85: {  	v15 =	vsub.f32 v6, v13;
	v16 =	vsub.f32 v5, v13;
	v11 =	vsel vm2, $0x40800000, v11  }
0x86: {  	v17 =	vsub.f32 v7, v13;
	v14 =	vmul.f32 $1.442695020e+00, v14;
	v11 =	vsel vm0, $0x40400000, v11  }
0x87: {  	v15 =	vmul.f32 $1.442695020e+00, v15;
	v16 =	vmul.f32 $1.442695020e+00, v16;
	v11 =	vsel vm3, $0x40000000, v11  }
0x88: {  	vm5 =	veq.f32 v4, v13;
	v11 =	vsel vm1, $0x3F800000, v11;
	(erf) = vpow2.f32 v14  }
0x89: {  	v18 =	vsel vm5, $0xF149F2CA, v4;
	v14 =	vsel vm5, $0x0, v11;
	(erf) = vpow2.f32 v16  }
0x8a: {  	vm6 =	veq.f32 v14, $1.000000000e+00;
	vm4 =	veq.f32 v14, $2.000000000e+00;
	vm0 =	veq.f32 v14, $7.000000000e+00  }
0x8b: {  	vm1 =	veq.f32 v14, $5.000000000e+00;
	v4 =	vsel vm6, $0xF149F2CA, v6;
	v5 =	vsel vm4, $0xF149F2CA, v5  }
0x8c: {  	v11 =	vmul.f32 $1.442695020e+00, v17;
	vm3 =	veq.f32 v14, $4.000000000e+00;
	v6 =	vmax.f32 v18, v4  }
0x8d: {  	v16 =	vsel vm3, $0xF149F2CA, v8;
	v17 =	vsel vm1, $0xF149F2CA, v9;
	(erf) = vpow2.f32 v15  }
0x8e: {  	vm7 =	veq.f32 v14, $3.000000000e+00;
	vm2 =	veq.f32 v14, $6.000000000e+00;
	v6 =	vmax.f32 v6, v5  }
0x8f: {  	v7 =	vsel vm7, $0xF149F2CA, v7;
	v8 =	vsub.f32 v8, v13;
	v15 =	vsel vm0, $0xF149F2CA, v12  }
0x90: {  	v19 =	vsel vm2, $0xF149F2CA, v10;
	v22 =	vmax.f32 v6, v7;
	(erf) = vpow2.f32 v11  }
0x91: {  	v9 =	vsub.f32 v9, v13;
	v8 =	vmul.f32 $1.442695020e+00, v8;
	v21 =	vmax.f32 v22, v16;
	v11 =	vpop (erf)  }
0x92: {  	v10 =	vsub.f32 v10, v13;
	v12 =	vsub.f32 v12, v13;
	v20 =	vmax.f32 v21, v17;
	v6 =	vpop (erf)  }
0x93: {  	v9 =	vmul.f32 $1.442695020e+00, v9;
	v20 =	vmax.f32 v20, v19;
	(erf) = vpow2.f32 v8  }
0x94: {  	v10 =	vmul.f32 $1.442695020e+00, v10;
	v12 =	vmul.f32 $1.442695020e+00, v12;
	v8 =	vmax.f32 v20, v15  }
0x95: {  	vm8 =	veq.f32 v19, v8;
	v15 =	vsub.f32 v8, v13;
	(erf) = vpow2.f32 v9  }
0x96: {  	vm9 =	veq.f32 v16, v8;
	v9 =	vsel vm8, $0x40C00000, v0;
	vm8 =	veq.f32 v17, v8;
	v13 =	vpop (erf)  }
0x97: {  	v15 =	vmul.f32 $1.442695020e+00, v15;
	v16 =	vadd.f32 v13, v11;
	(erf) = vpow2.f32 v10  }
0x98: {  	v9 =	vsel vm8, $0x40A00000, v9;
	vm8 =	veq.f32 v7, v8;
	(erf) = vpow2.f32 v12  }
0x99: {  	v7 =	vsel vm9, $0x40800000, v9;
	v10 =	vadd.f32 v16, v6;
	v12 =	vpop (erf);
	(erf) = vpow2.f32 v15  }
0x9a: {  	vm9 =	veq.f32 v4, v8;
	v7 =	vsel vm8, $0x40400000, v7;
	vm8 =	veq.f32 v5, v8  }
0x9b: {  	v4 =	vtrunc.f32 v14;
	v5 =	vsel vm8, $0x40000000, v7;
	v7 =	vadd.f32 v10, v12  }
0x9c: {  	vm8 =	veq.f32 v18, v8;
	v5 =	vsel vm9, $0x3F800000, v5;
	v9 =	vpop (erf)  }
0x9d: {  	v14 =	vsel vm8, $0x0, v5;
	v5 =	vadd.f32 v7, v9  }
0x9e: {  	v7 =	vtrunc.f32 v14;
	v10 =	vpop (erf)  }
0x9f: {  	v17 =	vadd.f32 v5, v10  }
0xa0: {  	v8 =	vpop (erf)  }
0xa1: {  	v15 =	vadd.f32 v17, v8;
	v5 =	vpop (erf)  }
.Ltmp1:
0xa2: {  	v16 =	vpop (erf);
	(pc) =	sbr.rel @p0 .LBB2_3-.Ltmp1, $3  }
0xa3: {  	v15 =	vadd.f32 v15, v5;
	v16 =	vadd.f32 $1.000000000e+00, v16;
	_ =	sdelay $0x1  }
0xa4: {  	(erf) = vrcp.f32 v16  }
0xa5: {  	(erf) = vrcp.f32 v15  }
0xa6: {  	_ =	sdelay $0x6  }
0xa7: {  	v1 =	vpop (erf)  }
0xa8: {  	v15 =	vsub.f32 $1.000000000e+00, v1;
	v16 =	vpop (erf)  }
0xa9: {  	v11 =	vmul.f32 v16, v11  }
0xaa: {  	v17 =	vnsel vm8, $0x0, v15  }
0xab: {  	vm15 =	veq.f32 v14, $1.000000000e+00;
	v13 =	vmul.f32 v16, v13;
	[tilespmem:v2+s29+$0x0 ss:$0x1] =	vst.idx.msk $0xffff, v11;
	v50 =	vsel vm5, v1, v17  }
0xac: {  	v51 =	vnsel vm15, $0x0, v15;
	[tilespmem:v3+s29+$0x0 ss:$0x1] =	vst.idx.msk $0xffff, v50  }
0xad: {  	vm10 =	veq.f32 v14, $2.000000000e+00;
	v6 =	vmul.f32 v16, v6;
	v52 =	vsel vm6, v1, v51;
	[tilespmem:v2+s28+$0x0 ss:$0x1] =	vst.idx.msk $0xffff, v13  }
0xae: {  	v53 =	vnsel vm10, $0x0, v15;
	[tilespmem:v3+s28+$0x0 ss:$0x1] =	vst.idx.msk $0xffff, v52  }
0xaf: {  	vm11 =	veq.f32 v14, $3.000000000e+00;
	v12 =	vmul.f32 v16, v12;
	v54 =	vsel vm4, v1, v53;
	[tilespmem:v2+s26+$0x0 ss:$0x1] =	vst.idx.msk $0xffff, v6  }
0xb0: {  	v55 =	vnsel vm11, $0x0, v15;
	[tilespmem:v3+s26+$0x0 ss:$0x1] =	vst.idx.msk $0xffff, v54  }
0xb1: {  	vm12 =	veq.f32 v14, $4.000000000e+00;
	v9 =	vmul.f32 v16, v9;
	v6 =	vsel vm7, v1, v55;
	[tilespmem:v2+s25+$0x0 ss:$0x1] =	vst.idx.msk $0xffff, v12  }
0xb2: {  	v56 =	vnsel vm12, $0x0, v15;
	[tilespmem:v3+s25+$0x0 ss:$0x1] =	vst.idx.msk $0xffff, v6  }
0xb3: {  	vm13 =	veq.f32 v14, $5.000000000e+00;
	v58 =	vmul.f32 v16, v10;
	v57 =	vsel vm3, v1, v56;
	[tilespmem:v2+s24+$0x0 ss:$0x1] =	vst.idx.msk $0xffff, v9  }
0xb4: {  	v59 =	vnsel vm13, $0x0, v15;
	[tilespmem:v3+s24+$0x0 ss:$0x1] =	vst.idx.msk $0xffff, v57  }
0xb5: {  	vm14 =	veq.f32 v14, $6.000000000e+00;
	v8 =	vmul.f32 v16, v8;
	v60 =	vsel vm1, v1, v59;
	[tilespmem:v2+s22+$0x0 ss:$0x1] =	vst.idx.msk $0xffff, v58  }
0xb6: {  	v61 =	vnsel vm14, $0x0, v15;
	[tilespmem:v3+s22+$0x0 ss:$0x1] =	vst.idx.msk $0xffff, v60  }
0xb7: {  	v5 =	vmul.f32 v16, v5;
	vm15 =	veq.f32 v14, $7.000000000e+00;
	v62 =	vsel vm2, v1, v61;
	[tilespmem:v2+s21+$0x0 ss:$0x1] =	vst.idx.msk $0xffff, v8  }
0xb8: {  	v63 =	vnsel vm15, $0x0, v15;
	[tilespmem:v3+s21+$0x0 ss:$0x1] =	vst.idx.msk $0xffff, v62  }
0xb9: {  	v1 =	vsel vm0, v1, v63;
	[tilespmem:v2+s23+$0x0 ss:$0x1] =	vst.idx.msk $0xffff, v5;
	v2 =	vcvt.f32.s32 v4  }
0xba: {  	s0 =	sadd.s32 s20, s4;
	s8 =	rddreg [dreg:$0x6];
	[tilespmem:v3+s23+$0x0 ss:$0x1] =	vst.idx.msk $0xffff, v1;
	v1 =	vcvt.f32.s32 v7  }
0xbb: {  	p0 =	seq.s32 s18, s8;
	[tilespmem:s0+$0x0] =	vst v2  }
0xbc: {  	p1 =	seq.s32 @!p0 s19, s13;
	[tilespmem:s0+$0x80] =	vst v1  }
0xbd: {  	p0 =	por p0, !p1;
	_ =	strace $0x9000004B  }
0xbe: {  	s0 =	sshll.u32 @p0 s19, $0x10;
	s7 =	rddreg @p0 [dreg:$0x7];
	_ =	strace @p0 $0x8000004C  }
0xbf: {  	s9 =	simm.s32 $0x0;
	s0 =	sor.u32 @p0 s0, s7;
	s3 =	rddreg @p0 [dreg:$0xe]  }
0xc0: {  	s6 =	simm.s32 @p0 $0x0;
	s4 =	rddreg @p0 [dreg:$0x1];
	s0 =	sshrl.u32 @p0 s0, $0x3  }
0xc1: {  	s9 =	rddreg @p0 [dreg:$0xf];
	s3 =	sadd.s32 @p0 $0x3, s3;
	s4 =	sadd.s32 @p0 s4, s0  }
0xc2: {  	[hbm4b:s4+s6] =	stream.linear.scatter @p0 [tilespmem:s9], [sflag:s3], $0x1000, $0x200038;
	[tilespmem:$0x6800] =	vst v63  }
0xc3: {  	s3 =	sshll.u32 @p0 s19, $0xE;
	s4 =	sshll.u32 @p0 s19, $0x8  }
0xc4: {  	s3 =	sand.u32 @p0 $0xFFFF0000, s3;
	s4 =	sand.u32 @p0 $0x300, s4;
	_ =	strace @p0 $0x9000004C  }
0xc5: {  	s3 =	sor.u32 @p0 s4, s3;
	_ =	strace @p0 $0x8000004D  }
0xc6: {  	s3 =	sor.u32 @p0 s7, s3;
	s4 =	rddreg @p0 [dreg:$0xd]  }
0xc7: {  	s9 =	simm.s32 @p0 $0x400;
	s7 =	rddreg @p0 [dreg:$0x5];
	s3 =	sshrl.u32 @p0 s3, $0x3  }
0xc8: {  	s4 =	sadd.s32 @p0 $0x5, s4;
	s3 =	sadd.s32 @p0 s7, s3;
	s7 =	simm.s32 @p0 $0x100  }
0xc9: {  	[hbm4b:s3+s7] =	stream.strided.scatter @p0 [tilespmem:s2], [sflag:s4], $0x400, s9, s7, $0x200038;
	[tilespmem:$0x6800] =	vst v63  }
0xca: {  	_ =	strace @p0 $0x9000004D  }
0xcb: {  	_ =	strace @p0 $0x8000004E  }
0xcc: {  	s2 =	rddreg @p0 [dreg:$0xb]  }
0xcd: {  	s3 =	rddreg @p0 [dreg:$0x2]  }
0xce: {  	s2 =	sadd.s32 @p0 $0x7, s2;
	s0 =	sadd.s32 @p0 s3, s0;
	s3 =	rddreg @p0 [dreg:$0xc]  }
0xcf: {  	[hbm4b:s0+s6] =	stream.linear.scatter @p0 [tilespmem:s3], [sflag:s2], $0x1000, $0x200038;
	[tilespmem:$0x6800] =	vst v63  }
0xd0: {  	s0 =	rddreg @p0 [dreg:$0xa]  }
0xd1: {  	s0 =	sadd.s32 @p0 $0x1, s0  }
0xd2: {  	[dreg:$0xa] =	wrdreg @p0 s0  }
0xd3: {  	s0 =	rddreg @p0 [dreg:$0x9]  }
0xd4: {  	s0 =	sadd.s32 @p0 $0x1, s0  }
0xd5: {  	[dreg:$0x9] =	wrdreg @p0 s0  }
0xd6: {  	s9 =	simm.s32 @p0 $0x1;
	_ =	strace @p0 $0x9000004E;
	p0 =	seq.s32 s18, $0x0  }
0xd7: {  	s0 =	sand.u32 @!p0 $0x1, s31  }
0xd8: {  	_ =	strace @!p0 $0x8000004F;
	s0 =	sadd.s32 @!p0 $0x3, s0  }
0xd9: {  	_ =	swait.ge @!p0 [sflag:s0], $0x1000  }
0xda: {  	[sflag:s0] =	ssyncset.done @!p0 $0x0  }
0xdb: {  	[sflag:s0] =	ssyncadd.s32 @!p0 $0xFFFFF000  }
0xdc: {  	s0 =	sand.u32 @!p0 $0x1, s1;
	_ =	strace @!p0 $0x9000004F  }
0xdd: {  	s0 =	sadd.s32 @!p0 $0x5, s0;
	_ =	strace @!p0 $0x80000050  }
0xde: {  	_ =	swait.ge @!p0 [sflag:s0], $0x400  }
0xdf: {  	[sflag:s0] =	ssyncset.done @!p0 $0x0  }
0xe0: {  	[sflag:s0] =	ssyncadd.s32 @!p0 $0xFFFFFC00  }
0xe1: {  	s0 =	sand.u32 @!p0 $0x1, s5;
	_ =	strace @!p0 $0x90000050  }
0xe2: {  	s0 =	sadd.s32 @!p0 $0x7, s0;
	_ =	strace @!p0 $0x80000051  }
0xe3: {  	s18 =	sadd.s32 $0x1, s18;
	s4 =	sadd.s32 @!p0 $0x1, s1;
	_ =	swait.ge @!p0 [sflag:s0], $0x1000  }
0xe4: {  	s6 =	sadd.s32 @!p0 $0x1, s31;
	s4 =	smov.u32 @p0 s1;
	[sflag:s0] =	ssyncset.done @!p0 $0x0  }
0xe5: {  	s6 =	smov.u32 @p0 s31;
	[sflag:s0] =	ssyncadd.s32 @!p0 $0xFFFFF000;
	s0 =	simm.s32 @!p0 $0x1  }
0xe6: {  	_ =	strace @!p0 $0x90000051;
	s0 =	simm.s32 @p0 $0x0;
	p0 =	sne.s32 s18, $0x4  }
.Ltmp2:
0xe7: {  	_ = 	snop;
	(pc) =	sbr.rel @p0 .LBB2_2-.Ltmp2, $3  }
0xe8: {  	_ =	sdelay $0x1  }
0xe9: {  	s14 =	sadd.s32 s14, s9  }
0xea: {  	s17 =	sadd.s32 s17, s9;
	s5 =	sadd.s32 s5, s0;
	s7 =	rddreg [dreg:$0x8]  }
0xeb: {  	s0 =	sand.u32 $0x1, s6  }
0xec: {  	_ =	strace $0x80000052;
	s0 =	sadd.s32 $0x3, s0  }
0xed: {  	_ =	swait.ge [sflag:s0], $0x1000  }
0xee: {  	[sflag:s0] =	ssyncset.done $0x0  }
0xef: {  	[sflag:s0] =	ssyncadd.s32 $0xFFFFF000  }
0xf0: {  	s30 =	sand.u32 $0x1, s4;
	_ =	strace $0x90000052  }
0xf1: {  	s0 =	sadd.s32 $0x5, s30;
	_ =	strace $0x80000053  }
0xf2: {  	_ =	swait.ge [sflag:s0], $0x400  }
0xf3: {  	[sflag:s0] =	ssyncset.done $0x0  }
0xf4: {  	[sflag:s0] =	ssyncadd.s32 $0xFFFFFC00  }
0xf5: {  	s31 =	sand.u32 $0x1, s5;
	_ =	strace $0x90000053  }
0xf6: {  	s0 =	sadd.s32 $0x7, s31;
	_ =	strace $0x80000054  }
0xf7: {  	_ =	swait.ge [sflag:s0], $0x1000  }
0xf8: {  	[sflag:s0] =	ssyncset.done $0x0  }
0xf9: {  	[sflag:s0] =	ssyncadd.s32 $0xFFFFF000  }
0xfa: {  	_ =	strace $0x90000054  }
0xfb: {  	s1 =	stileid.u32;
	s2 =	rddreg [dreg:$0x3]  }
.LBB2_6:
0xfc: {  	_ =	sfence.sel $0x180000  }
0xfd: {  	[bflag:$0x0] =	sbarrier.arrive $0xFFFF  }
0xfe: {  	p0 =	sne.s32 s1, $0x0;
	_ =	strace $0x90000047  }
0xff: {  	s0 =	sadd.s32 @!p0 $0x100000, s2;
	[bflag:$0x2] =	sbarrier.arrive $0xFFFF  }
0x100: {  	[sflag:s0] =	ssyncadd.tile.s32 @!p0 $0x1;
	_ =	shalt  }
.Lfunc_end2:
_tile_overlayer_lowered:
.L_overlay_start_2:
0x101: {  	(tag) =	ssettag $0x2  }
0x102: {  	s0 =	rddreg [dreg:$0x0];
	s2 =	stileid.u32  }
0x103: {  	s1 =	rddreg [dreg:$0x1];
	p0 =	sne.s32 s2, $0x0  }
0x104: {  	s3 =	rddreg [dreg:$0x2];
	[bflag:$0x3] =	sbarrier.arrive $0xFFFF;
	s2 =	simm.s32 @!p0 $0x1C01  }
0x105: {  	[timem:s3], [sflag:s2] =	dma.local @!p0 [hbm:s0], s1  }
0x106: {  	s0 =	simm.s32 @!p0 $0x1  }
0x107: {  	_ =	swait.ge @!p0 [sflag:s0], s1  }
0x108: {  	s1 =	ssub.s32 @!p0 $0x0, s1;
	[sflag:s0] =	ssyncset.done @!p0 $0x0  }
0x109: {  	[sflag:s0] =	ssyncadd.s32 @!p0 s1  }
0x10a: {  	[bflag:$0x3] =	sbarrier.arrive $0xFFFF  }
0x10b: {  	_ =	shalt  }

</sc_bundles>
